<compile_context>
chip_gen: v7x
topology: tpu7x:2x2x1
jax: 0.10.2.dev20260603
libtpu: 0.0.44.dev20260713+nightly
codegen_flags: <defaults>
</compile_context>

<pallas_src>
import functools

import jax
import jax.numpy as jnp
from jax import lax
from jax.experimental import pallas as pl
from jax.experimental.pallas import tpu as pltpu
from jax.experimental.pallas import tpu_sc as plsc

_N = 500000
_M = 32
_KSUB = 256
_DSUB = 4
_D = _M * _DSUB
_NC = 2
_NS = 16
_NW = _NC * _NS
_RPW = 15624
_R = 168
_NCHUNK = _RPW // _R
_TAIL = _N - _RPW * _NW


def _decode_body(codes_hbm, tbl_hbm, out_hbm, tbl_v,
                 ca, cb, oa, ob, sia, sib, soa, sob):
    wid = lax.axis_index("s") * _NC + lax.axis_index("c")
    pltpu.sync_copy(tbl_hbm, tbl_v)

    iota = lax.iota(jnp.int32, 16)
    base_row = wid * _RPW

    def start_in(k, cv, sem):
        row0 = pl.multiple_of(base_row + k * _R, 8)
        pltpu.async_copy(codes_hbm.at[pl.ds(row0, _R)], cv, sem)

    def wait_in(cv, sem):
        pltpu.make_async_copy(
            codes_hbm.at[pl.ds(0, _R)], cv, sem).wait()

    def start_out(k, ov, sem):
        row0 = pl.multiple_of(base_row + k * _R, 8)
        pltpu.async_copy(ov, out_hbm.at[pl.ds(row0, _R)], sem)

    def wait_out(ov, sem):
        pltpu.make_async_copy(
            ov, out_hbm.at[pl.ds(0, _R)], sem).wait()

    def compute(cv, ov, nrows):
        @plsc.parallel_loop(0, nrows, unroll=2)
        def row_body(r):
            rv = jnp.full((16,), r, jnp.int32)
            for h in range(2):
                ch = plsc.load_gather(cv, [rv, iota + h * 16])
                base4 = (ch << 2) + (iota << 10) + (h * 16384)
                sbase = (iota << 2) + h * 64
                for d in range(4):
                    val = plsc.load_gather(tbl_v, [base4 + d])
                    plsc.store_scatter(ov, [rv, sbase + d], val)

    start_in(0, ca, sia)
    wait_in(ca, sia)
    start_in(1, cb, sib)
    compute(ca, oa, _R)
    start_out(0, oa, soa)
    wait_in(cb, sib)
    start_in(2, ca, sia)
    compute(cb, ob, _R)
    start_out(1, ob, sob)

    def pair_body(g, _):
        k0 = 2 * g
        wait_in(ca, sia)
        start_in(k0 + 1, cb, sib)
        wait_out(oa, soa)
        compute(ca, oa, _R)
        start_out(k0, oa, soa)
        wait_in(cb, sib)
        start_in(k0 + 2, ca, sia)
        wait_out(ob, sob)
        compute(cb, ob, _R)
        start_out(k0 + 1, ob, sob)
        return 0

    lax.fori_loop(1, _NCHUNK // 2, pair_body, 0)

    wait_in(ca, sia)
    wait_out(oa, soa)
    compute(ca, oa, _R)
    start_out(_NCHUNK - 1, oa, soa)
    wait_out(oa, soa)
    wait_out(ob, sob)

    @pl.when(wid == _NW - 1)
    def _tail():
        t0 = _RPW * _NW
        pltpu.sync_copy(codes_hbm.at[pl.ds(t0, _TAIL)],
                        ca.at[pl.ds(0, _TAIL)])
        compute(ca, oa, _TAIL)
        pltpu.sync_copy(oa.at[pl.ds(0, _TAIL)],
                        out_hbm.at[pl.ds(t0, _TAIL)])


_mesh = plsc.VectorSubcoreMesh(core_axis_name="c", subcore_axis_name="s")

_decode = functools.partial(
    pl.kernel,
    mesh=_mesh,
    compiler_params=pltpu.CompilerParams(
        use_tc_tiling_on_sc=True, needs_layout_passes=False),
    out_type=jax.ShapeDtypeStruct((_N, _D), jnp.float32),
    scratch_types=[
        pltpu.VMEM((_M * _KSUB * _DSUB,), jnp.float32),
        pltpu.VMEM((_R, _M), jnp.int32),
        pltpu.VMEM((_R, _M), jnp.int32),
        pltpu.VMEM((_R, _D), jnp.float32),
        pltpu.VMEM((_R, _D), jnp.float32),
        pltpu.SemaphoreType.DMA,
        pltpu.SemaphoreType.DMA,
        pltpu.SemaphoreType.DMA,
        pltpu.SemaphoreType.DMA,
    ],
)(_decode_body)


@jax.jit
def kernel(codes, centroids):
    return _decode(codes, centroids.reshape(-1))

# --- scband reference (transcript-rebuilt; emitter-appended) ---
"""Pipeline reference for scband-torch-pqcodec-23725399343286 (READ-ONLY COPY).

The authoritative reference and input builder live on the scoring server;
editing this copy changes nothing except your own understanding.
"""

import jax, jax.numpy as jnp
import numpy as np

N = 500000
M = 32
KSUB = 256
DSUB = 4

def setup_inputs(seed: int = 0) -> dict:
    key = jax.random.key(seed)
    codes = jax.random.randint(jax.random.fold_in(key, 1), (N, M), 0, KSUB, dtype=jnp.int32)
    centroids = jax.random.normal(jax.random.fold_in(key, 2), (M, KSUB, DSUB), dtype=jnp.float32)
    return {"codes": codes, "centroids": centroids}

def reference(codes, centroids):
    # Faithful JAX translation of TorchPQCodec.decode (pre transform is None):
    #   x = torch.gather(cen.expand(n,-1,-1,-1), dim=2, index=codes[...,None,None].expand(...,dsub))
    # i.e. for each row i and subspace m: x[i, m, :] = centroids[m, codes[i, m], :]
    n, MM = codes.shape
    Mc, ksub, dsub = centroids.shape
    assert MM == Mc, f"input codes have {MM} subspace, but quantizer have {Mc} subspace"
    m_idx = jnp.arange(Mc, dtype=codes.dtype)[None, :]            # [1, M]
    x = centroids[m_idx, codes]                                   # [n, M, dsub] gather
    x = x.reshape(n, Mc * dsub)                                   # [n, D]
    return x

if __name__ == "__main__":
    import jax
    _d = setup_inputs()
    print(jax.jit(kernel)(*tuple(_d.values())))

</pallas_src>

<mosaic_0001>
#map = affine_map<(d0, d1) -> (0, 0)>
#map1 = affine_map<(d0, d1) -> (0)>
module attributes {stable_mosaic.version = 14 : i64} {
  func.func @_decode_body(%arg0: i32, %arg1: i32, %arg2: memref<500000x32xi32, #tpu.memory_space<hbm>>, %arg3: memref<32768xf32, #tpu.memory_space<hbm>>, %arg4: memref<500000x128xf32, #tpu.memory_space<hbm>>, %arg5: memref<32768xf32, #tpu.memory_space<vmem>>, %arg6: memref<168x32xi32, #tpu.memory_space<vmem>>, %arg7: memref<168x32xi32, #tpu.memory_space<vmem>>, %arg8: memref<168x128xf32, #tpu.memory_space<vmem>>, %arg9: memref<168x128xf32, #tpu.memory_space<vmem>>, %arg10: memref<!tpu.dma_semaphore, #tpu.memory_space<semaphore_mem>>, %arg11: memref<!tpu.dma_semaphore, #tpu.memory_space<semaphore_mem>>, %arg12: memref<!tpu.dma_semaphore, #tpu.memory_space<semaphore_mem>>, %arg13: memref<!tpu.dma_semaphore, #tpu.memory_space<semaphore_mem>>) attributes {dimension_semantics = [#tpu.dimension_semantics<core_parallel>, #tpu.dimension_semantics<subcore_parallel>], iteration_bounds = array<i64: 2, 16>, scalar_prefetch = 0 : i64, scratch_operands = 9 : i64, tpu.core_type = #tpu.core_type<sc_vector_subcore>, window_params = [{transform_indices = #map}, {transform_indices = #map1}, {transform_indices = #map}]} {
    %mul3A = arith.constant 2 : i32
    %mul3A_0 = arith.muli %arg1, %mul3A : i32
    %add3A = arith.addi %mul3A_0, %arg0 : i32
    "tpu.region"() ({
      %run_scoped3A = tpu.sem_alloc : memref<!tpu.dma_semaphore, #tpu.memory_space<semaphore_mem>>
      tpu.enqueue_dma source(%arg3 : memref<32768xf32, #tpu.memory_space<hbm>>) target(%arg5 : memref<32768xf32, #tpu.memory_space<vmem>>) target_semaphore(%run_scoped3A : memref<!tpu.dma_semaphore, #tpu.memory_space<semaphore_mem>>)
      tpu.wait_dma2 semaphore(%run_scoped3A : memref<!tpu.dma_semaphore, #tpu.memory_space<semaphore_mem>>) src(%arg3 : memref<32768xf32, #tpu.memory_space<hbm>>) dst(%arg5 : memref<32768xf32, #tpu.memory_space<vmem>>)
      tpu.yield
    }) : () -> ()
    %iota3A = tpu.iota {dimensions = array<i32: 0>} : vector<16xi32>
    %mul3A_1 = arith.constant 15624 : i32
    %mul3A_2 = arith.muli %add3A, %mul3A_1 : i32
    %add3A_3 = arith.constant 0 : i32
    %add3A_4 = arith.addi %mul3A_2, %add3A_3 : i32
    %multiple_of3A = tpu.assume_multiple %add3A_4, 8 : i32
    %dma_start3A = arith.constant 0 : i32
    %dma_start3A_5 = tpu.memref_slice %arg2[%multiple_of3A, %dma_start3A] : memref<500000x32xi32, #tpu.memory_space<hbm>> -> memref<168x32xi32, #tpu.memory_space<hbm>>
    %dma_start3A_6 = arith.constant 0 : i32
    %dma_start3A_7 = tpu.memref_slice %arg2[%multiple_of3A, %dma_start3A_6] : memref<500000x32xi32, #tpu.memory_space<hbm>> -> memref<168x32xi32, #tpu.memory_space<hbm>>
    tpu.enqueue_dma source(%dma_start3A_7 : memref<168x32xi32, #tpu.memory_space<hbm>>) target(%arg6 : memref<168x32xi32, #tpu.memory_space<vmem>>) target_semaphore(%arg10 : memref<!tpu.dma_semaphore, #tpu.memory_space<semaphore_mem>>)
    %dma_wait3A = arith.constant 0 : i32
    %dma_wait3A_8 = arith.constant 0 : i32
    %dma_wait3A_9 = tpu.memref_slice %arg2[%dma_wait3A, %dma_wait3A_8] : memref<500000x32xi32, #tpu.memory_space<hbm>> -> memref<168x32xi32, #tpu.memory_space<hbm>>
    %dma_wait3A_10 = arith.constant 0 : i32
    %dma_wait3A_11 = arith.constant 0 : i32
    %dma_wait3A_12 = tpu.memref_slice %arg2[%dma_wait3A_10, %dma_wait3A_11] : memref<500000x32xi32, #tpu.memory_space<hbm>> -> memref<168x32xi32, #tpu.memory_space<hbm>>
    tpu.wait_dma2 semaphore(%arg10 : memref<!tpu.dma_semaphore, #tpu.memory_space<semaphore_mem>>) src(%dma_wait3A_12 : memref<168x32xi32, #tpu.memory_space<hbm>>) dst(%arg6 : memref<168x32xi32, #tpu.memory_space<vmem>>)
    %add3A_13 = arith.constant 168 : i32
    %add3A_14 = arith.addi %mul3A_2, %add3A_13 : i32
    %multiple_of3A_15 = tpu.assume_multiple %add3A_14, 8 : i32
    %dma_start3A_16 = arith.constant 0 : i32
    %dma_start3A_17 = tpu.memref_slice %arg2[%multiple_of3A_15, %dma_start3A_16] : memref<500000x32xi32, #tpu.memory_space<hbm>> -> memref<168x32xi32, #tpu.memory_space<hbm>>
    %dma_start3A_18 = arith.constant 0 : i32
    %dma_start3A_19 = tpu.memref_slice %arg2[%multiple_of3A_15, %dma_start3A_18] : memref<500000x32xi32, #tpu.memory_space<hbm>> -> memref<168x32xi32, #tpu.memory_space<hbm>>
    tpu.enqueue_dma source(%dma_start3A_19 : memref<168x32xi32, #tpu.memory_space<hbm>>) target(%arg7 : memref<168x32xi32, #tpu.memory_space<vmem>>) target_semaphore(%arg11 : memref<!tpu.dma_semaphore, #tpu.memory_space<semaphore_mem>>)
    %parallel_loop3A = arith.constant 0 : i32
    %parallel_loop3A_20 = arith.constant 168 : i32
    %parallel_loop3A_21 = arith.constant 1 : i32
    scf.for %parallel_loop3A_94 = %parallel_loop3A to %parallel_loop3A_20 step %parallel_loop3A_21  : i32 {
      %parallel_loop3A_95 = vector.broadcast %parallel_loop3A_94 : i32 to vector<16xi32>
      %parallel_loop3A_96 = arith.constant 0 : i32
      %parallel_loop3A_97 = vector.broadcast %parallel_loop3A_96 : i32 to vector<16xi32>
      %parallel_loop3A_98 = arith.addi %iota3A, %parallel_loop3A_97 : vector<16xi32>
      %parallel_loop3A_99 = tpu.vector_load_idx %arg6[%parallel_loop3A_95, %parallel_loop3A_98] : memref<168x32xi32, #tpu.memory_space<vmem>>[vector<16xi32>, vector<16xi32>], vector<16xi32>,
      %parallel_loop3A_100 = arith.constant 2 : i32
      %parallel_loop3A_101 = vector.broadcast %parallel_loop3A_100 : i32 to vector<16xi32>
      %parallel_loop3A_102 = arith.shli %parallel_loop3A_99, %parallel_loop3A_101 : vector<16xi32>
      %parallel_loop3A_103 = arith.constant 10 : i32
      %parallel_loop3A_104 = vector.broadcast %parallel_loop3A_103 : i32 to vector<16xi32>
      %parallel_loop3A_105 = arith.shli %iota3A, %parallel_loop3A_104 : vector<16xi32>
      %parallel_loop3A_106 = arith.addi %parallel_loop3A_102, %parallel_loop3A_105 : vector<16xi32>
      %parallel_loop3A_107 = arith.constant 0 : i32
      %parallel_loop3A_108 = vector.broadcast %parallel_loop3A_107 : i32 to vector<16xi32>
      %parallel_loop3A_109 = arith.addi %parallel_loop3A_106, %parallel_loop3A_108 : vector<16xi32>
      %parallel_loop3A_110 = arith.constant 2 : i32
      %parallel_loop3A_111 = vector.broadcast %parallel_loop3A_110 : i32 to vector<16xi32>
      %parallel_loop3A_112 = arith.shli %iota3A, %parallel_loop3A_111 : vector<16xi32>
      %parallel_loop3A_113 = arith.constant 0 : i32
      %parallel_loop3A_114 = vector.broadcast %parallel_loop3A_113 : i32 to vector<16xi32>
      %parallel_loop3A_115 = arith.addi %parallel_loop3A_112, %parallel_loop3A_114 : vector<16xi32>
      %parallel_loop3A_116 = arith.constant 0 : i32
      %parallel_loop3A_117 = vector.broadcast %parallel_loop3A_116 : i32 to vector<16xi32>
      %parallel_loop3A_118 = arith.addi %parallel_loop3A_109, %parallel_loop3A_117 : vector<16xi32>
      %parallel_loop3A_119 = tpu.vector_load_idx %arg5[%parallel_loop3A_118] : memref<32768xf32, #tpu.memory_space<vmem>>[vector<16xi32>], vector<16xf32>,
      %parallel_loop3A_120 = arith.constant 0 : i32
      %parallel_loop3A_121 = vector.broadcast %parallel_loop3A_120 : i32 to vector<16xi32>
      %parallel_loop3A_122 = arith.addi %parallel_loop3A_115, %parallel_loop3A_121 : vector<16xi32>
      tpu.vector_store_idx %arg8[%parallel_loop3A_95, %parallel_loop3A_122], %parallel_loop3A_119 : memref<168x128xf32, #tpu.memory_space<vmem>>[vector<16xi32>, vector<16xi32>], vector<16xf32>,
      %parallel_loop3A_123 = arith.constant 1 : i32
      %parallel_loop3A_124 = vector.broadcast %parallel_loop3A_123 : i32 to vector<16xi32>
      %parallel_loop3A_125 = arith.addi %parallel_loop3A_109, %parallel_loop3A_124 : vector<16xi32>
      %parallel_loop3A_126 = tpu.vector_load_idx %arg5[%parallel_loop3A_125] : memref<32768xf32, #tpu.memory_space<vmem>>[vector<16xi32>], vector<16xf32>,
      %parallel_loop3A_127 = arith.constant 1 : i32
      %parallel_loop3A_128 = vector.broadcast %parallel_loop3A_127 : i32 to vector<16xi32>
      %parallel_loop3A_129 = arith.addi %parallel_loop3A_115, %parallel_loop3A_128 : vector<16xi32>
      tpu.vector_store_idx %arg8[%parallel_loop3A_95, %parallel_loop3A_129], %parallel_loop3A_126 : memref<168x128xf32, #tpu.memory_space<vmem>>[vector<16xi32>, vector<16xi32>], vector<16xf32>,
      %parallel_loop3A_130 = arith.constant 2 : i32
      %parallel_loop3A_131 = vector.broadcast %parallel_loop3A_130 : i32 to vector<16xi32>
      %parallel_loop3A_132 = arith.addi %parallel_loop3A_109, %parallel_loop3A_131 : vector<16xi32>
      %parallel_loop3A_133 = tpu.vector_load_idx %arg5[%parallel_loop3A_132] : memref<32768xf32, #tpu.memory_space<vmem>>[vector<16xi32>], vector<16xf32>,
      %parallel_loop3A_134 = arith.constant 2 : i32
      %parallel_loop3A_135 = vector.broadcast %parallel_loop3A_134 : i32 to vector<16xi32>
      %parallel_loop3A_136 = arith.addi %parallel_loop3A_115, %parallel_loop3A_135 : vector<16xi32>
      tpu.vector_store_idx %arg8[%parallel_loop3A_95, %parallel_loop3A_136], %parallel_loop3A_133 : memref<168x128xf32, #tpu.memory_space<vmem>>[vector<16xi32>, vector<16xi32>], vector<16xf32>,
      %parallel_loop3A_137 = arith.constant 3 : i32
      %parallel_loop3A_138 = vector.broadcast %parallel_loop3A_137 : i32 to vector<16xi32>
      %parallel_loop3A_139 = arith.addi %parallel_loop3A_109, %parallel_loop3A_138 : vector<16xi32>
      %parallel_loop3A_140 = tpu.vector_load_idx %arg5[%parallel_loop3A_139] : memref<32768xf32, #tpu.memory_space<vmem>>[vector<16xi32>], vector<16xf32>,
      %parallel_loop3A_141 = arith.constant 3 : i32
      %parallel_loop3A_142 = vector.broadcast %parallel_loop3A_141 : i32 to vector<16xi32>
      %parallel_loop3A_143 = arith.addi %parallel_loop3A_115, %parallel_loop3A_142 : vector<16xi32>
      tpu.vector_store_idx %arg8[%parallel_loop3A_95, %parallel_loop3A_143], %parallel_loop3A_140 : memref<168x128xf32, #tpu.memory_space<vmem>>[vector<16xi32>, vector<16xi32>], vector<16xf32>,
      %parallel_loop3A_144 = arith.constant 16 : i32
      %parallel_loop3A_145 = vector.broadcast %parallel_loop3A_144 : i32 to vector<16xi32>
      %parallel_loop3A_146 = arith.addi %iota3A, %parallel_loop3A_145 : vector<16xi32>
      %parallel_loop3A_147 = tpu.vector_load_idx %arg6[%parallel_loop3A_95, %parallel_loop3A_146] : memref<168x32xi32, #tpu.memory_space<vmem>>[vector<16xi32>, vector<16xi32>], vector<16xi32>,
      %parallel_loop3A_148 = arith.constant 2 : i32
      %parallel_loop3A_149 = vector.broadcast %parallel_loop3A_148 : i32 to vector<16xi32>
      %parallel_loop3A_150 = arith.shli %parallel_loop3A_147, %parallel_loop3A_149 : vector<16xi32>
      %parallel_loop3A_151 = arith.constant 10 : i32
      %parallel_loop3A_152 = vector.broadcast %parallel_loop3A_151 : i32 to vector<16xi32>
      %parallel_loop3A_153 = arith.shli %iota3A, %parallel_loop3A_152 : vector<16xi32>
      %parallel_loop3A_154 = arith.addi %parallel_loop3A_150, %parallel_loop3A_153 : vector<16xi32>
      %parallel_loop3A_155 = arith.constant 16384 : i32
      %parallel_loop3A_156 = vector.broadcast %parallel_loop3A_155 : i32 to vector<16xi32>
      %parallel_loop3A_157 = arith.addi %parallel_loop3A_154, %parallel_loop3A_156 : vector<16xi32>
      %parallel_loop3A_158 = arith.constant 2 : i32
      %parallel_loop3A_159 = vector.broadcast %parallel_loop3A_158 : i32 to vector<16xi32>
      %parallel_loop3A_160 = arith.shli %iota3A, %parallel_loop3A_159 : vector<16xi32>
      %parallel_loop3A_161 = arith.constant 64 : i32
      %parallel_loop3A_162 = vector.broadcast %parallel_loop3A_161 : i32 to vector<16xi32>
      %parallel_loop3A_163 = arith.addi %parallel_loop3A_160, %parallel_loop3A_162 : vector<16xi32>
      %parallel_loop3A_164 = arith.constant 0 : i32
      %parallel_loop3A_165 = vector.broadcast %parallel_loop3A_164 : i32 to vector<16xi32>
      %parallel_loop3A_166 = arith.addi %parallel_loop3A_157, %parallel_loop3A_165 : vector<16xi32>
      %parallel_loop3A_167 = tpu.vector_load_idx %arg5[%parallel_loop3A_166] : memref<32768xf32, #tpu.memory_space<vmem>>[vector<16xi32>], vector<16xf32>,
      %parallel_loop3A_168 = arith.constant 0 : i32
      %parallel_loop3A_169 = vector.broadcast %parallel_loop3A_168 : i32 to vector<16xi32>
      %parallel_loop3A_170 = arith.addi %parallel_loop3A_163, %parallel_loop3A_169 : vector<16xi32>
      tpu.vector_store_idx %arg8[%parallel_loop3A_95, %parallel_loop3A_170], %parallel_loop3A_167 : memref<168x128xf32, #tpu.memory_space<vmem>>[vector<16xi32>, vector<16xi32>], vector<16xf32>,
      %parallel_loop3A_171 = arith.constant 1 : i32
      %parallel_loop3A_172 = vector.broadcast %parallel_loop3A_171 : i32 to vector<16xi32>
      %parallel_loop3A_173 = arith.addi %parallel_loop3A_157, %parallel_loop3A_172 : vector<16xi32>
      %parallel_loop3A_174 = tpu.vector_load_idx %arg5[%parallel_loop3A_173] : memref<32768xf32, #tpu.memory_space<vmem>>[vector<16xi32>], vector<16xf32>,
      %parallel_loop3A_175 = arith.constant 1 : i32
      %parallel_loop3A_176 = vector.broadcast %parallel_loop3A_175 : i32 to vector<16xi32>
      %parallel_loop3A_177 = arith.addi %parallel_loop3A_163, %parallel_loop3A_176 : vector<16xi32>
      tpu.vector_store_idx %arg8[%parallel_loop3A_95, %parallel_loop3A_177], %parallel_loop3A_174 : memref<168x128xf32, #tpu.memory_space<vmem>>[vector<16xi32>, vector<16xi32>], vector<16xf32>,
      %parallel_loop3A_178 = arith.constant 2 : i32
      %parallel_loop3A_179 = vector.broadcast %parallel_loop3A_178 : i32 to vector<16xi32>
      %parallel_loop3A_180 = arith.addi %parallel_loop3A_157, %parallel_loop3A_179 : vector<16xi32>
      %parallel_loop3A_181 = tpu.vector_load_idx %arg5[%parallel_loop3A_180] : memref<32768xf32, #tpu.memory_space<vmem>>[vector<16xi32>], vector<16xf32>,
      %parallel_loop3A_182 = arith.constant 2 : i32
      %parallel_loop3A_183 = vector.broadcast %parallel_loop3A_182 : i32 to vector<16xi32>
      %parallel_loop3A_184 = arith.addi %parallel_loop3A_163, %parallel_loop3A_183 : vector<16xi32>
      tpu.vector_store_idx %arg8[%parallel_loop3A_95, %parallel_loop3A_184], %parallel_loop3A_181 : memref<168x128xf32, #tpu.memory_space<vmem>>[vector<16xi32>, vector<16xi32>], vector<16xf32>,
      %parallel_loop3A_185 = arith.constant 3 : i32
      %parallel_loop3A_186 = vector.broadcast %parallel_loop3A_185 : i32 to vector<16xi32>
      %parallel_loop3A_187 = arith.addi %parallel_loop3A_157, %parallel_loop3A_186 : vector<16xi32>
      %parallel_loop3A_188 = tpu.vector_load_idx %arg5[%parallel_loop3A_187] : memref<32768xf32, #tpu.memory_space<vmem>>[vector<16xi32>], vector<16xf32>,
      %parallel_loop3A_189 = arith.constant 3 : i32
      %parallel_loop3A_190 = vector.broadcast %parallel_loop3A_189 : i32 to vector<16xi32>
      %parallel_loop3A_191 = arith.addi %parallel_loop3A_163, %parallel_loop3A_190 : vector<16xi32>
      tpu.vector_store_idx %arg8[%parallel_loop3A_95, %parallel_loop3A_191], %parallel_loop3A_188 : memref<168x128xf32, #tpu.memory_space<vmem>>[vector<16xi32>, vector<16xi32>], vector<16xf32>,
    } {sc.loop_unroll_factor = 2 : i64, sc.parallel_access}
    %add3A_22 = arith.constant 0 : i32
    %add3A_23 = arith.addi %mul3A_2, %add3A_22 : i32
    %multiple_of3A_24 = tpu.assume_multiple %add3A_23, 8 : i32
    %dma_start3A_25 = arith.constant 0 : i32
    %dma_start3A_26 = tpu.memref_slice %arg4[%multiple_of3A_24, %dma_start3A_25] : memref<500000x128xf32, #tpu.memory_space<hbm>> -> memref<168x128xf32, #tpu.memory_space<hbm>>
    %dma_start3A_27 = arith.constant 0 : i32
    %dma_start3A_28 = tpu.memref_slice %arg4[%multiple_of3A_24, %dma_start3A_27] : memref<500000x128xf32, #tpu.memory_space<hbm>> -> memref<168x128xf32, #tpu.memory_space<hbm>>
    tpu.enqueue_dma source(%arg8 : memref<168x128xf32, #tpu.memory_space<vmem>>) target(%dma_start3A_28 : memref<168x128xf32, #tpu.memory_space<hbm>>) target_semaphore(%arg12 : memref<!tpu.dma_semaphore, #tpu.memory_space<semaphore_mem>>)
    %dma_wait3A_29 = arith.constant 0 : i32
    %dma_wait3A_30 = arith.constant 0 : i32
    %dma_wait3A_31 = tpu.memref_slice %arg2[%dma_wait3A_29, %dma_wait3A_30] : memref<500000x32xi32, #tpu.memory_space<hbm>> -> memref<168x32xi32, #tpu.memory_space<hbm>>
    %dma_wait3A_32 = arith.constant 0 : i32
    %dma_wait3A_33 = arith.constant 0 : i32
    %dma_wait3A_34 = tpu.memref_slice %arg2[%dma_wait3A_32, %dma_wait3A_33] : memref<500000x32xi32, #tpu.memory_space<hbm>> -> memref<168x32xi32, #tpu.memory_space<hbm>>
    tpu.wait_dma2 semaphore(%arg11 : memref<!tpu.dma_semaphore, #tpu.memory_space<semaphore_mem>>) src(%dma_wait3A_34 : memref<168x32xi32, #tpu.memory_space<hbm>>) dst(%arg7 : memref<168x32xi32, #tpu.memory_space<vmem>>)
    %add3A_35 = arith.constant 336 : i32
    %add3A_36 = arith.addi %mul3A_2, %add3A_35 : i32
    %multiple_of3A_37 = tpu.assume_multiple %add3A_36, 8 : i32
    %dma_start3A_38 = arith.constant 0 : i32
    %dma_start3A_39 = tpu.memref_slice %arg2[%multiple_of3A_37, %dma_start3A_38] : memref<500000x32xi32, #tpu.memory_space<hbm>> -> memref<168x32xi32, #tpu.memory_space<hbm>>
    %dma_start3A_40 = arith.constant 0 : i32
    %dma_start3A_41 = tpu.memref_slice %arg2[%multiple_of3A_37, %dma_start3A_40] : memref<500000x32xi32, #tpu.memory_space<hbm>> -> memref<168x32xi32, #tpu.memory_space<hbm>>
    tpu.enqueue_dma source(%dma_start3A_41 : memref<168x32xi32, #tpu.memory_space<hbm>>) target(%arg6 : memref<168x32xi32, #tpu.memory_space<vmem>>) target_semaphore(%arg10 : memref<!tpu.dma_semaphore, #tpu.memory_space<semaphore_mem>>)
    %parallel_loop3A_42 = arith.constant 0 : i32
    %parallel_loop3A_43 = arith.constant 168 : i32
    %parallel_loop3A_44 = arith.constant 1 : i32
    scf.for %parallel_loop3A_94 = %parallel_loop3A_42 to %parallel_loop3A_43 step %parallel_loop3A_44  : i32 {
      %parallel_loop3A_95 = vector.broadcast %parallel_loop3A_94 : i32 to vector<16xi32>
      %parallel_loop3A_96 = arith.constant 0 : i32
      %parallel_loop3A_97 = vector.broadcast %parallel_loop3A_96 : i32 to vector<16xi32>
      %parallel_loop3A_98 = arith.addi %iota3A, %parallel_loop3A_97 : vector<16xi32>
      %parallel_loop3A_99 = tpu.vector_load_idx %arg7[%parallel_loop3A_95, %parallel_loop3A_98] : memref<168x32xi32, #tpu.memory_space<vmem>>[vector<16xi32>, vector<16xi32>], vector<16xi32>,
      %parallel_loop3A_100 = arith.constant 2 : i32
      %parallel_loop3A_101 = vector.broadcast %parallel_loop3A_100 : i32 to vector<16xi32>
      %parallel_loop3A_102 = arith.shli %parallel_loop3A_99, %parallel_loop3A_101 : vector<16xi32>
      %parallel_loop3A_103 = arith.constant 10 : i32
      %parallel_loop3A_104 = vector.broadcast %parallel_loop3A_103 : i32 to vector<16xi32>
      %parallel_loop3A_105 = arith.shli %iota3A, %parallel_loop3A_104 : vector<16xi32>
      %parallel_loop3A_106 = arith.addi %parallel_loop3A_102, %parallel_loop3A_105 : vector<16xi32>
      %parallel_loop3A_107 = arith.constant 0 : i32
      %parallel_loop3A_108 = vector.broadcast %parallel_loop3A_107 : i32 to vector<16xi32>
      %parallel_loop3A_109 = arith.addi %parallel_loop3A_106, %parallel_loop3A_108 : vector<16xi32>
      %parallel_loop3A_110 = arith.constant 2 : i32
      %parallel_loop3A_111 = vector.broadcast %parallel_loop3A_110 : i32 to vector<16xi32>
      %parallel_loop3A_112 = arith.shli %iota3A, %parallel_loop3A_111 : vector<16xi32>
      %parallel_loop3A_113 = arith.constant 0 : i32
      %parallel_loop3A_114 = vector.broadcast %parallel_loop3A_113 : i32 to vector<16xi32>
      %parallel_loop3A_115 = arith.addi %parallel_loop3A_112, %parallel_loop3A_114 : vector<16xi32>
      %parallel_loop3A_116 = arith.constant 0 : i32
      %parallel_loop3A_117 = vector.broadcast %parallel_loop3A_116 : i32 to vector<16xi32>
      %parallel_loop3A_118 = arith.addi %parallel_loop3A_109, %parallel_loop3A_117 : vector<16xi32>
      %parallel_loop3A_119 = tpu.vector_load_idx %arg5[%parallel_loop3A_118] : memref<32768xf32, #tpu.memory_space<vmem>>[vector<16xi32>], vector<16xf32>,
      %parallel_loop3A_120 = arith.constant 0 : i32
      %parallel_loop3A_121 = vector.broadcast %parallel_loop3A_120 : i32 to vector<16xi32>
      %parallel_loop3A_122 = arith.addi %parallel_loop3A_115, %parallel_loop3A_121 : vector<16xi32>
      tpu.vector_store_idx %arg9[%parallel_loop3A_95, %parallel_loop3A_122], %parallel_loop3A_119 : memref<168x128xf32, #tpu.memory_space<vmem>>[vector<16xi32>, vector<16xi32>], vector<16xf32>,
      %parallel_loop3A_123 = arith.constant 1 : i32
      %parallel_loop3A_124 = vector.broadcast %parallel_loop3A_123 : i32 to vector<16xi32>
      %parallel_loop3A_125 = arith.addi %parallel_loop3A_109, %parallel_loop3A_124 : vector<16xi32>
      %parallel_loop3A_126 = tpu.vector_load_idx %arg5[%parallel_loop3A_125] : memref<32768xf32, #tpu.memory_space<vmem>>[vector<16xi32>], vector<16xf32>,
      %parallel_loop3A_127 = arith.constant 1 : i32
      %parallel_loop3A_128 = vector.broadcast %parallel_loop3A_127 : i32 to vector<16xi32>
      %parallel_loop3A_129 = arith.addi %parallel_loop3A_115, %parallel_loop3A_128 : vector<16xi32>
      tpu.vector_store_idx %arg9[%parallel_loop3A_95, %parallel_loop3A_129], %parallel_loop3A_126 : memref<168x128xf32, #tpu.memory_space<vmem>>[vector<16xi32>, vector<16xi32>], vector<16xf32>,
      %parallel_loop3A_130 = arith.constant 2 : i32
      %parallel_loop3A_131 = vector.broadcast %parallel_loop3A_130 : i32 to vector<16xi32>
      %parallel_loop3A_132 = arith.addi %parallel_loop3A_109, %parallel_loop3A_131 : vector<16xi32>
      %parallel_loop3A_133 = tpu.vector_load_idx %arg5[%parallel_loop3A_132] : memref<32768xf32, #tpu.memory_space<vmem>>[vector<16xi32>], vector<16xf32>,
      %parallel_loop3A_134 = arith.constant 2 : i32
      %parallel_loop3A_135 = vector.broadcast %parallel_loop3A_134 : i32 to vector<16xi32>
      %parallel_loop3A_136 = arith.addi %parallel_loop3A_115, %parallel_loop3A_135 : vector<16xi32>
      tpu.vector_store_idx %arg9[%parallel_loop3A_95, %parallel_loop3A_136], %parallel_loop3A_133 : memref<168x128xf32, #tpu.memory_space<vmem>>[vector<16xi32>, vector<16xi32>], vector<16xf32>,
      %parallel_loop3A_137 = arith.constant 3 : i32
      %parallel_loop3A_138 = vector.broadcast %parallel_loop3A_137 : i32 to vector<16xi32>
      %parallel_loop3A_139 = arith.addi %parallel_loop3A_109, %parallel_loop3A_138 : vector<16xi32>
      %parallel_loop3A_140 = tpu.vector_load_idx %arg5[%parallel_loop3A_139] : memref<32768xf32, #tpu.memory_space<vmem>>[vector<16xi32>], vector<16xf32>,
      %parallel_loop3A_141 = arith.constant 3 : i32
      %parallel_loop3A_142 = vector.broadcast %parallel_loop3A_141 : i32 to vector<16xi32>
      %parallel_loop3A_143 = arith.addi %parallel_loop3A_115, %parallel_loop3A_142 : vector<16xi32>
      tpu.vector_store_idx %arg9[%parallel_loop3A_95, %parallel_loop3A_143], %parallel_loop3A_140 : memref<168x128xf32, #tpu.memory_space<vmem>>[vector<16xi32>, vector<16xi32>], vector<16xf32>,
      %parallel_loop3A_144 = arith.constant 16 : i32
      %parallel_loop3A_145 = vector.broadcast %parallel_loop3A_144 : i32 to vector<16xi32>
      %parallel_loop3A_146 = arith.addi %iota3A, %parallel_loop3A_145 : vector<16xi32>
      %parallel_loop3A_147 = tpu.vector_load_idx %arg7[%parallel_loop3A_95, %parallel_loop3A_146] : memref<168x32xi32, #tpu.memory_space<vmem>>[vector<16xi32>, vector<16xi32>], vector<16xi32>,
      %parallel_loop3A_148 = arith.constant 2 : i32
      %parallel_loop3A_149 = vector.broadcast %parallel_loop3A_148 : i32 to vector<16xi32>
      %parallel_loop3A_150 = arith.shli %parallel_loop3A_147, %parallel_loop3A_149 : vector<16xi32>
      %parallel_loop3A_151 = arith.constant 10 : i32
      %parallel_loop3A_152 = vector.broadcast %parallel_loop3A_151 : i32 to vector<16xi32>
      %parallel_loop3A_153 = arith.shli %iota3A, %parallel_loop3A_152 : vector<16xi32>
      %parallel_loop3A_154 = arith.addi %parallel_loop3A_150, %parallel_loop3A_153 : vector<16xi32>
      %parallel_loop3A_155 = arith.constant 16384 : i32
      %parallel_loop3A_156 = vector.broadcast %parallel_loop3A_155 : i32 to vector<16xi32>
      %parallel_loop3A_157 = arith.addi %parallel_loop3A_154, %parallel_loop3A_156 : vector<16xi32>
      %parallel_loop3A_158 = arith.constant 2 : i32
      %parallel_loop3A_159 = vector.broadcast %parallel_loop3A_158 : i32 to vector<16xi32>
      %parallel_loop3A_160 = arith.shli %iota3A, %parallel_loop3A_159 : vector<16xi32>
      %parallel_loop3A_161 = arith.constant 64 : i32
      %parallel_loop3A_162 = vector.broadcast %parallel_loop3A_161 : i32 to vector<16xi32>
      %parallel_loop3A_163 = arith.addi %parallel_loop3A_160, %parallel_loop3A_162 : vector<16xi32>
      %parallel_loop3A_164 = arith.constant 0 : i32
      %parallel_loop3A_165 = vector.broadcast %parallel_loop3A_164 : i32 to vector<16xi32>
      %parallel_loop3A_166 = arith.addi %parallel_loop3A_157, %parallel_loop3A_165 : vector<16xi32>
      %parallel_loop3A_167 = tpu.vector_load_idx %arg5[%parallel_loop3A_166] : memref<32768xf32, #tpu.memory_space<vmem>>[vector<16xi32>], vector<16xf32>,
      %parallel_loop3A_168 = arith.constant 0 : i32
      %parallel_loop3A_169 = vector.broadcast %parallel_loop3A_168 : i32 to vector<16xi32>
      %parallel_loop3A_170 = arith.addi %parallel_loop3A_163, %parallel_loop3A_169 : vector<16xi32>
      tpu.vector_store_idx %arg9[%parallel_loop3A_95, %parallel_loop3A_170], %parallel_loop3A_167 : memref<168x128xf32, #tpu.memory_space<vmem>>[vector<16xi32>, vector<16xi32>], vector<16xf32>,
      %parallel_loop3A_171 = arith.constant 1 : i32
      %parallel_loop3A_172 = vector.broadcast %parallel_loop3A_171 : i32 to vector<16xi32>
      %parallel_loop3A_173 = arith.addi %parallel_loop3A_157, %parallel_loop3A_172 : vector<16xi32>
      %parallel_loop3A_174 = tpu.vector_load_idx %arg5[%parallel_loop3A_173] : memref<32768xf32, #tpu.memory_space<vmem>>[vector<16xi32>], vector<16xf32>,
      %parallel_loop3A_175 = arith.constant 1 : i32
      %parallel_loop3A_176 = vector.broadcast %parallel_loop3A_175 : i32 to vector<16xi32>
      %parallel_loop3A_177 = arith.addi %parallel_loop3A_163, %parallel_loop3A_176 : vector<16xi32>
      tpu.vector_store_idx %arg9[%parallel_loop3A_95, %parallel_loop3A_177], %parallel_loop3A_174 : memref<168x128xf32, #tpu.memory_space<vmem>>[vector<16xi32>, vector<16xi32>], vector<16xf32>,
      %parallel_loop3A_178 = arith.constant 2 : i32
      %parallel_loop3A_179 = vector.broadcast %parallel_loop3A_178 : i32 to vector<16xi32>
      %parallel_loop3A_180 = arith.addi %parallel_loop3A_157, %parallel_loop3A_179 : vector<16xi32>
      %parallel_loop3A_181 = tpu.vector_load_idx %arg5[%parallel_loop3A_180] : memref<32768xf32, #tpu.memory_space<vmem>>[vector<16xi32>], vector<16xf32>,
      %parallel_loop3A_182 = arith.constant 2 : i32
      %parallel_loop3A_183 = vector.broadcast %parallel_loop3A_182 : i32 to vector<16xi32>
      %parallel_loop3A_184 = arith.addi %parallel_loop3A_163, %parallel_loop3A_183 : vector<16xi32>
      tpu.vector_store_idx %arg9[%parallel_loop3A_95, %parallel_loop3A_184], %parallel_loop3A_181 : memref<168x128xf32, #tpu.memory_space<vmem>>[vector<16xi32>, vector<16xi32>], vector<16xf32>,
      %parallel_loop3A_185 = arith.constant 3 : i32
      %parallel_loop3A_186 = vector.broadcast %parallel_loop3A_185 : i32 to vector<16xi32>
      %parallel_loop3A_187 = arith.addi %parallel_loop3A_157, %parallel_loop3A_186 : vector<16xi32>
      %parallel_loop3A_188 = tpu.vector_load_idx %arg5[%parallel_loop3A_187] : memref<32768xf32, #tpu.memory_space<vmem>>[vector<16xi32>], vector<16xf32>,
      %parallel_loop3A_189 = arith.constant 3 : i32
      %parallel_loop3A_190 = vector.broadcast %parallel_loop3A_189 : i32 to vector<16xi32>
      %parallel_loop3A_191 = arith.addi %parallel_loop3A_163, %parallel_loop3A_190 : vector<16xi32>
      tpu.vector_store_idx %arg9[%parallel_loop3A_95, %parallel_loop3A_191], %parallel_loop3A_188 : memref<168x128xf32, #tpu.memory_space<vmem>>[vector<16xi32>, vector<16xi32>], vector<16xf32>,
    } {sc.loop_unroll_factor = 2 : i64, sc.parallel_access}
    %add3A_45 = arith.constant 168 : i32
    %add3A_46 = arith.addi %mul3A_2, %add3A_45 : i32
    %multiple_of3A_47 = tpu.assume_multiple %add3A_46, 8 : i32
    %dma_start3A_48 = arith.constant 0 : i32
    %dma_start3A_49 = tpu.memref_slice %arg4[%multiple_of3A_47, %dma_start3A_48] : memref<500000x128xf32, #tpu.memory_space<hbm>> -> memref<168x128xf32, #tpu.memory_space<hbm>>
    %dma_start3A_50 = arith.constant 0 : i32
    %dma_start3A_51 = tpu.memref_slice %arg4[%multiple_of3A_47, %dma_start3A_50] : memref<500000x128xf32, #tpu.memory_space<hbm>> -> memref<168x128xf32, #tpu.memory_space<hbm>>
    tpu.enqueue_dma source(%arg9 : memref<168x128xf32, #tpu.memory_space<vmem>>) target(%dma_start3A_51 : memref<168x128xf32, #tpu.memory_space<hbm>>) target_semaphore(%arg13 : memref<!tpu.dma_semaphore, #tpu.memory_space<semaphore_mem>>)
    %scan3A = arith.constant 0 : i32
    %scan3A_52 = arith.constant 1 : i32
    %scan3A_53 = arith.constant 45 : i32
    %scan3A_54 = arith.addi %scan3A_52, %scan3A_53 : i32
    %scan3A_55 = arith.constant 1 : i32
    %scan3A_56 = scf.for %scan3A_94 = %scan3A_52 to %scan3A_54 step %scan3A_55 iter_args(%scan3A_95 = %scan3A) -> (i32)  : i32 {
      %mul3A_96 = arith.constant 2 : i32
      %mul3A_97 = arith.muli %mul3A_96, %scan3A_94 : i32
      %dma_wait3A_98 = arith.constant 0 : i32
      %dma_wait3A_99 = arith.constant 0 : i32
      %dma_wait3A_100 = tpu.memref_slice %arg2[%dma_wait3A_98, %dma_wait3A_99] : memref<500000x32xi32, #tpu.memory_space<hbm>> -> memref<168x32xi32, #tpu.memory_space<hbm>>
      %dma_wait3A_101 = arith.constant 0 : i32
      %dma_wait3A_102 = arith.constant 0 : i32
      %dma_wait3A_103 = tpu.memref_slice %arg2[%dma_wait3A_101, %dma_wait3A_102] : memref<500000x32xi32, #tpu.memory_space<hbm>> -> memref<168x32xi32, #tpu.memory_space<hbm>>
      tpu.wait_dma2 semaphore(%arg10 : memref<!tpu.dma_semaphore, #tpu.memory_space<semaphore_mem>>) src(%dma_wait3A_103 : memref<168x32xi32, #tpu.memory_space<hbm>>) dst(%arg6 : memref<168x32xi32, #tpu.memory_space<vmem>>)
      %add3A_104 = arith.constant 1 : i32
      %add3A_105 = arith.addi %mul3A_97, %add3A_104 : i32
      %mul3A_106 = arith.constant 168 : i32
      %mul3A_107 = arith.muli %add3A_105, %mul3A_106 : i32
      %add3A_108 = arith.addi %mul3A_2, %mul3A_107 : i32
      %multiple_of3A_109 = tpu.assume_multiple %add3A_108, 8 : i32
      %dma_start3A_110 = arith.constant 0 : i32
      %dma_start3A_111 = tpu.memref_slice %arg2[%multiple_of3A_109, %dma_start3A_110] : memref<500000x32xi32, #tpu.memory_space<hbm>> -> memref<168x32xi32, #tpu.memory_space<hbm>>
      %dma_start3A_112 = arith.constant 0 : i32
      %dma_start3A_113 = tpu.memref_slice %arg2[%multiple_of3A_109, %dma_start3A_112] : memref<500000x32xi32, #tpu.memory_space<hbm>> -> memref<168x32xi32, #tpu.memory_space<hbm>>
      tpu.enqueue_dma source(%dma_start3A_113 : memref<168x32xi32, #tpu.memory_space<hbm>>) target(%arg7 : memref<168x32xi32, #tpu.memory_space<vmem>>) target_semaphore(%arg11 : memref<!tpu.dma_semaphore, #tpu.memory_space<semaphore_mem>>)
      %dma_wait3A_114 = arith.constant 0 : i32
      %dma_wait3A_115 = arith.constant 0 : i32
      %dma_wait3A_116 = tpu.memref_slice %arg4[%dma_wait3A_114, %dma_wait3A_115] : memref<500000x128xf32, #tpu.memory_space<hbm>> -> memref<168x128xf32, #tpu.memory_space<hbm>>
      %dma_wait3A_117 = arith.constant 0 : i32
      %dma_wait3A_118 = arith.constant 0 : i32
      %dma_wait3A_119 = tpu.memref_slice %arg4[%dma_wait3A_117, %dma_wait3A_118] : memref<500000x128xf32, #tpu.memory_space<hbm>> -> memref<168x128xf32, #tpu.memory_space<hbm>>
      tpu.wait_dma2 semaphore(%arg12 : memref<!tpu.dma_semaphore, #tpu.memory_space<semaphore_mem>>) src(%arg8 : memref<168x128xf32, #tpu.memory_space<vmem>>) dst(%dma_wait3A_119 : memref<168x128xf32, #tpu.memory_space<hbm>>)
      %parallel_loop3A_120 = arith.constant 0 : i32
      %parallel_loop3A_121 = arith.constant 168 : i32
      %parallel_loop3A_122 = arith.constant 1 : i32
      scf.for %parallel_loop3A_167 = %parallel_loop3A_120 to %parallel_loop3A_121 step %parallel_loop3A_122  : i32 {
        %parallel_loop3A_168 = vector.broadcast %parallel_loop3A_167 : i32 to vector<16xi32>
        %parallel_loop3A_169 = arith.constant 0 : i32
        %parallel_loop3A_170 = vector.broadcast %parallel_loop3A_169 : i32 to vector<16xi32>
        %parallel_loop3A_171 = arith.addi %iota3A, %parallel_loop3A_170 : vector<16xi32>
        %parallel_loop3A_172 = tpu.vector_load_idx %arg6[%parallel_loop3A_168, %parallel_loop3A_171] : memref<168x32xi32, #tpu.memory_space<vmem>>[vector<16xi32>, vector<16xi32>], vector<16xi32>,
        %parallel_loop3A_173 = arith.constant 2 : i32
        %parallel_loop3A_174 = vector.broadcast %parallel_loop3A_173 : i32 to vector<16xi32>
        %parallel_loop3A_175 = arith.shli %parallel_loop3A_172, %parallel_loop3A_174 : vector<16xi32>
        %parallel_loop3A_176 = arith.constant 10 : i32
        %parallel_loop3A_177 = vector.broadcast %parallel_loop3A_176 : i32 to vector<16xi32>
        %parallel_loop3A_178 = arith.shli %iota3A, %parallel_loop3A_177 : vector<16xi32>
        %parallel_loop3A_179 = arith.addi %parallel_loop3A_175, %parallel_loop3A_178 : vector<16xi32>
        %parallel_loop3A_180 = arith.constant 0 : i32
        %parallel_loop3A_181 = vector.broadcast %parallel_loop3A_180 : i32 to vector<16xi32>
        %parallel_loop3A_182 = arith.addi %parallel_loop3A_179, %parallel_loop3A_181 : vector<16xi32>
        %parallel_loop3A_183 = arith.constant 2 : i32
        %parallel_loop3A_184 = vector.broadcast %parallel_loop3A_183 : i32 to vector<16xi32>
        %parallel_loop3A_185 = arith.shli %iota3A, %parallel_loop3A_184 : vector<16xi32>
        %parallel_loop3A_186 = arith.constant 0 : i32
        %parallel_loop3A_187 = vector.broadcast %parallel_loop3A_186 : i32 to vector<16xi32>
        %parallel_loop3A_188 = arith.addi %parallel_loop3A_185, %parallel_loop3A_187 : vector<16xi32>
        %parallel_loop3A_189 = arith.constant 0 : i32
        %parallel_loop3A_190 = vector.broadcast %parallel_loop3A_189 : i32 to vector<16xi32>
        %parallel_loop3A_191 = arith.addi %parallel_loop3A_182, %parallel_loop3A_190 : vector<16xi32>
        %parallel_loop3A_192 = tpu.vector_load_idx %arg5[%parallel_loop3A_191] : memref<32768xf32, #tpu.memory_space<vmem>>[vector<16xi32>], vector<16xf32>,
        %parallel_loop3A_193 = arith.constant 0 : i32
        %parallel_loop3A_194 = vector.broadcast %parallel_loop3A_193 : i32 to vector<16xi32>
        %parallel_loop3A_195 = arith.addi %parallel_loop3A_188, %parallel_loop3A_194 : vector<16xi32>
        tpu.vector_store_idx %arg8[%parallel_loop3A_168, %parallel_loop3A_195], %parallel_loop3A_192 : memref<168x128xf32, #tpu.memory_space<vmem>>[vector<16xi32>, vector<16xi32>], vector<16xf32>,
        %parallel_loop3A_196 = arith.constant 1 : i32
        %parallel_loop3A_197 = vector.broadcast %parallel_loop3A_196 : i32 to vector<16xi32>
        %parallel_loop3A_198 = arith.addi %parallel_loop3A_182, %parallel_loop3A_197 : vector<16xi32>
        %parallel_loop3A_199 = tpu.vector_load_idx %arg5[%parallel_loop3A_198] : memref<32768xf32, #tpu.memory_space<vmem>>[vector<16xi32>], vector<16xf32>,
        %parallel_loop3A_200 = arith.constant 1 : i32
        %parallel_loop3A_201 = vector.broadcast %parallel_loop3A_200 : i32 to vector<16xi32>
        %parallel_loop3A_202 = arith.addi %parallel_loop3A_188, %parallel_loop3A_201 : vector<16xi32>
        tpu.vector_store_idx %arg8[%parallel_loop3A_168, %parallel_loop3A_202], %parallel_loop3A_199 : memref<168x128xf32, #tpu.memory_space<vmem>>[vector<16xi32>, vector<16xi32>], vector<16xf32>,
        %parallel_loop3A_203 = arith.constant 2 : i32
        %parallel_loop3A_204 = vector.broadcast %parallel_loop3A_203 : i32 to vector<16xi32>
        %parallel_loop3A_205 = arith.addi %parallel_loop3A_182, %parallel_loop3A_204 : vector<16xi32>
        %parallel_loop3A_206 = tpu.vector_load_idx %arg5[%parallel_loop3A_205] : memref<32768xf32, #tpu.memory_space<vmem>>[vector<16xi32>], vector<16xf32>,
        %parallel_loop3A_207 = arith.constant 2 : i32
        %parallel_loop3A_208 = vector.broadcast %parallel_loop3A_207 : i32 to vector<16xi32>
        %parallel_loop3A_209 = arith.addi %parallel_loop3A_188, %parallel_loop3A_208 : vector<16xi32>
        tpu.vector_store_idx %arg8[%parallel_loop3A_168, %parallel_loop3A_209], %parallel_loop3A_206 : memref<168x128xf32, #tpu.memory_space<vmem>>[vector<16xi32>, vector<16xi32>], vector<16xf32>,
        %parallel_loop3A_210 = arith.constant 3 : i32
        %parallel_loop3A_211 = vector.broadcast %parallel_loop3A_210 : i32 to vector<16xi32>
        %parallel_loop3A_212 = arith.addi %parallel_loop3A_182, %parallel_loop3A_211 : vector<16xi32>
        %parallel_loop3A_213 = tpu.vector_load_idx %arg5[%parallel_loop3A_212] : memref<32768xf32, #tpu.memory_space<vmem>>[vector<16xi32>], vector<16xf32>,
        %parallel_loop3A_214 = arith.constant 3 : i32
        %parallel_loop3A_215 = vector.broadcast %parallel_loop3A_214 : i32 to vector<16xi32>
        %parallel_loop3A_216 = arith.addi %parallel_loop3A_188, %parallel_loop3A_215 : vector<16xi32>
        tpu.vector_store_idx %arg8[%parallel_loop3A_168, %parallel_loop3A_216], %parallel_loop3A_213 : memref<168x128xf32, #tpu.memory_space<vmem>>[vector<16xi32>, vector<16xi32>], vector<16xf32>,
        %parallel_loop3A_217 = arith.constant 16 : i32
        %parallel_loop3A_218 = vector.broadcast %parallel_loop3A_217 : i32 to vector<16xi32>
        %parallel_loop3A_219 = arith.addi %iota3A, %parallel_loop3A_218 : vector<16xi32>
        %parallel_loop3A_220 = tpu.vector_load_idx %arg6[%parallel_loop3A_168, %parallel_loop3A_219] : memref<168x32xi32, #tpu.memory_space<vmem>>[vector<16xi32>, vector<16xi32>], vector<16xi32>,
        %parallel_loop3A_221 = arith.constant 2 : i32
        %parallel_loop3A_222 = vector.broadcast %parallel_loop3A_221 : i32 to vector<16xi32>
        %parallel_loop3A_223 = arith.shli %parallel_loop3A_220, %parallel_loop3A_222 : vector<16xi32>
        %parallel_loop3A_224 = arith.constant 10 : i32
        %parallel_loop3A_225 = vector.broadcast %parallel_loop3A_224 : i32 to vector<16xi32>
        %parallel_loop3A_226 = arith.shli %iota3A, %parallel_loop3A_225 : vector<16xi32>
        %parallel_loop3A_227 = arith.addi %parallel_loop3A_223, %parallel_loop3A_226 : vector<16xi32>
        %parallel_loop3A_228 = arith.constant 16384 : i32
        %parallel_loop3A_229 = vector.broadcast %parallel_loop3A_228 : i32 to vector<16xi32>
        %parallel_loop3A_230 = arith.addi %parallel_loop3A_227, %parallel_loop3A_229 : vector<16xi32>
        %parallel_loop3A_231 = arith.constant 2 : i32
        %parallel_loop3A_232 = vector.broadcast %parallel_loop3A_231 : i32 to vector<16xi32>
        %parallel_loop3A_233 = arith.shli %iota3A, %parallel_loop3A_232 : vector<16xi32>
        %parallel_loop3A_234 = arith.constant 64 : i32
        %parallel_loop3A_235 = vector.broadcast %parallel_loop3A_234 : i32 to vector<16xi32>
        %parallel_loop3A_236 = arith.addi %parallel_loop3A_233, %parallel_loop3A_235 : vector<16xi32>
        %parallel_loop3A_237 = arith.constant 0 : i32
        %parallel_loop3A_238 = vector.broadcast %parallel_loop3A_237 : i32 to vector<16xi32>
        %parallel_loop3A_239 = arith.addi %parallel_loop3A_230, %parallel_loop3A_238 : vector<16xi32>
        %parallel_loop3A_240 = tpu.vector_load_idx %arg5[%parallel_loop3A_239] : memref<32768xf32, #tpu.memory_space<vmem>>[vector<16xi32>], vector<16xf32>,
        %parallel_loop3A_241 = arith.constant 0 : i32
        %parallel_loop3A_242 = vector.broadcast %parallel_loop3A_241 : i32 to vector<16xi32>
        %parallel_loop3A_243 = arith.addi %parallel_loop3A_236, %parallel_loop3A_242 : vector<16xi32>
        tpu.vector_store_idx %arg8[%parallel_loop3A_168, %parallel_loop3A_243], %parallel_loop3A_240 : memref<168x128xf32, #tpu.memory_space<vmem>>[vector<16xi32>, vector<16xi32>], vector<16xf32>,
        %parallel_loop3A_244 = arith.constant 1 : i32
        %parallel_loop3A_245 = vector.broadcast %parallel_loop3A_244 : i32 to vector<16xi32>
        %parallel_loop3A_246 = arith.addi %parallel_loop3A_230, %parallel_loop3A_245 : vector<16xi32>
        %parallel_loop3A_247 = tpu.vector_load_idx %arg5[%parallel_loop3A_246] : memref<32768xf32, #tpu.memory_space<vmem>>[vector<16xi32>], vector<16xf32>,
        %parallel_loop3A_248 = arith.constant 1 : i32
        %parallel_loop3A_249 = vector.broadcast %parallel_loop3A_248 : i32 to vector<16xi32>
        %parallel_loop3A_250 = arith.addi %parallel_loop3A_236, %parallel_loop3A_249 : vector<16xi32>
        tpu.vector_store_idx %arg8[%parallel_loop3A_168, %parallel_loop3A_250], %parallel_loop3A_247 : memref<168x128xf32, #tpu.memory_space<vmem>>[vector<16xi32>, vector<16xi32>], vector<16xf32>,
        %parallel_loop3A_251 = arith.constant 2 : i32
        %parallel_loop3A_252 = vector.broadcast %parallel_loop3A_251 : i32 to vector<16xi32>
        %parallel_loop3A_253 = arith.addi %parallel_loop3A_230, %parallel_loop3A_252 : vector<16xi32>
        %parallel_loop3A_254 = tpu.vector_load_idx %arg5[%parallel_loop3A_253] : memref<32768xf32, #tpu.memory_space<vmem>>[vector<16xi32>], vector<16xf32>,
        %parallel_loop3A_255 = arith.constant 2 : i32
        %parallel_loop3A_256 = vector.broadcast %parallel_loop3A_255 : i32 to vector<16xi32>
        %parallel_loop3A_257 = arith.addi %parallel_loop3A_236, %parallel_loop3A_256 : vector<16xi32>
        tpu.vector_store_idx %arg8[%parallel_loop3A_168, %parallel_loop3A_257], %parallel_loop3A_254 : memref<168x128xf32, #tpu.memory_space<vmem>>[vector<16xi32>, vector<16xi32>], vector<16xf32>,
        %parallel_loop3A_258 = arith.constant 3 : i32
        %parallel_loop3A_259 = vector.broadcast %parallel_loop3A_258 : i32 to vector<16xi32>
        %parallel_loop3A_260 = arith.addi %parallel_loop3A_230, %parallel_loop3A_259 : vector<16xi32>
        %parallel_loop3A_261 = tpu.vector_load_idx %arg5[%parallel_loop3A_260] : memref<32768xf32, #tpu.memory_space<vmem>>[vector<16xi32>], vector<16xf32>,
        %parallel_loop3A_262 = arith.constant 3 : i32
        %parallel_loop3A_263 = vector.broadcast %parallel_loop3A_262 : i32 to vector<16xi32>
        %parallel_loop3A_264 = arith.addi %parallel_loop3A_236, %parallel_loop3A_263 : vector<16xi32>
        tpu.vector_store_idx %arg8[%parallel_loop3A_168, %parallel_loop3A_264], %parallel_loop3A_261 : memref<168x128xf32, #tpu.memory_space<vmem>>[vector<16xi32>, vector<16xi32>], vector<16xf32>,
      } {sc.loop_unroll_factor = 2 : i64, sc.parallel_access}
      %mul3A_123 = arith.constant 168 : i32
      %mul3A_124 = arith.muli %mul3A_97, %mul3A_123 : i32
      %add3A_125 = arith.addi %mul3A_2, %mul3A_124 : i32
      %multiple_of3A_126 = tpu.assume_multiple %add3A_125, 8 : i32
      %dma_start3A_127 = arith.constant 0 : i32
      %dma_start3A_128 = tpu.memref_slice %arg4[%multiple_of3A_126, %dma_start3A_127] : memref<500000x128xf32, #tpu.memory_space<hbm>> -> memref<168x128xf32, #tpu.memory_space<hbm>>
      %dma_start3A_129 = arith.constant 0 : i32
      %dma_start3A_130 = tpu.memref_slice %arg4[%multiple_of3A_126, %dma_start3A_129] : memref<500000x128xf32, #tpu.memory_space<hbm>> -> memref<168x128xf32, #tpu.memory_space<hbm>>
      tpu.enqueue_dma source(%arg8 : memref<168x128xf32, #tpu.memory_space<vmem>>) target(%dma_start3A_130 : memref<168x128xf32, #tpu.memory_space<hbm>>) target_semaphore(%arg12 : memref<!tpu.dma_semaphore, #tpu.memory_space<semaphore_mem>>)
      %dma_wait3A_131 = arith.constant 0 : i32
      %dma_wait3A_132 = arith.constant 0 : i32
      %dma_wait3A_133 = tpu.memref_slice %arg2[%dma_wait3A_131, %dma_wait3A_132] : memref<500000x32xi32, #tpu.memory_space<hbm>> -> memref<168x32xi32, #tpu.memory_space<hbm>>
      %dma_wait3A_134 = arith.constant 0 : i32
      %dma_wait3A_135 = arith.constant 0 : i32
      %dma_wait3A_136 = tpu.memref_slice %arg2[%dma_wait3A_134, %dma_wait3A_135] : memref<500000x32xi32, #tpu.memory_space<hbm>> -> memref<168x32xi32, #tpu.memory_space<hbm>>
      tpu.wait_dma2 semaphore(%arg11 : memref<!tpu.dma_semaphore, #tpu.memory_space<semaphore_mem>>) src(%dma_wait3A_136 : memref<168x32xi32, #tpu.memory_space<hbm>>) dst(%arg7 : memref<168x32xi32, #tpu.memory_space<vmem>>)
      %add3A_137 = arith.constant 2 : i32
      %add3A_138 = arith.addi %mul3A_97, %add3A_137 : i32
      %mul3A_139 = arith.constant 168 : i32
      %mul3A_140 = arith.muli %add3A_138, %mul3A_139 : i32
      %add3A_141 = arith.addi %mul3A_2, %mul3A_140 : i32
      %multiple_of3A_142 = tpu.assume_multiple %add3A_141, 8 : i32
      %dma_start3A_143 = arith.constant 0 : i32
      %dma_start3A_144 = tpu.memref_slice %arg2[%multiple_of3A_142, %dma_start3A_143] : memref<500000x32xi32, #tpu.memory_space<hbm>> -> memref<168x32xi32, #tpu.memory_space<hbm>>
      %dma_start3A_145 = arith.constant 0 : i32
      %dma_start3A_146 = tpu.memref_slice %arg2[%multiple_of3A_142, %dma_start3A_145] : memref<500000x32xi32, #tpu.memory_space<hbm>> -> memref<168x32xi32, #tpu.memory_space<hbm>>
      tpu.enqueue_dma source(%dma_start3A_146 : memref<168x32xi32, #tpu.memory_space<hbm>>) target(%arg6 : memref<168x32xi32, #tpu.memory_space<vmem>>) target_semaphore(%arg10 : memref<!tpu.dma_semaphore, #tpu.memory_space<semaphore_mem>>)
      %dma_wait3A_147 = arith.constant 0 : i32
      %dma_wait3A_148 = arith.constant 0 : i32
      %dma_wait3A_149 = tpu.memref_slice %arg4[%dma_wait3A_147, %dma_wait3A_148] : memref<500000x128xf32, #tpu.memory_space<hbm>> -> memref<168x128xf32, #tpu.memory_space<hbm>>
      %dma_wait3A_150 = arith.constant 0 : i32
      %dma_wait3A_151 = arith.constant 0 : i32
      %dma_wait3A_152 = tpu.memref_slice %arg4[%dma_wait3A_150, %dma_wait3A_151] : memref<500000x128xf32, #tpu.memory_space<hbm>> -> memref<168x128xf32, #tpu.memory_space<hbm>>
      tpu.wait_dma2 semaphore(%arg13 : memref<!tpu.dma_semaphore, #tpu.memory_space<semaphore_mem>>) src(%arg9 : memref<168x128xf32, #tpu.memory_space<vmem>>) dst(%dma_wait3A_152 : memref<168x128xf32, #tpu.memory_space<hbm>>)
      %parallel_loop3A_153 = arith.constant 0 : i32
      %parallel_loop3A_154 = arith.constant 168 : i32
      %parallel_loop3A_155 = arith.constant 1 : i32
      scf.for %parallel_loop3A_167 = %parallel_loop3A_153 to %parallel_loop3A_154 step %parallel_loop3A_155  : i32 {
        %parallel_loop3A_168 = vector.broadcast %parallel_loop3A_167 : i32 to vector<16xi32>
        %parallel_loop3A_169 = arith.constant 0 : i32
        %parallel_loop3A_170 = vector.broadcast %parallel_loop3A_169 : i32 to vector<16xi32>
        %parallel_loop3A_171 = arith.addi %iota3A, %parallel_loop3A_170 : vector<16xi32>
        %parallel_loop3A_172 = tpu.vector_load_idx %arg7[%parallel_loop3A_168, %parallel_loop3A_171] : memref<168x32xi32, #tpu.memory_space<vmem>>[vector<16xi32>, vector<16xi32>], vector<16xi32>,
        %parallel_loop3A_173 = arith.constant 2 : i32
        %parallel_loop3A_174 = vector.broadcast %parallel_loop3A_173 : i32 to vector<16xi32>
        %parallel_loop3A_175 = arith.shli %parallel_loop3A_172, %parallel_loop3A_174 : vector<16xi32>
        %parallel_loop3A_176 = arith.constant 10 : i32
        %parallel_loop3A_177 = vector.broadcast %parallel_loop3A_176 : i32 to vector<16xi32>
        %parallel_loop3A_178 = arith.shli %iota3A, %parallel_loop3A_177 : vector<16xi32>
        %parallel_loop3A_179 = arith.addi %parallel_loop3A_175, %parallel_loop3A_178 : vector<16xi32>
        %parallel_loop3A_180 = arith.constant 0 : i32
        %parallel_loop3A_181 = vector.broadcast %parallel_loop3A_180 : i32 to vector<16xi32>
        %parallel_loop3A_182 = arith.addi %parallel_loop3A_179, %parallel_loop3A_181 : vector<16xi32>
        %parallel_loop3A_183 = arith.constant 2 : i32
        %parallel_loop3A_184 = vector.broadcast %parallel_loop3A_183 : i32 to vector<16xi32>
        %parallel_loop3A_185 = arith.shli %iota3A, %parallel_loop3A_184 : vector<16xi32>
        %parallel_loop3A_186 = arith.constant 0 : i32
        %parallel_loop3A_187 = vector.broadcast %parallel_loop3A_186 : i32 to vector<16xi32>
        %parallel_loop3A_188 = arith.addi %parallel_loop3A_185, %parallel_loop3A_187 : vector<16xi32>
        %parallel_loop3A_189 = arith.constant 0 : i32
        %parallel_loop3A_190 = vector.broadcast %parallel_loop3A_189 : i32 to vector<16xi32>
        %parallel_loop3A_191 = arith.addi %parallel_loop3A_182, %parallel_loop3A_190 : vector<16xi32>
        %parallel_loop3A_192 = tpu.vector_load_idx %arg5[%parallel_loop3A_191] : memref<32768xf32, #tpu.memory_space<vmem>>[vector<16xi32>], vector<16xf32>,
        %parallel_loop3A_193 = arith.constant 0 : i32
        %parallel_loop3A_194 = vector.broadcast %parallel_loop3A_193 : i32 to vector<16xi32>
        %parallel_loop3A_195 = arith.addi %parallel_loop3A_188, %parallel_loop3A_194 : vector<16xi32>
        tpu.vector_store_idx %arg9[%parallel_loop3A_168, %parallel_loop3A_195], %parallel_loop3A_192 : memref<168x128xf32, #tpu.memory_space<vmem>>[vector<16xi32>, vector<16xi32>], vector<16xf32>,
        %parallel_loop3A_196 = arith.constant 1 : i32
        %parallel_loop3A_197 = vector.broadcast %parallel_loop3A_196 : i32 to vector<16xi32>
        %parallel_loop3A_198 = arith.addi %parallel_loop3A_182, %parallel_loop3A_197 : vector<16xi32>
        %parallel_loop3A_199 = tpu.vector_load_idx %arg5[%parallel_loop3A_198] : memref<32768xf32, #tpu.memory_space<vmem>>[vector<16xi32>], vector<16xf32>,
        %parallel_loop3A_200 = arith.constant 1 : i32
        %parallel_loop3A_201 = vector.broadcast %parallel_loop3A_200 : i32 to vector<16xi32>
        %parallel_loop3A_202 = arith.addi %parallel_loop3A_188, %parallel_loop3A_201 : vector<16xi32>
        tpu.vector_store_idx %arg9[%parallel_loop3A_168, %parallel_loop3A_202], %parallel_loop3A_199 : memref<168x128xf32, #tpu.memory_space<vmem>>[vector<16xi32>, vector<16xi32>], vector<16xf32>,
        %parallel_loop3A_203 = arith.constant 2 : i32
        %parallel_loop3A_204 = vector.broadcast %parallel_loop3A_203 : i32 to vector<16xi32>
        %parallel_loop3A_205 = arith.addi %parallel_loop3A_182, %parallel_loop3A_204 : vector<16xi32>
        %parallel_loop3A_206 = tpu.vector_load_idx %arg5[%parallel_loop3A_205] : memref<32768xf32, #tpu.memory_space<vmem>>[vector<16xi32>], vector<16xf32>,
        %parallel_loop3A_207 = arith.constant 2 : i32
        %parallel_loop3A_208 = vector.broadcast %parallel_loop3A_207 : i32 to vector<16xi32>
        %parallel_loop3A_209 = arith.addi %parallel_loop3A_188, %parallel_loop3A_208 : vector<16xi32>
        tpu.vector_store_idx %arg9[%parallel_loop3A_168, %parallel_loop3A_209], %parallel_loop3A_206 : memref<168x128xf32, #tpu.memory_space<vmem>>[vector<16xi32>, vector<16xi32>], vector<16xf32>,
        %parallel_loop3A_210 = arith.constant 3 : i32
        %parallel_loop3A_211 = vector.broadcast %parallel_loop3A_210 : i32 to vector<16xi32>
        %parallel_loop3A_212 = arith.addi %parallel_loop3A_182, %parallel_loop3A_211 : vector<16xi32>
        %parallel_loop3A_213 = tpu.vector_load_idx %arg5[%parallel_loop3A_212] : memref<32768xf32, #tpu.memory_space<vmem>>[vector<16xi32>], vector<16xf32>,
        %parallel_loop3A_214 = arith.constant 3 : i32
        %parallel_loop3A_215 = vector.broadcast %parallel_loop3A_214 : i32 to vector<16xi32>
        %parallel_loop3A_216 = arith.addi %parallel_loop3A_188, %parallel_loop3A_215 : vector<16xi32>
        tpu.vector_store_idx %arg9[%parallel_loop3A_168, %parallel_loop3A_216], %parallel_loop3A_213 : memref<168x128xf32, #tpu.memory_space<vmem>>[vector<16xi32>, vector<16xi32>], vector<16xf32>,
        %parallel_loop3A_217 = arith.constant 16 : i32
        %parallel_loop3A_218 = vector.broadcast %parallel_loop3A_217 : i32 to vector<16xi32>
        %parallel_loop3A_219 = arith.addi %iota3A, %parallel_loop3A_218 : vector<16xi32>
        %parallel_loop3A_220 = tpu.vector_load_idx %arg7[%parallel_loop3A_168, %parallel_loop3A_219] : memref<168x32xi32, #tpu.memory_space<vmem>>[vector<16xi32>, vector<16xi32>], vector<16xi32>,
        %parallel_loop3A_221 = arith.constant 2 : i32
        %parallel_loop3A_222 = vector.broadcast %parallel_loop3A_221 : i32 to vector<16xi32>
        %parallel_loop3A_223 = arith.shli %parallel_loop3A_220, %parallel_loop3A_222 : vector<16xi32>
        %parallel_loop3A_224 = arith.constant 10 : i32
        %parallel_loop3A_225 = vector.broadcast %parallel_loop3A_224 : i32 to vector<16xi32>
        %parallel_loop3A_226 = arith.shli %iota3A, %parallel_loop3A_225 : vector<16xi32>
        %parallel_loop3A_227 = arith.addi %parallel_loop3A_223, %parallel_loop3A_226 : vector<16xi32>
        %parallel_loop3A_228 = arith.constant 16384 : i32
        %parallel_loop3A_229 = vector.broadcast %parallel_loop3A_228 : i32 to vector<16xi32>
        %parallel_loop3A_230 = arith.addi %parallel_loop3A_227, %parallel_loop3A_229 : vector<16xi32>
        %parallel_loop3A_231 = arith.constant 2 : i32
        %parallel_loop3A_232 = vector.broadcast %parallel_loop3A_231 : i32 to vector<16xi32>
        %parallel_loop3A_233 = arith.shli %iota3A, %parallel_loop3A_232 : vector<16xi32>
        %parallel_loop3A_234 = arith.constant 64 : i32
        %parallel_loop3A_235 = vector.broadcast %parallel_loop3A_234 : i32 to vector<16xi32>
        %parallel_loop3A_236 = arith.addi %parallel_loop3A_233, %parallel_loop3A_235 : vector<16xi32>
        %parallel_loop3A_237 = arith.constant 0 : i32
        %parallel_loop3A_238 = vector.broadcast %parallel_loop3A_237 : i32 to vector<16xi32>
        %parallel_loop3A_239 = arith.addi %parallel_loop3A_230, %parallel_loop3A_238 : vector<16xi32>
        %parallel_loop3A_240 = tpu.vector_load_idx %arg5[%parallel_loop3A_239] : memref<32768xf32, #tpu.memory_space<vmem>>[vector<16xi32>], vector<16xf32>,
        %parallel_loop3A_241 = arith.constant 0 : i32
        %parallel_loop3A_242 = vector.broadcast %parallel_loop3A_241 : i32 to vector<16xi32>
        %parallel_loop3A_243 = arith.addi %parallel_loop3A_236, %parallel_loop3A_242 : vector<16xi32>
        tpu.vector_store_idx %arg9[%parallel_loop3A_168, %parallel_loop3A_243], %parallel_loop3A_240 : memref<168x128xf32, #tpu.memory_space<vmem>>[vector<16xi32>, vector<16xi32>], vector<16xf32>,
        %parallel_loop3A_244 = arith.constant 1 : i32
        %parallel_loop3A_245 = vector.broadcast %parallel_loop3A_244 : i32 to vector<16xi32>
        %parallel_loop3A_246 = arith.addi %parallel_loop3A_230, %parallel_loop3A_245 : vector<16xi32>
        %parallel_loop3A_247 = tpu.vector_load_idx %arg5[%parallel_loop3A_246] : memref<32768xf32, #tpu.memory_space<vmem>>[vector<16xi32>], vector<16xf32>,
        %parallel_loop3A_248 = arith.constant 1 : i32
        %parallel_loop3A_249 = vector.broadcast %parallel_loop3A_248 : i32 to vector<16xi32>
        %parallel_loop3A_250 = arith.addi %parallel_loop3A_236, %parallel_loop3A_249 : vector<16xi32>
        tpu.vector_store_idx %arg9[%parallel_loop3A_168, %parallel_loop3A_250], %parallel_loop3A_247 : memref<168x128xf32, #tpu.memory_space<vmem>>[vector<16xi32>, vector<16xi32>], vector<16xf32>,
        %parallel_loop3A_251 = arith.constant 2 : i32
        %parallel_loop3A_252 = vector.broadcast %parallel_loop3A_251 : i32 to vector<16xi32>
        %parallel_loop3A_253 = arith.addi %parallel_loop3A_230, %parallel_loop3A_252 : vector<16xi32>
        %parallel_loop3A_254 = tpu.vector_load_idx %arg5[%parallel_loop3A_253] : memref<32768xf32, #tpu.memory_space<vmem>>[vector<16xi32>], vector<16xf32>,
        %parallel_loop3A_255 = arith.constant 2 : i32
        %parallel_loop3A_256 = vector.broadcast %parallel_loop3A_255 : i32 to vector<16xi32>
        %parallel_loop3A_257 = arith.addi %parallel_loop3A_236, %parallel_loop3A_256 : vector<16xi32>
        tpu.vector_store_idx %arg9[%parallel_loop3A_168, %parallel_loop3A_257], %parallel_loop3A_254 : memref<168x128xf32, #tpu.memory_space<vmem>>[vector<16xi32>, vector<16xi32>], vector<16xf32>,
        %parallel_loop3A_258 = arith.constant 3 : i32
        %parallel_loop3A_259 = vector.broadcast %parallel_loop3A_258 : i32 to vector<16xi32>
        %parallel_loop3A_260 = arith.addi %parallel_loop3A_230, %parallel_loop3A_259 : vector<16xi32>
        %parallel_loop3A_261 = tpu.vector_load_idx %arg5[%parallel_loop3A_260] : memref<32768xf32, #tpu.memory_space<vmem>>[vector<16xi32>], vector<16xf32>,
        %parallel_loop3A_262 = arith.constant 3 : i32
        %parallel_loop3A_263 = vector.broadcast %parallel_loop3A_262 : i32 to vector<16xi32>
        %parallel_loop3A_264 = arith.addi %parallel_loop3A_236, %parallel_loop3A_263 : vector<16xi32>
        tpu.vector_store_idx %arg9[%parallel_loop3A_168, %parallel_loop3A_264], %parallel_loop3A_261 : memref<168x128xf32, #tpu.memory_space<vmem>>[vector<16xi32>, vector<16xi32>], vector<16xf32>,
      } {sc.loop_unroll_factor = 2 : i64, sc.parallel_access}
      %add3A_156 = arith.constant 1 : i32
      %add3A_157 = arith.addi %mul3A_97, %add3A_156 : i32
      %mul3A_158 = arith.constant 168 : i32
      %mul3A_159 = arith.muli %add3A_157, %mul3A_158 : i32
      %add3A_160 = arith.addi %mul3A_2, %mul3A_159 : i32
      %multiple_of3A_161 = tpu.assume_multiple %add3A_160, 8 : i32
      %dma_start3A_162 = arith.constant 0 : i32
      %dma_start3A_163 = tpu.memref_slice %arg4[%multiple_of3A_161, %dma_start3A_162] : memref<500000x128xf32, #tpu.memory_space<hbm>> -> memref<168x128xf32, #tpu.memory_space<hbm>>
      %dma_start3A_164 = arith.constant 0 : i32
      %dma_start3A_165 = tpu.memref_slice %arg4[%multiple_of3A_161, %dma_start3A_164] : memref<500000x128xf32, #tpu.memory_space<hbm>> -> memref<168x128xf32, #tpu.memory_space<hbm>>
      tpu.enqueue_dma source(%arg9 : memref<168x128xf32, #tpu.memory_space<vmem>>) target(%dma_start3A_165 : memref<168x128xf32, #tpu.memory_space<hbm>>) target_semaphore(%arg13 : memref<!tpu.dma_semaphore, #tpu.memory_space<semaphore_mem>>)
      %scan3A_166 = arith.constant 0 : i32
      scf.yield %scan3A_166 : i32
    }
    %scan3A_57 = arith.constant 45 : i32
    %dma_wait3A_58 = arith.constant 0 : i32
    %dma_wait3A_59 = arith.constant 0 : i32
    %dma_wait3A_60 = tpu.memref_slice %arg2[%dma_wait3A_58, %dma_wait3A_59] : memref<500000x32xi32, #tpu.memory_space<hbm>> -> memref<168x32xi32, #tpu.memory_space<hbm>>
    %dma_wait3A_61 = arith.constant 0 : i32
    %dma_wait3A_62 = arith.constant 0 : i32
    %dma_wait3A_63 = tpu.memref_slice %arg2[%dma_wait3A_61, %dma_wait3A_62] : memref<500000x32xi32, #tpu.memory_space<hbm>> -> memref<168x32xi32, #tpu.memory_space<hbm>>
    tpu.wait_dma2 semaphore(%arg10 : memref<!tpu.dma_semaphore, #tpu.memory_space<semaphore_mem>>) src(%dma_wait3A_63 : memref<168x32xi32, #tpu.memory_space<hbm>>) dst(%arg6 : memref<168x32xi32, #tpu.memory_space<vmem>>)
    %dma_wait3A_64 = arith.constant 0 : i32
    %dma_wait3A_65 = arith.constant 0 : i32
    %dma_wait3A_66 = tpu.memref_slice %arg4[%dma_wait3A_64, %dma_wait3A_65] : memref<500000x128xf32, #tpu.memory_space<hbm>> -> memref<168x128xf32, #tpu.memory_space<hbm>>
    %dma_wait3A_67 = arith.constant 0 : i32
    %dma_wait3A_68 = arith.constant 0 : i32
    %dma_wait3A_69 = tpu.memref_slice %arg4[%dma_wait3A_67, %dma_wait3A_68] : memref<500000x128xf32, #tpu.memory_space<hbm>> -> memref<168x128xf32, #tpu.memory_space<hbm>>
    tpu.wait_dma2 semaphore(%arg12 : memref<!tpu.dma_semaphore, #tpu.memory_space<semaphore_mem>>) src(%arg8 : memref<168x128xf32, #tpu.memory_space<vmem>>) dst(%dma_wait3A_69 : memref<168x128xf32, #tpu.memory_space<hbm>>)
    %parallel_loop3A_70 = arith.constant 0 : i32
    %parallel_loop3A_71 = arith.constant 168 : i32
    %parallel_loop3A_72 = arith.constant 1 : i32
    scf.for %parallel_loop3A_94 = %parallel_loop3A_70 to %parallel_loop3A_71 step %parallel_loop3A_72  : i32 {
      %parallel_loop3A_95 = vector.broadcast %parallel_loop3A_94 : i32 to vector<16xi32>
      %parallel_loop3A_96 = arith.constant 0 : i32
      %parallel_loop3A_97 = vector.broadcast %parallel_loop3A_96 : i32 to vector<16xi32>
      %parallel_loop3A_98 = arith.addi %iota3A, %parallel_loop3A_97 : vector<16xi32>
      %parallel_loop3A_99 = tpu.vector_load_idx %arg6[%parallel_loop3A_95, %parallel_loop3A_98] : memref<168x32xi32, #tpu.memory_space<vmem>>[vector<16xi32>, vector<16xi32>], vector<16xi32>,
      %parallel_loop3A_100 = arith.constant 2 : i32
      %parallel_loop3A_101 = vector.broadcast %parallel_loop3A_100 : i32 to vector<16xi32>
      %parallel_loop3A_102 = arith.shli %parallel_loop3A_99, %parallel_loop3A_101 : vector<16xi32>
      %parallel_loop3A_103 = arith.constant 10 : i32
      %parallel_loop3A_104 = vector.broadcast %parallel_loop3A_103 : i32 to vector<16xi32>
      %parallel_loop3A_105 = arith.shli %iota3A, %parallel_loop3A_104 : vector<16xi32>
      %parallel_loop3A_106 = arith.addi %parallel_loop3A_102, %parallel_loop3A_105 : vector<16xi32>
      %parallel_loop3A_107 = arith.constant 0 : i32
      %parallel_loop3A_108 = vector.broadcast %parallel_loop3A_107 : i32 to vector<16xi32>
      %parallel_loop3A_109 = arith.addi %parallel_loop3A_106, %parallel_loop3A_108 : vector<16xi32>
      %parallel_loop3A_110 = arith.constant 2 : i32
      %parallel_loop3A_111 = vector.broadcast %parallel_loop3A_110 : i32 to vector<16xi32>
      %parallel_loop3A_112 = arith.shli %iota3A, %parallel_loop3A_111 : vector<16xi32>
      %parallel_loop3A_113 = arith.constant 0 : i32
      %parallel_loop3A_114 = vector.broadcast %parallel_loop3A_113 : i32 to vector<16xi32>
      %parallel_loop3A_115 = arith.addi %parallel_loop3A_112, %parallel_loop3A_114 : vector<16xi32>
      %parallel_loop3A_116 = arith.constant 0 : i32
      %parallel_loop3A_117 = vector.broadcast %parallel_loop3A_116 : i32 to vector<16xi32>
      %parallel_loop3A_118 = arith.addi %parallel_loop3A_109, %parallel_loop3A_117 : vector<16xi32>
      %parallel_loop3A_119 = tpu.vector_load_idx %arg5[%parallel_loop3A_118] : memref<32768xf32, #tpu.memory_space<vmem>>[vector<16xi32>], vector<16xf32>,
      %parallel_loop3A_120 = arith.constant 0 : i32
      %parallel_loop3A_121 = vector.broadcast %parallel_loop3A_120 : i32 to vector<16xi32>
      %parallel_loop3A_122 = arith.addi %parallel_loop3A_115, %parallel_loop3A_121 : vector<16xi32>
      tpu.vector_store_idx %arg8[%parallel_loop3A_95, %parallel_loop3A_122], %parallel_loop3A_119 : memref<168x128xf32, #tpu.memory_space<vmem>>[vector<16xi32>, vector<16xi32>], vector<16xf32>,
      %parallel_loop3A_123 = arith.constant 1 : i32
      %parallel_loop3A_124 = vector.broadcast %parallel_loop3A_123 : i32 to vector<16xi32>
      %parallel_loop3A_125 = arith.addi %parallel_loop3A_109, %parallel_loop3A_124 : vector<16xi32>
      %parallel_loop3A_126 = tpu.vector_load_idx %arg5[%parallel_loop3A_125] : memref<32768xf32, #tpu.memory_space<vmem>>[vector<16xi32>], vector<16xf32>,
      %parallel_loop3A_127 = arith.constant 1 : i32
      %parallel_loop3A_128 = vector.broadcast %parallel_loop3A_127 : i32 to vector<16xi32>
      %parallel_loop3A_129 = arith.addi %parallel_loop3A_115, %parallel_loop3A_128 : vector<16xi32>
      tpu.vector_store_idx %arg8[%parallel_loop3A_95, %parallel_loop3A_129], %parallel_loop3A_126 : memref<168x128xf32, #tpu.memory_space<vmem>>[vector<16xi32>, vector<16xi32>], vector<16xf32>,
      %parallel_loop3A_130 = arith.constant 2 : i32
      %parallel_loop3A_131 = vector.broadcast %parallel_loop3A_130 : i32 to vector<16xi32>
      %parallel_loop3A_132 = arith.addi %parallel_loop3A_109, %parallel_loop3A_131 : vector<16xi32>
      %parallel_loop3A_133 = tpu.vector_load_idx %arg5[%parallel_loop3A_132] : memref<32768xf32, #tpu.memory_space<vmem>>[vector<16xi32>], vector<16xf32>,
      %parallel_loop3A_134 = arith.constant 2 : i32
      %parallel_loop3A_135 = vector.broadcast %parallel_loop3A_134 : i32 to vector<16xi32>
      %parallel_loop3A_136 = arith.addi %parallel_loop3A_115, %parallel_loop3A_135 : vector<16xi32>
      tpu.vector_store_idx %arg8[%parallel_loop3A_95, %parallel_loop3A_136], %parallel_loop3A_133 : memref<168x128xf32, #tpu.memory_space<vmem>>[vector<16xi32>, vector<16xi32>], vector<16xf32>,
      %parallel_loop3A_137 = arith.constant 3 : i32
      %parallel_loop3A_138 = vector.broadcast %parallel_loop3A_137 : i32 to vector<16xi32>
      %parallel_loop3A_139 = arith.addi %parallel_loop3A_109, %parallel_loop3A_138 : vector<16xi32>
      %parallel_loop3A_140 = tpu.vector_load_idx %arg5[%parallel_loop3A_139] : memref<32768xf32, #tpu.memory_space<vmem>>[vector<16xi32>], vector<16xf32>,
      %parallel_loop3A_141 = arith.constant 3 : i32
      %parallel_loop3A_142 = vector.broadcast %parallel_loop3A_141 : i32 to vector<16xi32>
      %parallel_loop3A_143 = arith.addi %parallel_loop3A_115, %parallel_loop3A_142 : vector<16xi32>
      tpu.vector_store_idx %arg8[%parallel_loop3A_95, %parallel_loop3A_143], %parallel_loop3A_140 : memref<168x128xf32, #tpu.memory_space<vmem>>[vector<16xi32>, vector<16xi32>], vector<16xf32>,
      %parallel_loop3A_144 = arith.constant 16 : i32
      %parallel_loop3A_145 = vector.broadcast %parallel_loop3A_144 : i32 to vector<16xi32>
      %parallel_loop3A_146 = arith.addi %iota3A, %parallel_loop3A_145 : vector<16xi32>
      %parallel_loop3A_147 = tpu.vector_load_idx %arg6[%parallel_loop3A_95, %parallel_loop3A_146] : memref<168x32xi32, #tpu.memory_space<vmem>>[vector<16xi32>, vector<16xi32>], vector<16xi32>,
      %parallel_loop3A_148 = arith.constant 2 : i32
      %parallel_loop3A_149 = vector.broadcast %parallel_loop3A_148 : i32 to vector<16xi32>
      %parallel_loop3A_150 = arith.shli %parallel_loop3A_147, %parallel_loop3A_149 : vector<16xi32>
      %parallel_loop3A_151 = arith.constant 10 : i32
      %parallel_loop3A_152 = vector.broadcast %parallel_loop3A_151 : i32 to vector<16xi32>
      %parallel_loop3A_153 = arith.shli %iota3A, %parallel_loop3A_152 : vector<16xi32>
      %parallel_loop3A_154 = arith.addi %parallel_loop3A_150, %parallel_loop3A_153 : vector<16xi32>
      %parallel_loop3A_155 = arith.constant 16384 : i32
      %parallel_loop3A_156 = vector.broadcast %parallel_loop3A_155 : i32 to vector<16xi32>
      %parallel_loop3A_157 = arith.addi %parallel_loop3A_154, %parallel_loop3A_156 : vector<16xi32>
      %parallel_loop3A_158 = arith.constant 2 : i32
      %parallel_loop3A_159 = vector.broadcast %parallel_loop3A_158 : i32 to vector<16xi32>
      %parallel_loop3A_160 = arith.shli %iota3A, %parallel_loop3A_159 : vector<16xi32>
      %parallel_loop3A_161 = arith.constant 64 : i32
      %parallel_loop3A_162 = vector.broadcast %parallel_loop3A_161 : i32 to vector<16xi32>
      %parallel_loop3A_163 = arith.addi %parallel_loop3A_160, %parallel_loop3A_162 : vector<16xi32>
      %parallel_loop3A_164 = arith.constant 0 : i32
      %parallel_loop3A_165 = vector.broadcast %parallel_loop3A_164 : i32 to vector<16xi32>
      %parallel_loop3A_166 = arith.addi %parallel_loop3A_157, %parallel_loop3A_165 : vector<16xi32>
      %parallel_loop3A_167 = tpu.vector_load_idx %arg5[%parallel_loop3A_166] : memref<32768xf32, #tpu.memory_space<vmem>>[vector<16xi32>], vector<16xf32>,
      %parallel_loop3A_168 = arith.constant 0 : i32
      %parallel_loop3A_169 = vector.broadcast %parallel_loop3A_168 : i32 to vector<16xi32>
      %parallel_loop3A_170 = arith.addi %parallel_loop3A_163, %parallel_loop3A_169 : vector<16xi32>
      tpu.vector_store_idx %arg8[%parallel_loop3A_95, %parallel_loop3A_170], %parallel_loop3A_167 : memref<168x128xf32, #tpu.memory_space<vmem>>[vector<16xi32>, vector<16xi32>], vector<16xf32>,
      %parallel_loop3A_171 = arith.constant 1 : i32
      %parallel_loop3A_172 = vector.broadcast %parallel_loop3A_171 : i32 to vector<16xi32>
      %parallel_loop3A_173 = arith.addi %parallel_loop3A_157, %parallel_loop3A_172 : vector<16xi32>
      %parallel_loop3A_174 = tpu.vector_load_idx %arg5[%parallel_loop3A_173] : memref<32768xf32, #tpu.memory_space<vmem>>[vector<16xi32>], vector<16xf32>,
      %parallel_loop3A_175 = arith.constant 1 : i32
      %parallel_loop3A_176 = vector.broadcast %parallel_loop3A_175 : i32 to vector<16xi32>
      %parallel_loop3A_177 = arith.addi %parallel_loop3A_163, %parallel_loop3A_176 : vector<16xi32>
      tpu.vector_store_idx %arg8[%parallel_loop3A_95, %parallel_loop3A_177], %parallel_loop3A_174 : memref<168x128xf32, #tpu.memory_space<vmem>>[vector<16xi32>, vector<16xi32>], vector<16xf32>,
      %parallel_loop3A_178 = arith.constant 2 : i32
      %parallel_loop3A_179 = vector.broadcast %parallel_loop3A_178 : i32 to vector<16xi32>
      %parallel_loop3A_180 = arith.addi %parallel_loop3A_157, %parallel_loop3A_179 : vector<16xi32>
      %parallel_loop3A_181 = tpu.vector_load_idx %arg5[%parallel_loop3A_180] : memref<32768xf32, #tpu.memory_space<vmem>>[vector<16xi32>], vector<16xf32>,
      %parallel_loop3A_182 = arith.constant 2 : i32
      %parallel_loop3A_183 = vector.broadcast %parallel_loop3A_182 : i32 to vector<16xi32>
      %parallel_loop3A_184 = arith.addi %parallel_loop3A_163, %parallel_loop3A_183 : vector<16xi32>
      tpu.vector_store_idx %arg8[%parallel_loop3A_95, %parallel_loop3A_184], %parallel_loop3A_181 : memref<168x128xf32, #tpu.memory_space<vmem>>[vector<16xi32>, vector<16xi32>], vector<16xf32>,
      %parallel_loop3A_185 = arith.constant 3 : i32
      %parallel_loop3A_186 = vector.broadcast %parallel_loop3A_185 : i32 to vector<16xi32>
      %parallel_loop3A_187 = arith.addi %parallel_loop3A_157, %parallel_loop3A_186 : vector<16xi32>
      %parallel_loop3A_188 = tpu.vector_load_idx %arg5[%parallel_loop3A_187] : memref<32768xf32, #tpu.memory_space<vmem>>[vector<16xi32>], vector<16xf32>,
      %parallel_loop3A_189 = arith.constant 3 : i32
      %parallel_loop3A_190 = vector.broadcast %parallel_loop3A_189 : i32 to vector<16xi32>
      %parallel_loop3A_191 = arith.addi %parallel_loop3A_163, %parallel_loop3A_190 : vector<16xi32>
      tpu.vector_store_idx %arg8[%parallel_loop3A_95, %parallel_loop3A_191], %parallel_loop3A_188 : memref<168x128xf32, #tpu.memory_space<vmem>>[vector<16xi32>, vector<16xi32>], vector<16xf32>,
    } {sc.loop_unroll_factor = 2 : i64, sc.parallel_access}
    %add3A_73 = arith.constant 15456 : i32
    %add3A_74 = arith.addi %mul3A_2, %add3A_73 : i32
    %multiple_of3A_75 = tpu.assume_multiple %add3A_74, 8 : i32
    %dma_start3A_76 = arith.constant 0 : i32
    %dma_start3A_77 = tpu.memref_slice %arg4[%multiple_of3A_75, %dma_start3A_76] : memref<500000x128xf32, #tpu.memory_space<hbm>> -> memref<168x128xf32, #tpu.memory_space<hbm>>
    %dma_start3A_78 = arith.constant 0 : i32
    %dma_start3A_79 = tpu.memref_slice %arg4[%multiple_of3A_75, %dma_start3A_78] : memref<500000x128xf32, #tpu.memory_space<hbm>> -> memref<168x128xf32, #tpu.memory_space<hbm>>
    tpu.enqueue_dma source(%arg8 : memref<168x128xf32, #tpu.memory_space<vmem>>) target(%dma_start3A_79 : memref<168x128xf32, #tpu.memory_space<hbm>>) target_semaphore(%arg12 : memref<!tpu.dma_semaphore, #tpu.memory_space<semaphore_mem>>)
    %dma_wait3A_80 = arith.constant 0 : i32
    %dma_wait3A_81 = arith.constant 0 : i32
    %dma_wait3A_82 = tpu.memref_slice %arg4[%dma_wait3A_80, %dma_wait3A_81] : memref<500000x128xf32, #tpu.memory_space<hbm>> -> memref<168x128xf32, #tpu.memory_space<hbm>>
    %dma_wait3A_83 = arith.constant 0 : i32
    %dma_wait3A_84 = arith.constant 0 : i32
    %dma_wait3A_85 = tpu.memref_slice %arg4[%dma_wait3A_83, %dma_wait3A_84] : memref<500000x128xf32, #tpu.memory_space<hbm>> -> memref<168x128xf32, #tpu.memory_space<hbm>>
    tpu.wait_dma2 semaphore(%arg12 : memref<!tpu.dma_semaphore, #tpu.memory_space<semaphore_mem>>) src(%arg8 : memref<168x128xf32, #tpu.memory_space<vmem>>) dst(%dma_wait3A_85 : memref<168x128xf32, #tpu.memory_space<hbm>>)
    %dma_wait3A_86 = arith.constant 0 : i32
    %dma_wait3A_87 = arith.constant 0 : i32
    %dma_wait3A_88 = tpu.memref_slice %arg4[%dma_wait3A_86, %dma_wait3A_87] : memref<500000x128xf32, #tpu.memory_space<hbm>> -> memref<168x128xf32, #tpu.memory_space<hbm>>
    %dma_wait3A_89 = arith.constant 0 : i32
    %dma_wait3A_90 = arith.constant 0 : i32
    %dma_wait3A_91 = tpu.memref_slice %arg4[%dma_wait3A_89, %dma_wait3A_90] : memref<500000x128xf32, #tpu.memory_space<hbm>> -> memref<168x128xf32, #tpu.memory_space<hbm>>
    tpu.wait_dma2 semaphore(%arg13 : memref<!tpu.dma_semaphore, #tpu.memory_space<semaphore_mem>>) src(%arg9 : memref<168x128xf32, #tpu.memory_space<vmem>>) dst(%dma_wait3A_91 : memref<168x128xf32, #tpu.memory_space<hbm>>)
    %eq3A = arith.constant 31 : i32
    %eq3A_92 = arith.cmpi eq, %add3A, %eq3A : i32
    %convert_element_type3A = arith.extui %eq3A_92 : i1 to i32
    %cond3A = arith.constant 0 : i32
    %cond3A_93 = arith.cmpi ne, %convert_element_type3A, %cond3A : i32
    scf.if %cond3A_93 {
      "tpu.region"() ({
        %run_scoped3A = tpu.sem_alloc : memref<!tpu.dma_semaphore, #tpu.memory_space<semaphore_mem>>
        %dma_start3A_97 = arith.constant 0 : i32
        %dma_start3A_98 = arith.constant 0 : i32
        %dma_start3A_99 = tpu.memref_slice %arg6[%dma_start3A_97, %dma_start3A_98] : memref<168x32xi32, #tpu.memory_space<vmem>> -> memref<32x32xi32, #tpu.memory_space<vmem>>
        %dma_start3A_100 = arith.constant 499968 : i32
        %dma_start3A_101 = arith.constant 0 : i32
        %dma_start3A_102 = tpu.memref_slice %arg2[%dma_start3A_100, %dma_start3A_101] : memref<500000x32xi32, #tpu.memory_space<hbm>> -> memref<32x32xi32, #tpu.memory_space<hbm>>
        %dma_start3A_103 = arith.constant 0 : i32
        %dma_start3A_104 = arith.constant 0 : i32
        %dma_start3A_105 = tpu.memref_slice %arg6[%dma_start3A_103, %dma_start3A_104] : memref<168x32xi32, #tpu.memory_space<vmem>> -> memref<32x32xi32, #tpu.memory_space<vmem>>
        %dma_start3A_106 = arith.constant 499968 : i32
        %dma_start3A_107 = arith.constant 0 : i32
        %dma_start3A_108 = tpu.memref_slice %arg2[%dma_start3A_106, %dma_start3A_107] : memref<500000x32xi32, #tpu.memory_space<hbm>> -> memref<32x32xi32, #tpu.memory_space<hbm>>
        tpu.enqueue_dma source(%dma_start3A_108 : memref<32x32xi32, #tpu.memory_space<hbm>>) target(%dma_start3A_105 : memref<32x32xi32, #tpu.memory_space<vmem>>) target_semaphore(%run_scoped3A : memref<!tpu.dma_semaphore, #tpu.memory_space<semaphore_mem>>)
        %dma_wait3A_109 = arith.constant 0 : i32
        %dma_wait3A_110 = arith.constant 0 : i32
        %dma_wait3A_111 = tpu.memref_slice %arg6[%dma_wait3A_109, %dma_wait3A_110] : memref<168x32xi32, #tpu.memory_space<vmem>> -> memref<32x32xi32, #tpu.memory_space<vmem>>
        %dma_wait3A_112 = arith.constant 499968 : i32
        %dma_wait3A_113 = arith.constant 0 : i32
        %dma_wait3A_114 = tpu.memref_slice %arg2[%dma_wait3A_112, %dma_wait3A_113] : memref<500000x32xi32, #tpu.memory_space<hbm>> -> memref<32x32xi32, #tpu.memory_space<hbm>>
        %dma_wait3A_115 = arith.constant 0 : i32
        %dma_wait3A_116 = arith.constant 0 : i32
        %dma_wait3A_117 = tpu.memref_slice %arg6[%dma_wait3A_115, %dma_wait3A_116] : memref<168x32xi32, #tpu.memory_space<vmem>> -> memref<32x32xi32, #tpu.memory_space<vmem>>
        %dma_wait3A_118 = arith.constant 499968 : i32
        %dma_wait3A_119 = arith.constant 0 : i32
        %dma_wait3A_120 = tpu.memref_slice %arg2[%dma_wait3A_118, %dma_wait3A_119] : memref<500000x32xi32, #tpu.memory_space<hbm>> -> memref<32x32xi32, #tpu.memory_space<hbm>>
        tpu.wait_dma2 semaphore(%run_scoped3A : memref<!tpu.dma_semaphore, #tpu.memory_space<semaphore_mem>>) src(%dma_wait3A_120 : memref<32x32xi32, #tpu.memory_space<hbm>>) dst(%dma_wait3A_117 : memref<32x32xi32, #tpu.memory_space<vmem>>)
        tpu.yield
      }) : () -> ()
      %parallel_loop3A_94 = arith.constant 0 : i32
      %parallel_loop3A_95 = arith.constant 32 : i32
      %parallel_loop3A_96 = arith.constant 1 : i32
      scf.for %parallel_loop3A_97 = %parallel_loop3A_94 to %parallel_loop3A_95 step %parallel_loop3A_96  : i32 {
        %parallel_loop3A_98 = vector.broadcast %parallel_loop3A_97 : i32 to vector<16xi32>
        %parallel_loop3A_99 = arith.constant 0 : i32
        %parallel_loop3A_100 = vector.broadcast %parallel_loop3A_99 : i32 to vector<16xi32>
        %parallel_loop3A_101 = arith.addi %iota3A, %parallel_loop3A_100 : vector<16xi32>
        %parallel_loop3A_102 = tpu.vector_load_idx %arg6[%parallel_loop3A_98, %parallel_loop3A_101] : memref<168x32xi32, #tpu.memory_space<vmem>>[vector<16xi32>, vector<16xi32>], vector<16xi32>,
        %parallel_loop3A_103 = arith.constant 2 : i32
        %parallel_loop3A_104 = vector.broadcast %parallel_loop3A_103 : i32 to vector<16xi32>
        %parallel_loop3A_105 = arith.shli %parallel_loop3A_102, %parallel_loop3A_104 : vector<16xi32>
        %parallel_loop3A_106 = arith.constant 10 : i32
        %parallel_loop3A_107 = vector.broadcast %parallel_loop3A_106 : i32 to vector<16xi32>
        %parallel_loop3A_108 = arith.shli %iota3A, %parallel_loop3A_107 : vector<16xi32>
        %parallel_loop3A_109 = arith.addi %parallel_loop3A_105, %parallel_loop3A_108 : vector<16xi32>
        %parallel_loop3A_110 = arith.constant 0 : i32
        %parallel_loop3A_111 = vector.broadcast %parallel_loop3A_110 : i32 to vector<16xi32>
        %parallel_loop3A_112 = arith.addi %parallel_loop3A_109, %parallel_loop3A_111 : vector<16xi32>
        %parallel_loop3A_113 = arith.constant 2 : i32
        %parallel_loop3A_114 = vector.broadcast %parallel_loop3A_113 : i32 to vector<16xi32>
        %parallel_loop3A_115 = arith.shli %iota3A, %parallel_loop3A_114 : vector<16xi32>
        %parallel_loop3A_116 = arith.constant 0 : i32
        %parallel_loop3A_117 = vector.broadcast %parallel_loop3A_116 : i32 to vector<16xi32>
        %parallel_loop3A_118 = arith.addi %parallel_loop3A_115, %parallel_loop3A_117 : vector<16xi32>
        %parallel_loop3A_119 = arith.constant 0 : i32
        %parallel_loop3A_120 = vector.broadcast %parallel_loop3A_119 : i32 to vector<16xi32>
        %parallel_loop3A_121 = arith.addi %parallel_loop3A_112, %parallel_loop3A_120 : vector<16xi32>
        %parallel_loop3A_122 = tpu.vector_load_idx %arg5[%parallel_loop3A_121] : memref<32768xf32, #tpu.memory_space<vmem>>[vector<16xi32>], vector<16xf32>,
        %parallel_loop3A_123 = arith.constant 0 : i32
        %parallel_loop3A_124 = vector.broadcast %parallel_loop3A_123 : i32 to vector<16xi32>
        %parallel_loop3A_125 = arith.addi %parallel_loop3A_118, %parallel_loop3A_124 : vector<16xi32>
        tpu.vector_store_idx %arg8[%parallel_loop3A_98, %parallel_loop3A_125], %parallel_loop3A_122 : memref<168x128xf32, #tpu.memory_space<vmem>>[vector<16xi32>, vector<16xi32>], vector<16xf32>,
        %parallel_loop3A_126 = arith.constant 1 : i32
        %parallel_loop3A_127 = vector.broadcast %parallel_loop3A_126 : i32 to vector<16xi32>
        %parallel_loop3A_128 = arith.addi %parallel_loop3A_112, %parallel_loop3A_127 : vector<16xi32>
        %parallel_loop3A_129 = tpu.vector_load_idx %arg5[%parallel_loop3A_128] : memref<32768xf32, #tpu.memory_space<vmem>>[vector<16xi32>], vector<16xf32>,
        %parallel_loop3A_130 = arith.constant 1 : i32
        %parallel_loop3A_131 = vector.broadcast %parallel_loop3A_130 : i32 to vector<16xi32>
        %parallel_loop3A_132 = arith.addi %parallel_loop3A_118, %parallel_loop3A_131 : vector<16xi32>
        tpu.vector_store_idx %arg8[%parallel_loop3A_98, %parallel_loop3A_132], %parallel_loop3A_129 : memref<168x128xf32, #tpu.memory_space<vmem>>[vector<16xi32>, vector<16xi32>], vector<16xf32>,
        %parallel_loop3A_133 = arith.constant 2 : i32
        %parallel_loop3A_134 = vector.broadcast %parallel_loop3A_133 : i32 to vector<16xi32>
        %parallel_loop3A_135 = arith.addi %parallel_loop3A_112, %parallel_loop3A_134 : vector<16xi32>
        %parallel_loop3A_136 = tpu.vector_load_idx %arg5[%parallel_loop3A_135] : memref<32768xf32, #tpu.memory_space<vmem>>[vector<16xi32>], vector<16xf32>,
        %parallel_loop3A_137 = arith.constant 2 : i32
        %parallel_loop3A_138 = vector.broadcast %parallel_loop3A_137 : i32 to vector<16xi32>
        %parallel_loop3A_139 = arith.addi %parallel_loop3A_118, %parallel_loop3A_138 : vector<16xi32>
        tpu.vector_store_idx %arg8[%parallel_loop3A_98, %parallel_loop3A_139], %parallel_loop3A_136 : memref<168x128xf32, #tpu.memory_space<vmem>>[vector<16xi32>, vector<16xi32>], vector<16xf32>,
        %parallel_loop3A_140 = arith.constant 3 : i32
        %parallel_loop3A_141 = vector.broadcast %parallel_loop3A_140 : i32 to vector<16xi32>
        %parallel_loop3A_142 = arith.addi %parallel_loop3A_112, %parallel_loop3A_141 : vector<16xi32>
        %parallel_loop3A_143 = tpu.vector_load_idx %arg5[%parallel_loop3A_142] : memref<32768xf32, #tpu.memory_space<vmem>>[vector<16xi32>], vector<16xf32>,
        %parallel_loop3A_144 = arith.constant 3 : i32
        %parallel_loop3A_145 = vector.broadcast %parallel_loop3A_144 : i32 to vector<16xi32>
        %parallel_loop3A_146 = arith.addi %parallel_loop3A_118, %parallel_loop3A_145 : vector<16xi32>
        tpu.vector_store_idx %arg8[%parallel_loop3A_98, %parallel_loop3A_146], %parallel_loop3A_143 : memref<168x128xf32, #tpu.memory_space<vmem>>[vector<16xi32>, vector<16xi32>], vector<16xf32>,
        %parallel_loop3A_147 = arith.constant 16 : i32
        %parallel_loop3A_148 = vector.broadcast %parallel_loop3A_147 : i32 to vector<16xi32>
        %parallel_loop3A_149 = arith.addi %iota3A, %parallel_loop3A_148 : vector<16xi32>
        %parallel_loop3A_150 = tpu.vector_load_idx %arg6[%parallel_loop3A_98, %parallel_loop3A_149] : memref<168x32xi32, #tpu.memory_space<vmem>>[vector<16xi32>, vector<16xi32>], vector<16xi32>,
        %parallel_loop3A_151 = arith.constant 2 : i32
        %parallel_loop3A_152 = vector.broadcast %parallel_loop3A_151 : i32 to vector<16xi32>
        %parallel_loop3A_153 = arith.shli %parallel_loop3A_150, %parallel_loop3A_152 : vector<16xi32>
        %parallel_loop3A_154 = arith.constant 10 : i32
        %parallel_loop3A_155 = vector.broadcast %parallel_loop3A_154 : i32 to vector<16xi32>
        %parallel_loop3A_156 = arith.shli %iota3A, %parallel_loop3A_155 : vector<16xi32>
        %parallel_loop3A_157 = arith.addi %parallel_loop3A_153, %parallel_loop3A_156 : vector<16xi32>
        %parallel_loop3A_158 = arith.constant 16384 : i32
        %parallel_loop3A_159 = vector.broadcast %parallel_loop3A_158 : i32 to vector<16xi32>
        %parallel_loop3A_160 = arith.addi %parallel_loop3A_157, %parallel_loop3A_159 : vector<16xi32>
        %parallel_loop3A_161 = arith.constant 2 : i32
        %parallel_loop3A_162 = vector.broadcast %parallel_loop3A_161 : i32 to vector<16xi32>
        %parallel_loop3A_163 = arith.shli %iota3A, %parallel_loop3A_162 : vector<16xi32>
        %parallel_loop3A_164 = arith.constant 64 : i32
        %parallel_loop3A_165 = vector.broadcast %parallel_loop3A_164 : i32 to vector<16xi32>
        %parallel_loop3A_166 = arith.addi %parallel_loop3A_163, %parallel_loop3A_165 : vector<16xi32>
        %parallel_loop3A_167 = arith.constant 0 : i32
        %parallel_loop3A_168 = vector.broadcast %parallel_loop3A_167 : i32 to vector<16xi32>
        %parallel_loop3A_169 = arith.addi %parallel_loop3A_160, %parallel_loop3A_168 : vector<16xi32>
        %parallel_loop3A_170 = tpu.vector_load_idx %arg5[%parallel_loop3A_169] : memref<32768xf32, #tpu.memory_space<vmem>>[vector<16xi32>], vector<16xf32>,
        %parallel_loop3A_171 = arith.constant 0 : i32
        %parallel_loop3A_172 = vector.broadcast %parallel_loop3A_171 : i32 to vector<16xi32>
        %parallel_loop3A_173 = arith.addi %parallel_loop3A_166, %parallel_loop3A_172 : vector<16xi32>
        tpu.vector_store_idx %arg8[%parallel_loop3A_98, %parallel_loop3A_173], %parallel_loop3A_170 : memref<168x128xf32, #tpu.memory_space<vmem>>[vector<16xi32>, vector<16xi32>], vector<16xf32>,
        %parallel_loop3A_174 = arith.constant 1 : i32
        %parallel_loop3A_175 = vector.broadcast %parallel_loop3A_174 : i32 to vector<16xi32>
        %parallel_loop3A_176 = arith.addi %parallel_loop3A_160, %parallel_loop3A_175 : vector<16xi32>
        %parallel_loop3A_177 = tpu.vector_load_idx %arg5[%parallel_loop3A_176] : memref<32768xf32, #tpu.memory_space<vmem>>[vector<16xi32>], vector<16xf32>,
        %parallel_loop3A_178 = arith.constant 1 : i32
        %parallel_loop3A_179 = vector.broadcast %parallel_loop3A_178 : i32 to vector<16xi32>
        %parallel_loop3A_180 = arith.addi %parallel_loop3A_166, %parallel_loop3A_179 : vector<16xi32>
        tpu.vector_store_idx %arg8[%parallel_loop3A_98, %parallel_loop3A_180], %parallel_loop3A_177 : memref<168x128xf32, #tpu.memory_space<vmem>>[vector<16xi32>, vector<16xi32>], vector<16xf32>,
        %parallel_loop3A_181 = arith.constant 2 : i32
        %parallel_loop3A_182 = vector.broadcast %parallel_loop3A_181 : i32 to vector<16xi32>
        %parallel_loop3A_183 = arith.addi %parallel_loop3A_160, %parallel_loop3A_182 : vector<16xi32>
        %parallel_loop3A_184 = tpu.vector_load_idx %arg5[%parallel_loop3A_183] : memref<32768xf32, #tpu.memory_space<vmem>>[vector<16xi32>], vector<16xf32>,
        %parallel_loop3A_185 = arith.constant 2 : i32
        %parallel_loop3A_186 = vector.broadcast %parallel_loop3A_185 : i32 to vector<16xi32>
        %parallel_loop3A_187 = arith.addi %parallel_loop3A_166, %parallel_loop3A_186 : vector<16xi32>
        tpu.vector_store_idx %arg8[%parallel_loop3A_98, %parallel_loop3A_187], %parallel_loop3A_184 : memref<168x128xf32, #tpu.memory_space<vmem>>[vector<16xi32>, vector<16xi32>], vector<16xf32>,
        %parallel_loop3A_188 = arith.constant 3 : i32
        %parallel_loop3A_189 = vector.broadcast %parallel_loop3A_188 : i32 to vector<16xi32>
        %parallel_loop3A_190 = arith.addi %parallel_loop3A_160, %parallel_loop3A_189 : vector<16xi32>
        %parallel_loop3A_191 = tpu.vector_load_idx %arg5[%parallel_loop3A_190] : memref<32768xf32, #tpu.memory_space<vmem>>[vector<16xi32>], vector<16xf32>,
        %parallel_loop3A_192 = arith.constant 3 : i32
        %parallel_loop3A_193 = vector.broadcast %parallel_loop3A_192 : i32 to vector<16xi32>
        %parallel_loop3A_194 = arith.addi %parallel_loop3A_166, %parallel_loop3A_193 : vector<16xi32>
        tpu.vector_store_idx %arg8[%parallel_loop3A_98, %parallel_loop3A_194], %parallel_loop3A_191 : memref<168x128xf32, #tpu.memory_space<vmem>>[vector<16xi32>, vector<16xi32>], vector<16xf32>,
      } {sc.loop_unroll_factor = 2 : i64, sc.parallel_access}
      "tpu.region"() ({
        %run_scoped3A = tpu.sem_alloc : memref<!tpu.dma_semaphore, #tpu.memory_space<semaphore_mem>>
        %dma_start3A_97 = arith.constant 0 : i32
        %dma_start3A_98 = arith.constant 0 : i32
        %dma_start3A_99 = tpu.memref_slice %arg8[%dma_start3A_97, %dma_start3A_98] : memref<168x128xf32, #tpu.memory_space<vmem>> -> memref<32x128xf32, #tpu.memory_space<vmem>>
        %dma_start3A_100 = arith.constant 499968 : i32
        %dma_start3A_101 = arith.constant 0 : i32
        %dma_start3A_102 = tpu.memref_slice %arg4[%dma_start3A_100, %dma_start3A_101] : memref<500000x128xf32, #tpu.memory_space<hbm>> -> memref<32x128xf32, #tpu.memory_space<hbm>>
        %dma_start3A_103 = arith.constant 499968 : i32
        %dma_start3A_104 = arith.constant 0 : i32
        %dma_start3A_105 = tpu.memref_slice %arg4[%dma_start3A_103, %dma_start3A_104] : memref<500000x128xf32, #tpu.memory_space<hbm>> -> memref<32x128xf32, #tpu.memory_space<hbm>>
        %dma_start3A_106 = arith.constant 0 : i32
        %dma_start3A_107 = arith.constant 0 : i32
        %dma_start3A_108 = tpu.memref_slice %arg8[%dma_start3A_106, %dma_start3A_107] : memref<168x128xf32, #tpu.memory_space<vmem>> -> memref<32x128xf32, #tpu.memory_space<vmem>>
        tpu.enqueue_dma source(%dma_start3A_108 : memref<32x128xf32, #tpu.memory_space<vmem>>) target(%dma_start3A_105 : memref<32x128xf32, #tpu.memory_space<hbm>>) target_semaphore(%run_scoped3A : memref<!tpu.dma_semaphore, #tpu.memory_space<semaphore_mem>>)
        %dma_wait3A_109 = arith.constant 0 : i32
        %dma_wait3A_110 = arith.constant 0 : i32
        %dma_wait3A_111 = tpu.memref_slice %arg8[%dma_wait3A_109, %dma_wait3A_110] : memref<168x128xf32, #tpu.memory_space<vmem>> -> memref<32x128xf32, #tpu.memory_space<vmem>>
        %dma_wait3A_112 = arith.constant 499968 : i32
        %dma_wait3A_113 = arith.constant 0 : i32
        %dma_wait3A_114 = tpu.memref_slice %arg4[%dma_wait3A_112, %dma_wait3A_113] : memref<500000x128xf32, #tpu.memory_space<hbm>> -> memref<32x128xf32, #tpu.memory_space<hbm>>
        %dma_wait3A_115 = arith.constant 499968 : i32
        %dma_wait3A_116 = arith.constant 0 : i32
        %dma_wait3A_117 = tpu.memref_slice %arg4[%dma_wait3A_115, %dma_wait3A_116] : memref<500000x128xf32, #tpu.memory_space<hbm>> -> memref<32x128xf32, #tpu.memory_space<hbm>>
        %dma_wait3A_118 = arith.constant 0 : i32
        %dma_wait3A_119 = arith.constant 0 : i32
        %dma_wait3A_120 = tpu.memref_slice %arg8[%dma_wait3A_118, %dma_wait3A_119] : memref<168x128xf32, #tpu.memory_space<vmem>> -> memref<32x128xf32, #tpu.memory_space<vmem>>
        tpu.wait_dma2 semaphore(%run_scoped3A : memref<!tpu.dma_semaphore, #tpu.memory_space<semaphore_mem>>) src(%dma_wait3A_120 : memref<32x128xf32, #tpu.memory_space<vmem>>) dst(%dma_wait3A_117 : memref<32x128xf32, #tpu.memory_space<hbm>>)
        tpu.yield
      }) : () -> ()
    } else {
    }
    return
  }
}

</mosaic_0001>

<sc_bundles>
// kernel: kernel.3.cloned.1.call-start
scs
__scs_entry_jumppad:
0x0: {  	(pc) =	sbr.rel $0x88, $3  }
0x1: {  	(tag) =	ssettag $0x0;
	lr =	simm.s32 $0x1  }
0x2: {  	[smem:$0x3F9F] =	sst lr;
	_ =	strace $0xD0000000  }
0x3: {  	_ = 	snop  }
0x4: {  	_ = 	snop  }
0x5: {  	_ = 	snop  }
0x6: {  	_ = 	snop  }
0x7: {  	_ = 	snop  }
__scs_overlays_trampoline_lowered:
0x8: {  	[smem:$0x3FAE] =	sst s0  }
0x9: {  	[smem:$0x3FAF] =	sst s1  }
0xa: {  	[smem:$0x3FB0] =	sst s2  }
0xb: {  	[smem:$0x3FB1] =	sst s3  }
0xc: {  	[smem:$0x3FB2] =	sst s4  }
0xd: {  	[smem:$0x3FB3] =	sst s5  }
0xe: {  	[smem:$0x3FB4] =	sst s6  }
0xf: {  	[smem:$0x3FB5] =	sst s7  }
0x10: {  	[smem:$0x3FB6] =	sst s8  }
0x11: {  	[smem:$0x3FB7] =	sst s9;
	s0 =	simm.s32 @!p0 $0x0  }
0x12: {  	s1 =	sld [smem:$0x3F9D];
	s0 =	simm.s32 @p0 $0x1  }
0x13: {  	[smem:$0x3FB8] =	sst s0;
	s0 =	simm.s32 @!p1 $0x0  }
0x14: {  	s2 =	sld [smem:$0x3F9C];
	s0 =	simm.s32 @p1 $0x1  }
0x15: {  	[smem:$0x3FB9] =	sst s0;
	s0 =	simm.s32 @!p2 $0x0  }
0x16: {  	s3 =	sld [smem:$0x3FDB];
	s0 =	simm.s32 @p2 $0x1  }
0x17: {  	s4 =	simm.s32 $0x1BF5;
	[smem:$0x3FBB] =	sst s0  }
0x18: {  	s0 =	sld [smem:$0x3F9E];
	_ =	swait.ge [sflag:s4], $0x0  }
0x19: {  	s7 =	sld [smem:$0x3F9F]  }
0x1a: {  	s8 =	sadd.s32 $0xFFFFE003, lr  }
0x1b: {  	s9 =	sadd.s32 $0xFFFFFEF7, lr;
	s5 =	simm.s32 $0xFFFFFFFF;
	p2 =	slt.u32 s8, $0xFFFFF086  }
0x1c: {  	p1 =	slt.u32 s9, $0xF7A;
	s5 =	simm.s32 @!p2 $0x0  }
0x1d: {  	s5 =	simm.s32 @p1 $0x1;
	p0 =	seq.s32 s7, s2  }
0x1e: {  	s7 =	smul.u32 @!p0 $0xF7A, s2;
	p2 =	seq.s32 @!p0 s5, $0x0  }
0x1f: {  	s9 =	smul.u32 $0xF7A, s1;
	s8 =	simm.s32 @!p0 $0x1BF5;
	p2 =	por !p2, p0  }
0x20: {  	[sflag:s8] =	ssyncset.s32 @!p0 $0xFFFFF086;
	s6 =	sadd.s32 @!p0 s3, s7;
	s7 =	simm.s32 @!p0 $0x108  }
0x21: {  	s3 =	sadd.s32 s3, s9;
	s6 =	sadd.s32 @!p0 $0x88, s6;
	s7 =	simm.s32 @p2 $0x1082  }
0x22: {  	[simem:s7], [sflag:s8] =	dma.local @!p0 [hbm:s6], $0xF7A  }
0x23: {  	s9 =	sor.u32 $0xD0000000, s2;
	s6 =	simm.s32 $0x108;
	_ =	swait.ge @!p0 [sflag:s8], $0x0  }
0x24: {  	s3 =	sadd.s32 $0x88, s3;
	s6 =	simm.s32 @!p1 $0x1082;
	[sflag:s4] =	ssyncset.s32 $0xFFFFF086  }
0x25: {  	[simem:s6], [sflag:s4] =	dma.local [hbm:s3], $0xF7A  }
0x26: {  	[smem:$0x3F9F] =	sst s1;
	(tag) =	ssettag s2;
	_ =	strace s9  }
0x27: {  	s1 =	sld [smem:$0x3FAF]  }
0x28: {  	s2 =	sld [smem:$0x3FB0]  }
0x29: {  	s4 =	sld [smem:$0x3FB2]  }
0x2a: {  	p0 =	seq.s32 s5, $0x0;
	s5 =	sld [smem:$0x3FB3]  }
0x2b: {  	s6 =	sld [smem:$0x3FB4]  }
0x2c: {  	s7 =	sld [smem:$0x3FB5]  }
0x2d: {  	s3 =	simm.s32 $0x108;
	s8 =	sld [smem:$0x3FB6]  }
0x2e: {  	s3 =	simm.s32 @!p0 $0x1082;
	s9 =	sld [smem:$0x3FB7]  }
0x2f: {  	lr =	sadd.s32 s0, s3;
	s0 =	sld [smem:$0x3FAE]  }
0x30: {  	s3 =	sld [smem:$0x3FB1]  }
0x31: {  	[smem:$0x3FBA] =	sst s10  }
0x32: {  	s10 =	sld [smem:$0x3FB8];
	_ =	sdelay $0x3  }
0x33: {  	p0 =	seq.s32 s10, $0x1;
	s10 =	sld [smem:$0x3FBA];
	_ =	sdelay $0x3  }
0x34: {  	[smem:$0x3FBA] =	sst s10  }
0x35: {  	s10 =	sld [smem:$0x3FB9];
	_ =	sdelay $0x3  }
0x36: {  	p1 =	seq.s32 s10, $0x1;
	s10 =	sld [smem:$0x3FBA];
	_ =	sdelay $0x3  }
0x37: {  	[smem:$0x3FBA] =	sst s10  }
0x38: {  	s10 =	sld [smem:$0x3FBB]  }
0x39: {  	_ = 	snop;
	(pc) =	sbr.ind lr, $3  }
0x3a: {  	_ = 	snop  }
0x3b: {  	_ = 	snop  }
0x3c: {  	p2 =	seq.s32 s10, $0x1;
	s10 =	sld [smem:$0x3FBA]  }
0x3d: {  	_ =	shalt  }
0x3e: {  	_ =	shalt  }
0x3f: {  	_ =	shalt  }
0x40: {  	_ =	shalt  }
0x41: {  	_ =	shalt  }
0x42: {  	_ =	shalt  }
0x43: {  	_ =	shalt  }
0x44: {  	_ =	shalt  }
0x45: {  	_ =	shalt  }
0x46: {  	_ =	shalt  }
0x47: {  	_ =	shalt  }
0x48: {  	_ =	shalt  }
0x49: {  	_ =	shalt  }
0x4a: {  	_ =	shalt  }
0x4b: {  	_ =	shalt  }
0x4c: {  	_ =	shalt  }
0x4d: {  	_ =	shalt  }
0x4e: {  	_ =	shalt  }
0x4f: {  	_ =	shalt  }
0x50: {  	_ =	shalt  }
0x51: {  	_ =	shalt  }
0x52: {  	_ =	shalt  }
0x53: {  	_ =	shalt  }
0x54: {  	_ =	shalt  }
0x55: {  	_ =	shalt  }
0x56: {  	_ =	shalt  }
0x57: {  	_ =	shalt  }
0x58: {  	_ =	shalt  }
0x59: {  	_ =	shalt  }
0x5a: {  	_ =	shalt  }
0x5b: {  	_ =	shalt  }
0x5c: {  	_ =	shalt  }
0x5d: {  	_ =	shalt  }
0x5e: {  	_ =	shalt  }
0x5f: {  	_ =	shalt  }
0x60: {  	_ =	shalt  }
0x61: {  	_ =	shalt  }
0x62: {  	_ =	shalt  }
0x63: {  	_ =	shalt  }
0x64: {  	_ =	shalt  }
0x65: {  	_ =	shalt  }
0x66: {  	_ =	shalt  }
0x67: {  	_ =	shalt  }
0x68: {  	_ =	shalt  }
0x69: {  	_ =	shalt  }
0x6a: {  	_ =	shalt  }
0x6b: {  	_ =	shalt  }
0x6c: {  	_ =	shalt  }
0x6d: {  	_ =	shalt  }
0x6e: {  	_ =	shalt  }
0x6f: {  	_ =	shalt  }
0x70: {  	_ =	shalt  }
0x71: {  	_ =	shalt  }
0x72: {  	_ =	shalt  }
0x73: {  	_ =	shalt  }
0x74: {  	_ =	shalt  }
0x75: {  	_ =	shalt  }
0x76: {  	_ =	shalt  }
0x77: {  	_ =	shalt  }
0x78: {  	_ =	shalt  }
0x79: {  	_ =	shalt  }
0x7a: {  	_ =	shalt  }
0x7b: {  	_ =	shalt  }
0x7c: {  	_ =	shalt  }
0x7d: {  	_ =	shalt  }
0x7e: {  	_ =	shalt  }
0x7f: {  	_ =	shalt  }
0x80: {  	_ =	shalt  }
0x81: {  	_ =	shalt  }
0x82: {  	_ =	shalt  }
0x83: {  	_ =	shalt  }
0x84: {  	_ =	shalt  }
0x85: {  	_ =	shalt  }
0x86: {  	_ =	shalt  }
0x87: {  	_ =	shalt  }
.Lfunc_end0:
.L_simem_size_0:
called_computation_lowered:
.L_overlay_start_0:
0x88: {  	s2 =	sld [smem:$0x3FD9]  }
0x89: {  	s3 =	sld [smem:$0x3FFE];
	_ =	sdelay $0x1  }
0x8a: {  	s1 =	srdreg.scid  }
0x8b: {  	s0 =	sand.u32 $0x1, s1  }
0x8c: {  	s17 =	sshll.u32 s0, $0xA;
	s2 =	sadd.s32 s3, s2  }
0x8d: {  	s2 =	sadd.s32 s2, s17  }
0x8e: {  	[smem:$0x3FC6] =	sst s2  }
0x8f: {  	_ = 	snop  }
0x90: {  	s2 =	sld [smem:$0x3FD0];
	(tm) =	ssettm $0x1  }
0x91: {  	s18 =	sld [smem:$0x3FFB];
	_ =	sdelay $0x3  }
0x92: {  	_ =	strace s18  }
0x93: {  	s3 =	sld [smem:$0x3FFC];
	_ =	sdelay $0x3  }
0x94: {  	_ =	strace s3  }
0x95: {  	s3 =	sld [smem:$0x3FFD];
	_ =	sdelay $0x3  }
0x96: {  	_ =	strace s3  }
0x97: {  	_ =	strace $0x8FFFFFFF  }
0x98: {  	s19 =	sld [smem:$0x3FDB];
	_ =	sdelay $0x1  }
0x99: {  	s4 =	simm.s32 $_scs_section_size  }
0x9a: {  	s5 =	simm.s32 $_size__tile_overlayer_lowered;
	s6 =	simm.s32 $_tile_overlayer_lowered  }
0x9b: {  	s22 =	simm.s32 $0x1BFF;
	s21 =	sshll.u32 s6, $0x1;
	s3 =	sadd.s32 s4, s19  }
0x9c: {  	s7 =	simm.s32 $0x0;
	s20 =	sshll.u32 s5, $0x1;
	s5 =	sadd.s32 s21, s3  }
0x9d: {  	[timem:s7], [sflag:s22] =	dma.local [hbm:s5], s20  }
0x9e: {  	_ =	swait.ge [sflag:s22], s20  }
0x9f: {  	s4 =	ssub.s32 $0x0, s20;
	[sflag:s22] =	ssyncset.done $0x0  }
0xa0: {  	[sflag:s22] =	ssyncadd.s32 s4;
	_ =	sdelay $0x1  }
0xa1: {  	s23 =	simm.s32 $0x1B8B  }
0xa2: {  	_ =	swait.ge [sflag:s23], $0x1  }
0xa3: {  	[sflag:s23] =	ssyncset.done $0x0  }
0xa4: {  	s25 =	simm.s32 $0x1B8E;
	s24 =	sld [smem:$0x3FFE];
	[sflag:s23] =	ssyncadd.s32 $0xFFFFFFFF  }
0xa5: {  	s26 =	simm.s32 $execute0_lowered;
	[smem:$0x3FD2] =	sst s25  }
0xa6: {  	s5 =	sshll.u32 s26, $0x1;
	_ =	strace $0x80000046;
	[dreg:$0x1] =	wrdreg $0xFFFFFFFF  }
0xa7: {  	s28 =	simm.s32 $_size_execute0_lowered;
	s3 =	sadd.s32 s3, s5;
	[dreg:$0x0] =	wrdreg $0x0  }
0xa8: {  	s5 =	sshll.u32 s28, $0x1;
	[dreg:$0x2] =	wrdreg s3  }
0xa9: {  	[dreg:$0x3] =	wrdreg s5  }
0xaa: {  	[dreg:$0x4] =	wrdreg $0xC0  }
0xab: {  	_ =	task [dreg:s7], $0x5FFFF  }
0xac: {  	[dreg:$0x1] =	wrdreg $0xFFFFFFFF  }
0xad: {  	[dreg:$0x0] =	wrdreg $0x60  }
0xae: {  	[dreg:$0x2] =	wrdreg s24  }
0xaf: {  	[dreg:$0x3] =	wrdreg s2  }
0xb0: {  	[dreg:$0x4] =	wrdreg $0x9  }
0xb1: {  	_ =	task.clear_ibuf [dreg:s7], $0x5FFFF;
	_ =	strace $0x90000046  }
0xb2: {  	s29 =	simm.s32 $0x9;
	_ =	strace $0x80000048  }
0xb3: {  	_ =	swait.ge [sflag:s29], $0x1  }
0xb4: {  	[sflag:s29] =	ssyncadd.s32 $0xFFFFFFFF  }
0xb5: {  	_ =	strace $0x90000048  }
0xb6: {  	_ =	sfence  }
0xb7: {  	s30 =	sld [smem:$0x0];
	_ =	sdelay $0x2  }
0xb8: {  	s31 =	sshll.u32 s1, $0xD;
	s1 =	sshrl.u32 s1, $0x2  }
0xb9: {  	s3 =	sand.u32 $0x4000, s31;
	s1 =	sadd.s32 s1, s30  }
0xba: {  	s0 =	sor.u32 s3, s0;
	s1 =	sshll.u32 s1, $0x11  }
0xbb: {  	s0 =	sor.u32 s1, s0  }
0xbc: {  	s0 =	sadd.s32 $0x8F2B, s0  }
0xbd: {  	[sflag:s0] =	ssyncadd.remote.s32 $0x1  }
0xbe: {  	_ =	sfence.sel $0xFFFF  }
0xbf: {  	[dreg:$0x0] =	wrdreg $0xFFFFFFFF;
	(pc) =	sbr.abs _section_cstart, $3  }
0xc0: {  	[dreg:$0x1] =	wrdreg $0xFFFFFFFF  }
0xc1: {  	_ =	task.clear_ibuf [dreg:s7], $0x2FFFF;
	_ =	strace $0x9FFFFFFF  }
0xc2: {  	(tm) =	ssettm $0x7FFFFFFF  }
0xc3: {  	_ =	shalt  }
tec
execute0_lowered:
.L_overlay_start_1:
0x0: {  	(tag) =	ssettag $0x1  }
0x1: {  	s0 =	rddreg [dreg:$0x0]  }
0x2: {  	s2 =	rddreg [dreg:$0x1];
	s1 =	srdreg.scid  }
0x3: {  	s4 =	stileid.u32;
	s3 =	simm.s32 $0x0;
	s18 =	simm.s32 $0x5  }
0x4: {  	s19 =	simm.s32 $0x8000;
	s20 =	simm.s32 $0x1;
	s21 =	simm.s32 $0xD400  }
0x5: {  	s22 =	simm.s32 $0x12800;
	s28 =	simm.s32 $0x0;
	s1 =	sand.u32 $0x1, s1  }
0x6: {  	s4 =	sshll.u32 s4, $0x1;
	[smem:$0x7FF] =	sst s3;
	s7 =	sadd.s32 $0x400, s0  }
0x7: {  	s31 =	sadd.s32 $0x7A1000, s2;
	s5 =	sor.u32 s1, s4;
	_ =	strace $0x80000047  }
0x8: {  	s4 =	sadd.s32 $0x1400, s0;
	[dreg:$0x3] =	wrdreg s7;
	s1 =	ssub.s32 $0x2, s1  }
0x9: {  	s0 =	sadd.s32 $0x7A2400, s0;
	[dreg:$0xb] =	wrdreg s31;
	s6 =	smul.u32 $0x1E8400, s5  }
0xa: {  	s23 =	sshrl.u32 s1, $0x1;
	s8 =	smul.u32 $0x3D080, s5;
	[dreg:$0xa] =	wrdreg s0  }
0xb: {  	p0 =	sne.s32 s5, $0x1F;
	s1 =	ssub.s32 s1, s23;
	s23 =	simm.s32 $0x2  }
0xc: {  	v0 =	vlaneseq.u32;
	s9 =	sshrl.u32 s6, $0x3;
	s6 =	smul.u32 $0x3D08, s5;
	s10 =	sadd.s32 s4, s8  }
0xd: {  	v1 =	vmul.u32 $0x400, v0;
	v2 =	vmul.u32 $0x4, v0;
	s8 =	sadd.s32 s2, s8;
	s17 =	smax.u32 s1, $0x1;
	[dreg:$0x4] =	wrdreg s10  }
0xe: {  	s24 =	sadd.s32 $0xA80, s9;
	s26 =	sadd.s32 s4, s9;
	[dreg:$0x6] =	wrdreg s8  }
.Ltmp0:
0xf: {  	v9 =	vor.u32 $0x10, v0;
	v3 =	vor.u32 $0x1, v1;
	v4 =	vor.u32 $0x1, v2;
	s30 =	sadd.s32 s2, s9;
	s25 =	sadd.s32 s4, s24;
	(pc) =	sbr.rel .LBB2_1-.Ltmp0, $4  }
0x10: {  	v5 =	vor.u32 $0x2, v1;
	v6 =	vor.u32 $0x2, v2;
	v7 =	vor.u32 $0x3, v1;
	s29 =	sadd.s32 $0x1500, s26;
	s7 =	sadd.s32 s2, s24;
	[dreg:$0x5] =	wrdreg s25  }
0x11: {  	v8 =	vor.u32 $0x3, v2;
	v10 =	vor.u32 $0x4000, v1;
	v11 =	vor.u32 $0x40, v2;
	s12 =	sadd.s32 $0xA8, s6;
	s13 =	sadd.s32 $0x150, s6;
	[dreg:$0x7] =	wrdreg s29  }
0x12: {  	v12 =	vor.u32 $0x4001, v1;
	v13 =	vor.u32 $0x41, v2;
	v14 =	vor.u32 $0x4002, v1;
	s24 =	simm.s32 $0x17C00;
	[dreg:$0x8] =	wrdreg s7;
	s7 =	sadd.s32 $0x3C600, s30  }
0x13: {  	v15 =	vor.u32 $0x42, v2;
	v16 =	vor.u32 $0x4003, v1;
	v17 =	vor.u32 $0x43, v2;
	s26 =	simm.s32 $0x4;
	s25 =	simm.s32 $0x3;
	[dreg:$0x9] =	wrdreg s7  }
.LBB2_17:
0x14: {  	s28 =	sadd.s32 $0x1, s28  }
0x15: {  	p1 =	sne.s32 s28, s17  }
.Ltmp1:
0x16: {  	_ = 	snop;
	(pc) =	sbr.rel @!p1 .LBB2_18-.Ltmp1, $1  }
0x17: {  	_ =	sdelay $0x3  }
.LBB2_1:
0x18: {  	s0 =	rddreg [dreg:$0x3]  }
0x19: {  	[tilespmem:s3], [sflag:$0x5] =	stream.linear.gather [hbm4b:s0+s3], $0x8000, $0x38;
	[tilespmem:$0x1D000] =	vst v63  }
0x1a: {  	_ =	swait.ge [sflag:s18], $0x8000  }
0x1b: {  	[sflag:s18] =	ssyncset.done $0x0  }
0x1c: {  	s10 =	simm.s32 $0x80;
	s30 =	rddreg [dreg:$0x4];
	[sflag:s18] =	ssyncadd.s32 $0xFFFF8000  }
0x1d: {  	v18 =	vor.u32 s10, v0;
	[tilespmem:s19], [sflag:$0x1] =	stream.linear.gather [hbm4b:s30+s3], $0x5400, $0x38;
	[tilespmem:$0x1D000] =	vst v63  }
0x1e: {  	_ =	swait.ge [sflag:s20], $0x5400  }
0x1f: {  	[sflag:s20] =	ssyncset.done $0x0  }
0x20: {  	s31 =	rddreg [dreg:$0x5];
	[sflag:s20] =	ssyncadd.s32 $0xFFFFAC00  }
0x21: {  	[tilespmem:s21], [sflag:$0x2] =	stream.linear.gather [hbm4b:s31+s3], $0x5400, $0x38;
	[tilespmem:$0x1D000] =	vst v63  }
0x22: {  	v18 =	vld.idx.msk [tilespmem:v18+s19+$0x0], $0xffff;
	_ =	sdelay $0x1  }
0x23: {  	s9 =	simm.s32 $0x0  }
0x24: {  	v19 =	vor.u32 s9, v0;
	_ =	sdelay $0x1  }
0x25: {  	v18 =	vshll.u32 v18, $0x2  }
0x26: {  	v20 =	vadd.s32 v1, v18  }
0x27: {  	v21 =	vand.u32 $0x7C, v18;
	v20 =	vand.u32 $0xFFFFFF80, v20  }
0x28: {  	v19 =	vld.idx.msk [tilespmem:v19+s19+$0x0], $0xffff;
	v20 =	vor.u32 v21, v20;
	_ =	sdelay $0x2  }
0x29: {  	s15 =	simm.s32 $0x180  }
0x2a: {  	v21 =	vor.u32 s15, v0  }
0x2b: {  	v22 =	vor.u32 s10, v2;
	v19 =	vshll.u32 v19, $0x2;
	v20 =	vld.idx.msk [tilespmem:v20+s3+$0x0], $0xffff  }
0x2c: {  	v23 =	vadd.s32 v1, v19;
	v24 =	vadd.s32 v3, v18  }
0x2d: {  	v25 =	vand.u32 $0x7C, v19;
	v23 =	vand.u32 $0xFFFFFF80, v23  }
0x2e: {  	v23 =	vor.u32 v25, v23  }
0x2f: {  	v21 =	vld.idx.msk [tilespmem:v21+s19+$0x0], $0xffff  }
0x30: {  	s1 =	simm.s32 $0x100;
	[tilespmem:v22+s22+$0x0] =	vst.idx.msk $0xffff, v20  }
0x31: {  	v20 =	vor.u32 s1, v0;
	v22 =	vld.idx.msk [tilespmem:v24+s3+$0x0], $0xffff;
	v24 =	vor.u32 s10, v4  }
0x32: {  	v25 =	vadd.s32 v5, v18  }
0x33: {  	v26 =	vor.u32 s9, v2;
	v23 =	vld.idx.msk [tilespmem:v23+s3+$0x0], $0xffff  }
0x34: {  	v27 =	vadd.s32 v3, v19;
	v21 =	vshll.u32 v21, $0x2  }
0x35: {  	v28 =	vadd.s32 v1, v21  }
0x36: {  	v29 =	vand.u32 $0x7C, v21;
	v20 =	vld.idx.msk [tilespmem:v20+s19+$0x0], $0xffff;
	[tilespmem:v24+s22+$0x0] =	vst.idx.msk $0xffff, v22;
	v22 =	vand.u32 $0xFFFFFF80, v28  }
0x37: {  	v24 =	vld.idx.msk [tilespmem:v25+s3+$0x0], $0xffff;
	v22 =	vor.u32 v29, v22;
	v25 =	vor.u32 s10, v6  }
0x38: {  	v18 =	vadd.s32 v7, v18;
	[tilespmem:v26+s22+$0x0] =	vst.idx.msk $0xffff, v23  }
0x39: {  	v26 =	vor.u32 s9, v4;
	v23 =	vld.idx.msk [tilespmem:v27+s3+$0x0], $0xffff  }
0x3a: {  	v27 =	vadd.s32 v5, v19  }
0x3b: {  	s29 =	simm.s32 $0x280  }
0x3c: {  	v28 =	vshll.u32 v20, $0x2;
	v20 =	vld.idx.msk [tilespmem:v22+s3+$0x0], $0xffff;
	[tilespmem:v25+s22+$0x0] =	vst.idx.msk $0xffff, v24;
	v22 =	vor.u32 s29, v0;
	v24 =	vor.u32 s15, v2  }
0x3d: {  	v30 =	vor.u32 s10, v8;
	v29 =	vadd.s32 v3, v21;
	v25 =	vadd.s32 v1, v28;
	v18 =	vld.idx.msk [tilespmem:v18+s3+$0x0], $0xffff  }
0x3e: {  	[tilespmem:v26+s22+$0x0] =	vst.idx.msk $0xffff, v23;
	v23 =	vor.u32 s10, v9;
	v31 =	vand.u32 $0x7C, v28;
	v25 =	vand.u32 $0xFFFFFF80, v25  }
0x3f: {  	v26 =	vld.idx.msk [tilespmem:v27+s3+$0x0], $0xffff;
	v27 =	vor.u32 s9, v6;
	v25 =	vor.u32 v31, v25  }
0x40: {  	v19 =	vadd.s32 v7, v19  }
0x41: {  	s0 =	simm.s32 $0x200;
	v22 =	vld.idx.msk [tilespmem:v22+s19+$0x0], $0xffff;
	[tilespmem:v24+s22+$0x0] =	vst.idx.msk $0xffff, v20  }
0x42: {  	v20 =	vor.u32 s0, v0;
	v24 =	vld.idx.msk [tilespmem:v29+s3+$0x0], $0xffff;
	[tilespmem:v30+s22+$0x0] =	vst.idx.msk $0xffff, v18  }
0x43: {  	v18 =	vor.u32 s15, v4;
	v23 =	vld.idx.msk [tilespmem:v23+s19+$0x0], $0xffff  }
0x44: {  	[tilespmem:v27+s22+$0x0] =	vst.idx.msk $0xffff, v26;
	v29 =	vadd.s32 v5, v21;
	v30 =	vor.u32 s1, v2;
	v25 =	vld.idx.msk [tilespmem:v25+s3+$0x0], $0xffff  }
0x45: {  	v26 =	vor.u32 s9, v8;
	v27 =	vadd.s32 v3, v28;
	v19 =	vld.idx.msk [tilespmem:v19+s3+$0x0], $0xffff  }
0x46: {  	v31 =	vor.u32 s9, v9;
	v22 =	vshll.u32 v22, $0x2  }
0x47: {  	v32 =	vld.idx.msk [tilespmem:v20+s19+$0x0], $0xffff;
	v20 =	vadd.s32 v1, v22  }
0x48: {  	[tilespmem:v18+s22+$0x0] =	vst.idx.msk $0xffff, v24;
	v18 =	vand.u32 $0x7C, v22;
	v24 =	vand.u32 $0xFFFFFF80, v20  }
0x49: {  	v29 =	vld.idx.msk [tilespmem:v29+s3+$0x0], $0xffff;
	v20 =	vshll.u32 v23, $0x2;
	v23 =	vor.u32 s15, v6;
	[tilespmem:v30+s22+$0x0] =	vst.idx.msk $0xffff, v25;
	v18 =	vor.u32 v18, v24  }
0x4a: {  	v21 =	vadd.s32 v7, v21;
	[tilespmem:v26+s22+$0x0] =	vst.idx.msk $0xffff, v19;
	v25 =	vld.idx.msk [tilespmem:v27+s3+$0x0], $0xffff  }
0x4b: {  	s5 =	simm.s32 $0x380;
	v26 =	vor.u32 s1, v4;
	v24 =	vadd.s32 v10, v20;
	v27 =	vld.idx.msk [tilespmem:v31+s19+$0x0], $0xffff  }
0x4c: {  	v31 =	vor.u32 s5, v0;
	v19 =	vand.u32 $0xFFFFFF80, v24;
	v24 =	vand.u32 $0x7C, v20  }
0x4d: {  	v19 =	vor.u32 v24, v19;
	v24 =	vadd.s32 v5, v28;
	v30 =	vshll.u32 v32, $0x2  }
0x4e: {  	v35 =	vor.u32 s15, v8;
	v32 =	vadd.s32 v1, v30;
	[tilespmem:v23+s22+$0x0] =	vst.idx.msk $0xffff, v29;
	v23 =	vor.u32 s29, v2;
	v18 =	vld.idx.msk [tilespmem:v18+s3+$0x0], $0xffff  }
0x4f: {  	v34 =	vadd.s32 v3, v22;
	v29 =	vand.u32 $0x7C, v30;
	v32 =	vand.u32 $0xFFFFFF80, v32;
	v21 =	vld.idx.msk [tilespmem:v21+s3+$0x0], $0xffff  }
0x50: {  	s16 =	simm.s32 $0x300;
	[tilespmem:v26+s22+$0x0] =	vst.idx.msk $0xffff, v25;
	v26 =	vshll.u32 v27, $0x2;
	v27 =	vor.u32 v29, v32  }
0x51: {  	v33 =	vor.u32 s16, v0;
	v63 =	vor.u32 s10, v11;
	v25 =	vor.u32 s15, v9;
	v31 =	vld.idx.msk [tilespmem:v31+s19+$0x0], $0xffff  }
0x52: {  	v45 =	vor.u32 s9, v11;
	v29 =	vor.u32 s1, v6;
	v62 =	vadd.s32 v10, v26;
	v24 =	vld.idx.msk [tilespmem:v24+s3+$0x0], $0xffff  }
0x53: {  	v28 =	vadd.s32 v7, v28;
	v36 =	vand.u32 $0x7C, v26;
	v19 =	vld.idx.msk [tilespmem:v19+s3+$0x0], $0xffff;
	v32 =	vand.u32 $0xFFFFFF80, v62;
	[tilespmem:v23+s22+$0x0] =	vst.idx.msk $0xffff, v18  }
0x54: {  	v46 =	vor.u32 s10, v13;
	v18 =	vor.u32 v36, v32;
	[tilespmem:v35+s22+$0x0] =	vst.idx.msk $0xffff, v21;
	v21 =	vor.u32 s29, v4;
	v34 =	vld.idx.msk [tilespmem:v34+s3+$0x0], $0xffff  }
0x55: {  	s7 =	simm.s32 $0x400;
	v38 =	vor.u32 s1, v9;
	v49 =	vor.u32 s29, v6;
	v37 =	vadd.s32 v5, v22;
	v27 =	vld.idx.msk [tilespmem:v27+s3+$0x0], $0xffff  }
0x56: {  	v53 =	vor.u32 s7, v0;
	v40 =	vor.u32 s0, v2;
	v39 =	vadd.s32 v12, v20;
	v25 =	vld.idx.msk [tilespmem:v25+s19+$0x0], $0xffff  }
0x57: {  	v54 =	vor.u32 s5, v2;
	v56 =	vor.u32 s9, v13;
	v33 =	vld.idx.msk [tilespmem:v33+s19+$0x0], $0xffff;
	[tilespmem:v29+s22+$0x0] =	vst.idx.msk $0xffff, v24;
	v29 =	vadd.s32 v3, v30  }
0x58: {  	v58 =	vor.u32 s29, v8;
	v42 =	vshll.u32 v31, $0x2;
	v24 =	vor.u32 s1, v8;
	v28 =	vld.idx.msk [tilespmem:v28+s3+$0x0], $0xffff  }
0x59: {  	v44 =	vor.u32 s10, v15;
	v60 =	vor.u32 s15, v11;
	v47 =	vadd.s32 v1, v42;
	v18 =	vld.idx.msk [tilespmem:v18+s3+$0x0], $0xffff;
	[tilespmem:v21+s22+$0x0] =	vst.idx.msk $0xffff, v34  }
0x5a: {  	v31 =	vadd.s32 v12, v26;
	v43 =	vand.u32 $0x7C, v42;
	[tilespmem:v63+s22+$0x0] =	vst.idx.msk $0xffff, v19;
	v21 =	vand.u32 $0xFFFFFF80, v47;
	v19 =	vld.idx.msk [tilespmem:v37+s3+$0x0], $0xffff  }
0x5b: {  	v61 =	vor.u32 s9, v15;
	[tilespmem:v40+s22+$0x0] =	vst.idx.msk $0xffff, v27;
	v48 =	vor.u32 v43, v21;
	v21 =	vshll.u32 v25, $0x2;
	v25 =	vld.idx.msk [tilespmem:v39+s3+$0x0], $0xffff  }
0x5c: {  	v50 =	vor.u32 s0, v4;
	v22 =	vadd.s32 v7, v22;
	v52 =	vadd.s32 v5, v30;
	v29 =	vld.idx.msk [tilespmem:v29+s3+$0x0], $0xffff  }
0x5d: {  	v39 =	vld.idx.msk [tilespmem:v53+s19+$0x0], $0xffff;
	v27 =	vadd.s32 v10, v21;
	[tilespmem:v24+s22+$0x0] =	vst.idx.msk $0xffff, v28;
	v28 =	vadd.s32 v14, v20  }
0x5e: {  	v23 =	vshll.u32 v33, $0x2;
	v24 =	vand.u32 $0xFFFFFF80, v27;
	v27 =	vand.u32 $0x7C, v21;
	v51 =	vld.idx.msk [tilespmem:v38+s19+$0x0], $0xffff;
	[tilespmem:v45+s22+$0x0] =	vst.idx.msk $0xffff, v18  }
0x5f: {  	s8 =	simm.s32 $0x480;
	v41 =	vadd.s32 v1, v23;
	v27 =	vor.u32 v27, v24;
	v31 =	vld.idx.msk [tilespmem:v31+s3+$0x0], $0xffff;
	[tilespmem:v49+s22+$0x0] =	vst.idx.msk $0xffff, v19  }
0x60: {  	v18 =	vand.u32 $0x7C, v23;
	v24 =	vand.u32 $0xFFFFFF80, v41;
	v32 =	vld.idx.msk [tilespmem:v48+s3+$0x0], $0xffff;
	[tilespmem:v46+s22+$0x0] =	vst.idx.msk $0xffff, v25;
	v25 =	vor.u32 s8, v0  }
0x61: {  	v59 =	vadd.s32 v14, v26;
	v57 =	vadd.s32 v3, v42;
	v38 =	vor.u32 v18, v24;
	v55 =	vld.idx.msk [tilespmem:v22+s3+$0x0], $0xffff  }
0x62: {  	v30 =	vadd.s32 v7, v30;
	v63 =	vor.u32 s5, v4;
	v40 =	vor.u32 s5, v6;
	[tilespmem:v50+s22+$0x0] =	vst.idx.msk $0xffff, v29;
	v28 =	vld.idx.msk [tilespmem:v28+s3+$0x0], $0xffff  }
0x63: {  	v43 =	vor.u32 s1, v11;
	v53 =	vadd.s32 v12, v21;
	v35 =	vld.idx.msk [tilespmem:v52+s3+$0x0], $0xffff;
	v19 =	vshll.u32 v51, $0x2  }
0x64: {  	v45 =	vor.u32 s0, v6;
	v29 =	vor.u32 s29, v9;
	v27 =	vld.idx.msk [tilespmem:v27+s3+$0x0], $0xffff;
	v46 =	vadd.s32 v10, v19  }
0x65: {  	v24 =	vadd.s32 v5, v23;
	v47 =	vand.u32 $0x7C, v19;
	[tilespmem:v56+s22+$0x0] =	vst.idx.msk $0xffff, v31;
	v48 =	vld.idx.msk [tilespmem:v25+s19+$0x0], $0xffff;
	v25 =	vand.u32 $0xFFFFFF80, v46  }
0x66: {  	v18 =	vor.u32 s9, v17;
	v49 =	vor.u32 s16, v2;
	v38 =	vld.idx.msk [tilespmem:v38+s3+$0x0], $0xffff;
	[tilespmem:v54+s22+$0x0] =	vst.idx.msk $0xffff, v32;
	v62 =	vor.u32 v47, v25  }
0x67: {  	v56 =	vadd.s32 v16, v26;
	v31 =	vadd.s32 v12, v19;
	v32 =	vld.idx.msk [tilespmem:v57+s3+$0x0], $0xffff;
	[tilespmem:v58+s22+$0x0] =	vst.idx.msk $0xffff, v55  }
0x68: {  	v34 =	vld.idx.msk [tilespmem:v59+s3+$0x0], $0xffff;
	v54 =	vadd.s32 v16, v20;
	[tilespmem:v44+s22+$0x0] =	vst.idx.msk $0xffff, v28;
	v57 =	vadd.s32 v3, v23  }
0x69: {  	v22 =	vor.u32 s10, v17;
	v28 =	vadd.s32 v5, v42;
	[tilespmem:v45+s22+$0x0] =	vst.idx.msk $0xffff, v35;
	v25 =	vshll.u32 v39, $0x2;
	v29 =	vld.idx.msk [tilespmem:v29+s19+$0x0], $0xffff  }
0x6a: {  	v52 =	vor.u32 s0, v9;
	v55 =	vor.u32 s0, v8;
	v50 =	vld.idx.msk [tilespmem:v30+s3+$0x0], $0xffff;
	v20 =	vadd.s32 v1, v25;
	[tilespmem:v60+s22+$0x0] =	vst.idx.msk $0xffff, v27  }
0x6b: {  	v27 =	vand.u32 $0x7C, v25;
	v20 =	vand.u32 $0xFFFFFF80, v20;
	[tilespmem:v49+s22+$0x0] =	vst.idx.msk $0xffff, v38;
	v26 =	vshll.u32 v48, $0x2;
	v58 =	vld.idx.msk [tilespmem:v62+s3+$0x0], $0xffff  }
0x6c: {  	v30 =	vor.u32 v27, v20;
	v59 =	vadd.s32 v1, v26;
	[tilespmem:v63+s22+$0x0] =	vst.idx.msk $0xffff, v32;
	v32 =	vld.idx.msk [tilespmem:v53+s3+$0x0], $0xffff  }
0x6d: {  	v27 =	vor.u32 s15, v13;
	v60 =	vand.u32 $0x7C, v26;
	v39 =	vld.idx.msk [tilespmem:v57+s3+$0x0], $0xffff;
	v20 =	vand.u32 $0xFFFFFF80, v59  }
0x6e: {  	v33 =	vadd.s32 v5, v25;
	v37 =	vld.idx.msk [tilespmem:v28+s3+$0x0], $0xffff;
	v41 =	vor.u32 v60, v20;
	v20 =	vshll.u32 v29, $0x2  }
0x6f: {  	v38 =	vadd.s32 v7, v42;
	[tilespmem:v61+s22+$0x0] =	vst.idx.msk $0xffff, v34;
	v28 =	vld.idx.msk [tilespmem:v54+s3+$0x0], $0xffff;
	v61 =	vadd.s32 v10, v20  }
0x70: {  	v34 =	vadd.s32 v14, v21;
	[tilespmem:v55+s22+$0x0] =	vst.idx.msk $0xffff, v50;
	v29 =	vld.idx.msk [tilespmem:v56+s3+$0x0], $0xffff;
	v63 =	vand.u32 $0x7C, v20;
	v62 =	vand.u32 $0xFFFFFF80, v61  }
0x71: {  	s9 =	simm.s32 $0xA;
	v42 =	vor.u32 s16, v4;
	v36 =	vld.idx.msk [tilespmem:v52+s19+$0x0], $0xffff;
	v35 =	vor.u32 v63, v62;
	[tilespmem:v43+s22+$0x0] =	vst.idx.msk $0xffff, v58  }
.LBB2_2:
0x72: {  	s10 =	sshll.u32 s9, $0x7;
	p1 =	slt.u32 s9, $0xA6;
	s9 =	sadd.s32 $0x2, s9;
	v31 =	vld.idx.msk [tilespmem:v31+s3+$0x0], $0xffff;
	[tilespmem:v27+s22+$0x0] =	vst.idx.msk $0xffff, v32  }
0x73: {  	v27 =	vor.u32 s10, v0;
	s11 =	sadd.s32 $0x80, s10;
	v32 =	vld.idx.msk [tilespmem:v41+s3+$0x0], $0xffff;
	[tilespmem:v40+s22+$0x0] =	vst.idx.msk $0xffff, v37;
	v37 =	vor.u32 s1, v13  }
0x74: {  	v41 =	vor.u32 s8, v2;
	v40 =	vor.u32 s11, v0;
	v38 =	vld.idx.msk [tilespmem:v38+s3+$0x0], $0xffff;
	[tilespmem:v22+s22+$0x0] =	vst.idx.msk $0xffff, v28  }
0x75: {  	v43 =	vor.u32 s5, v8;
	v28 =	vadd.s32 v3, v26;
	v34 =	vld.idx.msk [tilespmem:v34+s3+$0x0], $0xffff;
	[tilespmem:v18+s22+$0x0] =	vst.idx.msk $0xffff, v29;
	v18 =	vor.u32 s1, v17  }
0x76: {  	v29 =	vor.u32 s5, v9;
	[tilespmem:v42+s22+$0x0] =	vst.idx.msk $0xffff, v39;
	v35 =	vld.idx.msk [tilespmem:v35+s3+$0x0], $0xffff;
	v39 =	vadd.s32 v14, v19;
	v42 =	vor.u32 s15, v15  }
0x77: {  	v45 =	vor.u32 s29, v11;
	v22 =	vor.u32 s15, v17;
	v36 =	vshll.u32 v36, $0x2;
	s15 =	smov.u32 s29;
	s29 =	smov.u32 s5;
	s5 =	smov.u32 s8;
	v44 =	vld.idx.msk [tilespmem:v24+s3+$0x0], $0xffff;
	v24 =	vmovc v33  }
0x78: {  	v46 =	vor.u32 s16, v6;
	s8 =	smov.u32 s11;
	v47 =	vand.u32 $0x7C, v36;
	v33 =	vld.idx.msk [tilespmem:v27+s19+$0x0], $0xffff;
	v27 =	vadd.s32 v10, v36;
	[tilespmem:v37+s22+$0x0] =	vst.idx.msk $0xffff, v31  }
0x79: {  	v23 =	vadd.s32 v7, v23;
	v48 =	vor.u32 s1, v15;
	s1 =	smov.u32 s0;
	s0 =	smov.u32 s16;
	s16 =	smov.u32 s7;
	v37 =	vld.idx.msk [tilespmem:v40+s19+$0x0], $0xffff;
	[tilespmem:v41+s22+$0x0] =	vst.idx.msk $0xffff, v32;
	v27 =	vand.u32 $0xFFFFFF80, v27  }
0x7a: {  	s7 =	smov.u32 s10;
	v28 =	vld.idx.msk [tilespmem:v28+s3+$0x0], $0xffff;
	[tilespmem:v43+s22+$0x0] =	vst.idx.msk $0xffff, v38;
	v32 =	vor.u32 v47, v27;
	v43 =	vor.u32 s1, v11;
	v27 =	vor.u32 s15, v13  }
0x7b: {  	v40 =	vadd.s32 v12, v20;
	v38 =	vor.u32 s5, v4;
	v47 =	vor.u32 s0, v9;
	v29 =	vld.idx.msk [tilespmem:v29+s19+$0x0], $0xffff;
	[tilespmem:v42+s22+$0x0] =	vst.idx.msk $0xffff, v34  }
0x7c: {  	v34 =	vadd.s32 v5, v26;
	[tilespmem:v45+s22+$0x0] =	vst.idx.msk $0xffff, v35;
	v35 =	vld.idx.msk [tilespmem:v39+s3+$0x0], $0xffff;
	v39 =	vadd.s32 v16, v21  }
0x7d: {  	v45 =	vor.u32 s16, v2;
	v42 =	vld.idx.msk [tilespmem:v30+s3+$0x0], $0xffff;
	[tilespmem:v46+s22+$0x0] =	vst.idx.msk $0xffff, v44;
	v44 =	vor.u32 s0, v8;
	v46 =	vadd.s32 v16, v19  }
0x7e: {  	v49 =	vadd.s32 v3, v25;
	v31 =	vadd.s32 v12, v36;
	v21 =	vshll.u32 v33, $0x2;
	v19 =	vmovc v36;
	v50 =	vld.idx.msk [tilespmem:v23+s3+$0x0], $0xffff  }
0x7f: {  	v30 =	vadd.s32 v1, v21;
	v33 =	vand.u32 $0x7C, v21;
	v51 =	vshll.u32 v37, $0x2;
	v23 =	vmovc v25;
	v25 =	vmovc v21;
	v52 =	vld.idx.msk [tilespmem:v32+s3+$0x0], $0xffff  }
0x80: {  	v53 =	vand.u32 $0xFFFFFF80, v30;
	v36 =	vadd.s32 v1, v51;
	v41 =	vand.u32 $0x7C, v51;
	[tilespmem:v38+s22+$0x0] =	vst.idx.msk $0xffff, v28;
	v32 =	vld.idx.msk [tilespmem:v40+s3+$0x0], $0xffff  }
.Ltmp2:
0x81: {  	v30 =	vor.u32 v33, v53;
	v33 =	vadd.s32 v5, v25;
	v28 =	vand.u32 $0xFFFFFF80, v36;
	v21 =	vmovc v20;
	v37 =	vld.idx.msk [tilespmem:v34+s3+$0x0], $0xffff;
	(pc) =	sbr.rel @p1 .LBB2_2-.Ltmp2, $4  }
0x82: {  	v40 =	vor.u32 s5, v6;
	v20 =	vshll.u32 v29, $0x2;
	v41 =	vor.u32 v41, v28;
	[tilespmem:v48+s22+$0x0] =	vst.idx.msk $0xffff, v35;
	v28 =	vld.idx.msk [tilespmem:v39+s3+$0x0], $0xffff  }
0x83: {  	v38 =	vadd.s32 v7, v26;
	[tilespmem:v45+s22+$0x0] =	vst.idx.msk $0xffff, v42;
	v45 =	vadd.s32 v10, v20;
	v29 =	vld.idx.msk [tilespmem:v46+s3+$0x0], $0xffff  }
0x84: {  	v34 =	vadd.s32 v14, v21;
	v35 =	vand.u32 $0x7C, v20;
	v39 =	vld.idx.msk [tilespmem:v49+s3+$0x0], $0xffff;
	[tilespmem:v44+s22+$0x0] =	vst.idx.msk $0xffff, v50;
	v44 =	vand.u32 $0xFFFFFF80, v45  }
0x85: {  	v26 =	vmov v51;
	v42 =	vor.u32 s16, v4;
	v36 =	vld.idx.msk [tilespmem:v47+s19+$0x0], $0xffff;
	v35 =	vor.u32 v35, v44;
	[tilespmem:v43+s22+$0x0] =	vst.idx.msk $0xffff, v52  }
0x86: {  	_ =	sdelay $0x3  }
0x87: {  	v41 =	vld.idx.msk [tilespmem:v41+s3+$0x0], $0xffff;
	v43 =	vor.u32 s8, v2  }
0x88: {  	v44 =	vadd.s32 v3, v26;
	v30 =	vld.idx.msk [tilespmem:v30+s3+$0x0], $0xffff;
	v45 =	vor.u32 s7, v2  }
0x89: {  	v46 =	vadd.s32 v3, v25;
	_ =	sdelay $0x2  }
0x8a: {  	[tilespmem:v43+s22+$0x0] =	vst.idx.msk $0xffff, v41  }
0x8b: {  	v61 =	vor.u32 s8, v4;
	[tilespmem:v45+s22+$0x0] =	vst.idx.msk $0xffff, v30;
	v41 =	vld.idx.msk [tilespmem:v44+s3+$0x0], $0xffff  }
0x8c: {  	v63 =	vor.u32 s7, v4;
	v30 =	vadd.s32 v5, v26;
	v62 =	vld.idx.msk [tilespmem:v46+s3+$0x0], $0xffff;
	_ =	sdelay $0x1  }
0x8d: {  	[tilespmem:v42+s22+$0x0] =	vst.idx.msk $0xffff, v39  }
0x8e: {  	v48 =	vor.u32 s16, v6;
	[tilespmem:v40+s22+$0x0] =	vst.idx.msk $0xffff, v37;
	v24 =	vld.idx.msk [tilespmem:v24+s3+$0x0], $0xffff  }
0x8f: {  	v23 =	vadd.s32 v7, v23;
	v51 =	vor.u32 s5, v8;
	v38 =	vld.idx.msk [tilespmem:v38+s3+$0x0], $0xffff;
	[tilespmem:v61+s22+$0x0] =	vst.idx.msk $0xffff, v41  }
0x90: {  	v49 =	vor.u32 s8, v6;
	v52 =	vor.u32 s5, v9;
	[tilespmem:v63+s22+$0x0] =	vst.idx.msk $0xffff, v62;
	v30 =	vld.idx.msk [tilespmem:v30+s3+$0x0], $0xffff  }
0x91: {  	v50 =	vor.u32 s7, v6;
	v26 =	vadd.s32 v7, v26;
	v33 =	vld.idx.msk [tilespmem:v33+s3+$0x0], $0xffff  }
0x92: {  	v25 =	vadd.s32 v7, v25  }
0x93: {  	[tilespmem:v48+s22+$0x0] =	vst.idx.msk $0xffff, v24  }
0x94: {  	[tilespmem:v51+s22+$0x0] =	vst.idx.msk $0xffff, v38;
	v24 =	vor.u32 s16, v8;
	v23 =	vld.idx.msk [tilespmem:v23+s3+$0x0], $0xffff  }
0x95: {  	v53 =	vor.u32 s16, v9;
	v38 =	vld.idx.msk [tilespmem:v52+s19+$0x0], $0xffff;
	[tilespmem:v49+s22+$0x0] =	vst.idx.msk $0xffff, v30  }
0x96: {  	v30 =	vor.u32 s8, v8;
	[tilespmem:v50+s22+$0x0] =	vst.idx.msk $0xffff, v33;
	v26 =	vld.idx.msk [tilespmem:v26+s3+$0x0], $0xffff  }
0x97: {  	v54 =	vor.u32 s8, v9;
	v55 =	vor.u32 s7, v8;
	v25 =	vld.idx.msk [tilespmem:v25+s3+$0x0], $0xffff  }
0x98: {  	v56 =	vor.u32 s7, v9  }
0x99: {  	v31 =	vld.idx.msk [tilespmem:v31+s3+$0x0], $0xffff;
	[tilespmem:v24+s22+$0x0] =	vst.idx.msk $0xffff, v23  }
0x9a: {  	v58 =	vadd.s32 v14, v19;
	v59 =	vor.u32 s15, v15;
	v57 =	vld.idx.msk [tilespmem:v53+s19+$0x0], $0xffff  }
0x9b: {  	v21 =	vadd.s32 v16, v21;
	v63 =	vadd.s32 v12, v20;
	v37 =	vshll.u32 v38, $0x2;
	[tilespmem:v30+s22+$0x0] =	vst.idx.msk $0xffff, v26  }
0x9c: {  	v62 =	vor.u32 s0, v11;
	v45 =	vadd.s32 v10, v37;
	v24 =	vshll.u32 v36, $0x2;
	[tilespmem:v55+s22+$0x0] =	vst.idx.msk $0xffff, v25;
	v33 =	vld.idx.msk [tilespmem:v54+s19+$0x0], $0xffff  }
0x9d: {  	[tilespmem:v27+s22+$0x0] =	vst.idx.msk $0xffff, v32;
	v47 =	vand.u32 $0x7C, v37;
	v23 =	vor.u32 s1, v13;
	v60 =	vadd.s32 v10, v24;
	v61 =	vld.idx.msk [tilespmem:v56+s19+$0x0], $0xffff  }
0x9e: {  	v34 =	vld.idx.msk [tilespmem:v34+s3+$0x0], $0xffff;
	v46 =	vand.u32 $0xFFFFFF80, v45;
	v42 =	vand.u32 $0xFFFFFF80, v60;
	v30 =	vand.u32 $0x7C, v24  }
0x9f: {  	v27 =	vld.idx.msk [tilespmem:v35+s3+$0x0], $0xffff;
	v36 =	vshll.u32 v57, $0x2;
	v26 =	vor.u32 s29, v11;
	v30 =	vor.u32 v30, v42  }
0xa0: {  	v32 =	vor.u32 v47, v46;
	v48 =	vadd.s32 v10, v36;
	v49 =	vand.u32 $0x7C, v36  }
0xa1: {  	v25 =	vor.u32 s1, v15;
	v35 =	vand.u32 $0xFFFFFF80, v48;
	v33 =	vshll.u32 v33, $0x2  }
0xa2: {  	[tilespmem:v23+s22+$0x0] =	vst.idx.msk $0xffff, v31;
	v23 =	vor.u32 v49, v35;
	v50 =	vshll.u32 v61, $0x2;
	v31 =	vadd.s32 v10, v33  }
0xa3: {  	[tilespmem:v59+s22+$0x0] =	vst.idx.msk $0xffff, v34;
	v51 =	vld.idx.msk [tilespmem:v58+s3+$0x0], $0xffff;
	v52 =	vand.u32 $0x7C, v33;
	v53 =	vadd.s32 v10, v50;
	v31 =	vand.u32 $0xFFFFFF80, v31  }
0xa4: {  	[tilespmem:v26+s22+$0x0] =	vst.idx.msk $0xffff, v27;
	v26 =	vld.idx.msk [tilespmem:v30+s3+$0x0], $0xffff;
	v30 =	vand.u32 $0x7C, v50;
	v27 =	vor.u32 v52, v31;
	v31 =	vand.u32 $0xFFFFFF80, v53  }
0xa5: {  	[tilespmem:v22+s22+$0x0] =	vst.idx.msk $0xffff, v28;
	v22 =	vor.u32 s15, v17;
	v21 =	vld.idx.msk [tilespmem:v21+s3+$0x0], $0xffff;
	v30 =	vor.u32 v30, v31  }
0xa6: {  	v19 =	vadd.s32 v16, v19;
	[tilespmem:v18+s22+$0x0] =	vst.idx.msk $0xffff, v29;
	v29 =	vor.u32 s5, v11;
	v28 =	vld.idx.msk [tilespmem:v32+s3+$0x0], $0xffff  }
0xa7: {  	v18 =	vadd.s32 v12, v24;
	v54 =	vor.u32 s29, v13;
	v55 =	vld.idx.msk [tilespmem:v63+s3+$0x0], $0xffff  }
0xa8: {  	[tilespmem:v25+s22+$0x0] =	vst.idx.msk $0xffff, v51;
	v25 =	vor.u32 s16, v11;
	v23 =	vld.idx.msk [tilespmem:v23+s3+$0x0], $0xffff;
	v31 =	vadd.s32 v12, v37  }
0xa9: {  	v56 =	vor.u32 s8, v11;
	[tilespmem:v62+s22+$0x0] =	vst.idx.msk $0xffff, v26;
	v26 =	vadd.s32 v12, v36;
	v27 =	vld.idx.msk [tilespmem:v27+s3+$0x0], $0xffff  }
0xaa: {  	[tilespmem:v22+s22+$0x0] =	vst.idx.msk $0xffff, v21;
	v57 =	vor.u32 s7, v11;
	v58 =	vadd.s32 v12, v33;
	v30 =	vld.idx.msk [tilespmem:v30+s3+$0x0], $0xffff  }
0xab: {  	v59 =	vor.u32 s1, v17;
	[tilespmem:v29+s22+$0x0] =	vst.idx.msk $0xffff, v28;
	v19 =	vld.idx.msk [tilespmem:v19+s3+$0x0], $0xffff;
	v21 =	vadd.s32 v12, v50  }
0xac: {  	v22 =	vadd.s32 v14, v20;
	v60 =	vor.u32 s0, v13;
	[tilespmem:v54+s22+$0x0] =	vst.idx.msk $0xffff, v55;
	v18 =	vld.idx.msk [tilespmem:v18+s3+$0x0], $0xffff  }
0xad: {  	v28 =	vadd.s32 v14, v24;
	v29 =	vor.u32 s5, v13;
	[tilespmem:v25+s22+$0x0] =	vst.idx.msk $0xffff, v23;
	v31 =	vld.idx.msk [tilespmem:v31+s3+$0x0], $0xffff  }
0xae: {  	v23 =	vadd.s32 v14, v37;
	v25 =	vld.idx.msk [tilespmem:v26+s3+$0x0], $0xffff;
	v26 =	vor.u32 s16, v13;
	[tilespmem:v56+s22+$0x0] =	vst.idx.msk $0xffff, v27  }
0xaf: {  	v61 =	vor.u32 s8, v13;
	v27 =	vadd.s32 v14, v36;
	v38 =	vld.idx.msk [tilespmem:v58+s3+$0x0], $0xffff;
	[tilespmem:v57+s22+$0x0] =	vst.idx.msk $0xffff, v30  }
0xb0: {  	[tilespmem:v59+s22+$0x0] =	vst.idx.msk $0xffff, v19;
	v19 =	vadd.s32 v14, v33;
	v30 =	vor.u32 s7, v13;
	v21 =	vld.idx.msk [tilespmem:v21+s3+$0x0], $0xffff  }
0xb1: {  	v62 =	vor.u32 s29, v15;
	v22 =	vld.idx.msk [tilespmem:v22+s3+$0x0], $0xffff;
	[tilespmem:v60+s22+$0x0] =	vst.idx.msk $0xffff, v18;
	v18 =	vadd.s32 v14, v50  }
0xb2: {  	v20 =	vadd.s32 v16, v20;
	v63 =	vor.u32 s0, v15;
	v28 =	vld.idx.msk [tilespmem:v28+s3+$0x0], $0xffff;
	[tilespmem:v29+s22+$0x0] =	vst.idx.msk $0xffff, v31  }
0xb3: {  	v24 =	vadd.s32 v16, v24;
	v29 =	vor.u32 s5, v15;
	v23 =	vld.idx.msk [tilespmem:v23+s3+$0x0], $0xffff;
	[tilespmem:v26+s22+$0x0] =	vst.idx.msk $0xffff, v25  }
0xb4: {  	v25 =	vor.u32 s16, v15;
	v26 =	vld.idx.msk [tilespmem:v27+s3+$0x0], $0xffff;
	v27 =	vadd.s32 v16, v37;
	[tilespmem:v61+s22+$0x0] =	vst.idx.msk $0xffff, v38  }
0xb5: {  	v31 =	vadd.s32 v16, v36;
	v38 =	vor.u32 s8, v15;
	v19 =	vld.idx.msk [tilespmem:v19+s3+$0x0], $0xffff;
	[tilespmem:v30+s22+$0x0] =	vst.idx.msk $0xffff, v21  }
0xb6: {  	[tilespmem:v62+s22+$0x0] =	vst.idx.msk $0xffff, v22;
	v22 =	vadd.s32 v16, v33;
	v21 =	vor.u32 s7, v15;
	v18 =	vld.idx.msk [tilespmem:v18+s3+$0x0], $0xffff  }
0xb7: {  	v20 =	vld.idx.msk [tilespmem:v20+s3+$0x0], $0xffff;
	[tilespmem:v63+s22+$0x0] =	vst.idx.msk $0xffff, v28;
	v28 =	vadd.s32 v16, v50;
	v30 =	vor.u32 s29, v17  }
0xb8: {  	v40 =	vor.u32 s0, v17;
	v24 =	vld.idx.msk [tilespmem:v24+s3+$0x0], $0xffff;
	[tilespmem:v29+s22+$0x0] =	vst.idx.msk $0xffff, v23  }
0xb9: {  	v23 =	vor.u32 s5, v17;
	[tilespmem:v25+s22+$0x0] =	vst.idx.msk $0xffff, v26;
	v25 =	vld.idx.msk [tilespmem:v27+s3+$0x0], $0xffff  }
0xba: {  	v26 =	vor.u32 s16, v17;
	v27 =	vld.idx.msk [tilespmem:v31+s3+$0x0], $0xffff;
	[tilespmem:v38+s22+$0x0] =	vst.idx.msk $0xffff, v19  }
0xbb: {  	v19 =	vor.u32 s8, v17;
	[tilespmem:v21+s22+$0x0] =	vst.idx.msk $0xffff, v18;
	v18 =	vld.idx.msk [tilespmem:v22+s3+$0x0], $0xffff  }
0xbc: {  	[tilespmem:v30+s22+$0x0] =	vst.idx.msk $0xffff, v20;
	v20 =	vor.u32 s7, v17;
	v21 =	vld.idx.msk [tilespmem:v28+s3+$0x0], $0xffff  }
0xbd: {  	[tilespmem:v40+s22+$0x0] =	vst.idx.msk $0xffff, v24  }
0xbe: {  	[tilespmem:v23+s22+$0x0] =	vst.idx.msk $0xffff, v25  }
0xbf: {  	[tilespmem:v26+s22+$0x0] =	vst.idx.msk $0xffff, v27  }
0xc0: {  	[tilespmem:v19+s22+$0x0] =	vst.idx.msk $0xffff, v18  }
0xc1: {  	[tilespmem:v20+s22+$0x0] =	vst.idx.msk $0xffff, v21  }
0xc2: {  	s10 =	simm.s32 $0x80;
	s16 =	simm.s32 $0x0;
	s30 =	rddreg [dreg:$0x6]  }
0xc3: {  	v18 =	vor.u32 s10, v0;
	[hbm4b:s30+s16] =	stream.linear.scatter [tilespmem:s22], [sflag:$0x3], $0x5400, $0x38;
	[tilespmem:$0x1D000] =	vst v63  }
0xc4: {  	_ =	swait.ge [sflag:s23], $0x5400  }
0xc5: {  	[sflag:s23] =	ssyncset.done $0x0  }
0xc6: {  	s31 =	rddreg [dreg:$0x7];
	[sflag:s23] =	ssyncadd.s32 $0xFFFFAC00  }
0xc7: {  	[tilespmem:s19], [sflag:$0x1] =	stream.linear.gather [hbm4b:s31+s16], $0x5400, $0x38;
	[tilespmem:$0x1D000] =	vst v63  }
0xc8: {  	v18 =	vld.idx.msk [tilespmem:v18+s21+$0x0], $0xffff;
	_ =	sdelay $0x1  }
0xc9: {  	s9 =	simm.s32 $0x0  }
0xca: {  	v19 =	vor.u32 s9, v0;
	_ =	sdelay $0x1  }
0xcb: {  	v18 =	vshll.u32 v18, $0x2  }
0xcc: {  	v20 =	vadd.s32 v1, v18  }
0xcd: {  	v21 =	vand.u32 $0x7C, v18;
	v20 =	vand.u32 $0xFFFFFF80, v20  }
0xce: {  	v19 =	vld.idx.msk [tilespmem:v19+s21+$0x0], $0xffff;
	v20 =	vor.u32 v21, v20;
	_ =	sdelay $0x2  }
0xcf: {  	s15 =	simm.s32 $0x180  }
0xd0: {  	v21 =	vor.u32 s15, v0  }
0xd1: {  	v22 =	vor.u32 s10, v2;
	v19 =	vshll.u32 v19, $0x2;
	v20 =	vld.idx.msk [tilespmem:v20+s3+$0x0], $0xffff  }
0xd2: {  	v23 =	vadd.s32 v1, v19;
	v24 =	vadd.s32 v3, v18  }
0xd3: {  	v25 =	vand.u32 $0x7C, v19;
	v23 =	vand.u32 $0xFFFFFF80, v23  }
0xd4: {  	v23 =	vor.u32 v25, v23  }
0xd5: {  	v21 =	vld.idx.msk [tilespmem:v21+s21+$0x0], $0xffff  }
0xd6: {  	s1 =	simm.s32 $0x100;
	[tilespmem:v22+s24+$0x0] =	vst.idx.msk $0xffff, v20  }
0xd7: {  	v20 =	vor.u32 s1, v0;
	v22 =	vld.idx.msk [tilespmem:v24+s3+$0x0], $0xffff;
	v24 =	vor.u32 s10, v4  }
0xd8: {  	v25 =	vadd.s32 v5, v18  }
0xd9: {  	v26 =	vor.u32 s9, v2;
	v23 =	vld.idx.msk [tilespmem:v23+s3+$0x0], $0xffff  }
0xda: {  	v27 =	vadd.s32 v3, v19;
	v21 =	vshll.u32 v21, $0x2  }
0xdb: {  	v28 =	vadd.s32 v1, v21  }
0xdc: {  	v29 =	vand.u32 $0x7C, v21;
	v20 =	vld.idx.msk [tilespmem:v20+s21+$0x0], $0xffff;
	[tilespmem:v24+s24+$0x0] =	vst.idx.msk $0xffff, v22;
	v22 =	vand.u32 $0xFFFFFF80, v28  }
0xdd: {  	v24 =	vld.idx.msk [tilespmem:v25+s3+$0x0], $0xffff;
	v22 =	vor.u32 v29, v22;
	v25 =	vor.u32 s10, v6  }
0xde: {  	v18 =	vadd.s32 v7, v18;
	[tilespmem:v26+s24+$0x0] =	vst.idx.msk $0xffff, v23  }
0xdf: {  	v26 =	vor.u32 s9, v4;
	v23 =	vld.idx.msk [tilespmem:v27+s3+$0x0], $0xffff  }
0xe0: {  	v27 =	vadd.s32 v5, v19  }
0xe1: {  	s29 =	simm.s32 $0x280  }
0xe2: {  	v28 =	vshll.u32 v20, $0x2;
	v20 =	vld.idx.msk [tilespmem:v22+s3+$0x0], $0xffff;
	[tilespmem:v25+s24+$0x0] =	vst.idx.msk $0xffff, v24;
	v22 =	vor.u32 s29, v0;
	v24 =	vor.u32 s15, v2  }
0xe3: {  	v30 =	vor.u32 s10, v8;
	v29 =	vadd.s32 v3, v21;
	v25 =	vadd.s32 v1, v28;
	v18 =	vld.idx.msk [tilespmem:v18+s3+$0x0], $0xffff  }
0xe4: {  	[tilespmem:v26+s24+$0x0] =	vst.idx.msk $0xffff, v23;
	v23 =	vor.u32 s10, v9;
	v31 =	vand.u32 $0x7C, v28;
	v25 =	vand.u32 $0xFFFFFF80, v25  }
0xe5: {  	v26 =	vld.idx.msk [tilespmem:v27+s3+$0x0], $0xffff;
	v27 =	vor.u32 s9, v6;
	v25 =	vor.u32 v31, v25  }
0xe6: {  	v19 =	vadd.s32 v7, v19  }
0xe7: {  	s0 =	simm.s32 $0x200;
	v22 =	vld.idx.msk [tilespmem:v22+s21+$0x0], $0xffff;
	[tilespmem:v24+s24+$0x0] =	vst.idx.msk $0xffff, v20  }
0xe8: {  	v20 =	vor.u32 s0, v0;
	v24 =	vld.idx.msk [tilespmem:v29+s3+$0x0], $0xffff;
	[tilespmem:v30+s24+$0x0] =	vst.idx.msk $0xffff, v18  }
0xe9: {  	v18 =	vor.u32 s15, v4;
	v23 =	vld.idx.msk [tilespmem:v23+s21+$0x0], $0xffff  }
0xea: {  	[tilespmem:v27+s24+$0x0] =	vst.idx.msk $0xffff, v26;
	v29 =	vadd.s32 v5, v21;
	v30 =	vor.u32 s1, v2;
	v25 =	vld.idx.msk [tilespmem:v25+s3+$0x0], $0xffff  }
0xeb: {  	v26 =	vor.u32 s9, v8;
	v27 =	vadd.s32 v3, v28;
	v19 =	vld.idx.msk [tilespmem:v19+s3+$0x0], $0xffff  }
0xec: {  	v31 =	vor.u32 s9, v9;
	v22 =	vshll.u32 v22, $0x2  }
0xed: {  	s16 =	simm.s32 $0x300;
	v41 =	vld.idx.msk [tilespmem:v20+s21+$0x0], $0xffff;
	v20 =	vadd.s32 v1, v22  }
0xee: {  	v42 =	vor.u32 s16, v0;
	[tilespmem:v18+s24+$0x0] =	vst.idx.msk $0xffff, v24;
	v18 =	vand.u32 $0x7C, v22;
	v24 =	vand.u32 $0xFFFFFF80, v20  }
0xef: {  	v29 =	vld.idx.msk [tilespmem:v29+s3+$0x0], $0xffff;
	v20 =	vshll.u32 v23, $0x2;
	v23 =	vor.u32 s15, v6;
	[tilespmem:v30+s24+$0x0] =	vst.idx.msk $0xffff, v25;
	v18 =	vor.u32 v18, v24  }
0xf0: {  	v21 =	vadd.s32 v7, v21;
	[tilespmem:v26+s24+$0x0] =	vst.idx.msk $0xffff, v19;
	v24 =	vadd.s32 v10, v20;
	v25 =	vld.idx.msk [tilespmem:v27+s3+$0x0], $0xffff  }
0xf1: {  	v26 =	vor.u32 s1, v4;
	v27 =	vld.idx.msk [tilespmem:v31+s21+$0x0], $0xffff;
	v19 =	vand.u32 $0xFFFFFF80, v24;
	v24 =	vand.u32 $0x7C, v20  }
0xf2: {  	s5 =	simm.s32 $0x380;
	v19 =	vor.u32 v24, v19;
	v24 =	vadd.s32 v5, v28  }
0xf3: {  	v31 =	vor.u32 s5, v0;
	v30 =	vshll.u32 v41, $0x2  }
0xf4: {  	v44 =	vor.u32 s15, v8;
	v32 =	vadd.s32 v1, v30;
	[tilespmem:v23+s24+$0x0] =	vst.idx.msk $0xffff, v29;
	v23 =	vor.u32 s29, v2;
	v18 =	vld.idx.msk [tilespmem:v18+s3+$0x0], $0xffff  }
0xf5: {  	v43 =	vadd.s32 v3, v22;
	v29 =	vand.u32 $0x7C, v30;
	v32 =	vand.u32 $0xFFFFFF80, v32;
	v21 =	vld.idx.msk [tilespmem:v21+s3+$0x0], $0xffff  }
0xf6: {  	v33 =	vld.idx.msk [tilespmem:v42+s21+$0x0], $0xffff;
	[tilespmem:v26+s24+$0x0] =	vst.idx.msk $0xffff, v25;
	v26 =	vshll.u32 v27, $0x2;
	v27 =	vor.u32 v29, v32  }
0xf7: {  	v25 =	vor.u32 s15, v9;
	v29 =	vor.u32 s1, v6;
	v45 =	vadd.s32 v10, v26;
	v24 =	vld.idx.msk [tilespmem:v24+s3+$0x0], $0xffff  }
0xf8: {  	v28 =	vadd.s32 v7, v28;
	v31 =	vld.idx.msk [tilespmem:v31+s21+$0x0], $0xffff;
	v46 =	vand.u32 $0x7C, v26;
	v32 =	vand.u32 $0xFFFFFF80, v45  }
0xf9: {  	v47 =	vor.u32 s10, v11;
	v48 =	vor.u32 s9, v11;
	s7 =	simm.s32 $0x400;
	v19 =	vld.idx.msk [tilespmem:v19+s3+$0x0], $0xffff;
	[tilespmem:v23+s24+$0x0] =	vst.idx.msk $0xffff, v18;
	v18 =	vor.u32 v46, v32  }
0xfa: {  	v62 =	vor.u32 s7, v0;
	[tilespmem:v44+s24+$0x0] =	vst.idx.msk $0xffff, v21;
	v21 =	vor.u32 s29, v4;
	v34 =	vld.idx.msk [tilespmem:v43+s3+$0x0], $0xffff  }
0xfb: {  	v49 =	vor.u32 s10, v13;
	v51 =	vor.u32 s1, v9;
	v50 =	vadd.s32 v5, v22;
	v27 =	vld.idx.msk [tilespmem:v27+s3+$0x0], $0xffff  }
0xfc: {  	v53 =	vor.u32 s0, v2;
	v59 =	vor.u32 s0, v4;
	v52 =	vadd.s32 v12, v20;
	v25 =	vld.idx.msk [tilespmem:v25+s21+$0x0], $0xffff;
	[tilespmem:v29+s24+$0x0] =	vst.idx.msk $0xffff, v24  }
0xfd: {  	v42 =	vshll.u32 v31, $0x2;
	v24 =	vor.u32 s1, v8;
	v29 =	vadd.s32 v3, v30;
	v28 =	vld.idx.msk [tilespmem:v28+s3+$0x0], $0xffff  }
0xfe: {  	v58 =	vor.u32 s29, v6;
	v63 =	vor.u32 s5, v2;
	v54 =	vadd.s32 v1, v42;
	v18 =	vld.idx.msk [tilespmem:v18+s3+$0x0], $0xffff  }
0xff: {  	v39 =	vld.idx.msk [tilespmem:v62+s21+$0x0], $0xffff;
	v31 =	vadd.s32 v12, v26;
	v56 =	vand.u32 $0x7C, v42;
	[tilespmem:v21+s24+$0x0] =	vst.idx.msk $0xffff, v34;
	v21 =	vand.u32 $0xFFFFFF80, v54  }
0x100: {  	v22 =	vadd.s32 v7, v22;
	[tilespmem:v47+s24+$0x0] =	vst.idx.msk $0xffff, v19;
	v19 =	vld.idx.msk [tilespmem:v50+s3+$0x0], $0xffff;
	v57 =	vor.u32 v56, v21  }
0x101: {  	v61 =	vadd.s32 v5, v30;
	v23 =	vshll.u32 v33, $0x2;
	[tilespmem:v53+s24+$0x0] =	vst.idx.msk $0xffff, v27;
	v21 =	vshll.u32 v25, $0x2;
	v25 =	vld.idx.msk [tilespmem:v52+s3+$0x0], $0xffff  }
0x102: {  	v29 =	vld.idx.msk [tilespmem:v29+s3+$0x0], $0xffff;
	v27 =	vadd.s32 v10, v21;
	[tilespmem:v24+s24+$0x0] =	vst.idx.msk $0xffff, v28;
	v28 =	vadd.s32 v14, v20  }
0x103: {  	v55 =	vadd.s32 v1, v23;
	v24 =	vand.u32 $0xFFFFFF80, v27;
	v27 =	vand.u32 $0x7C, v21;
	v60 =	vld.idx.msk [tilespmem:v51+s21+$0x0], $0xffff;
	[tilespmem:v48+s24+$0x0] =	vst.idx.msk $0xffff, v18  }
0x104: {  	v27 =	vor.u32 v27, v24;
	v18 =	vand.u32 $0x7C, v23;
	v24 =	vand.u32 $0xFFFFFF80, v55;
	v31 =	vld.idx.msk [tilespmem:v31+s3+$0x0], $0xffff  }
0x105: {  	v40 =	vor.u32 s5, v6;
	s8 =	simm.s32 $0x480;
	v43 =	vor.u32 s1, v11;
	v38 =	vor.u32 v18, v24;
	v32 =	vld.idx.msk [tilespmem:v57+s3+$0x0], $0xffff;
	[tilespmem:v58+s24+$0x0] =	vst.idx.msk $0xffff, v19  }
0x106: {  	v30 =	vadd.s32 v7, v30;
	v53 =	vor.u32 s9, v13;
	[tilespmem:v49+s24+$0x0] =	vst.idx.msk $0xffff, v25;
	v25 =	vor.u32 s8, v0;
	v52 =	vld.idx.msk [tilespmem:v22+s3+$0x0], $0xffff  }
0x107: {  	v54 =	vadd.s32 v3, v42;
	v56 =	vadd.s32 v14, v26;
	[tilespmem:v59+s24+$0x0] =	vst.idx.msk $0xffff, v29;
	v28 =	vld.idx.msk [tilespmem:v28+s3+$0x0], $0xffff  }
0x108: {  	v55 =	vor.u32 s29, v8;
	v24 =	vadd.s32 v5, v23;
	v29 =	vor.u32 s29, v9;
	v35 =	vld.idx.msk [tilespmem:v61+s3+$0x0], $0xffff  }
0x109: {  	v57 =	vor.u32 s10, v15;
	v58 =	vor.u32 s15, v11;
	v19 =	vshll.u32 v60, $0x2;
	v27 =	vld.idx.msk [tilespmem:v27+s3+$0x0], $0xffff  }
0x10a: {  	v59 =	vor.u32 s0, v6;
	v49 =	vor.u32 s16, v2;
	v60 =	vadd.s32 v10, v19;
	v38 =	vld.idx.msk [tilespmem:v38+s3+$0x0], $0xffff  }
0x10b: {  	v47 =	vand.u32 $0x7C, v19;
	[tilespmem:v53+s24+$0x0] =	vst.idx.msk $0xffff, v31;
	v53 =	vadd.s32 v12, v21;
	v48 =	vld.idx.msk [tilespmem:v25+s21+$0x0], $0xffff;
	v25 =	vand.u32 $0xFFFFFF80, v60  }
0x10c: {  	v31 =	vadd.s32 v12, v19;
	[tilespmem:v63+s24+$0x0] =	vst.idx.msk $0xffff, v32;
	v34 =	vld.idx.msk [tilespmem:v56+s3+$0x0], $0xffff;
	v62 =	vor.u32 v47, v25  }
0x10d: {  	v18 =	vor.u32 s9, v17;
	v63 =	vor.u32 s5, v4;
	v56 =	vadd.s32 v16, v26;
	v32 =	vld.idx.msk [tilespmem:v54+s3+$0x0], $0xffff;
	[tilespmem:v55+s24+$0x0] =	vst.idx.msk $0xffff, v52  }
0x10e: {  	v22 =	vor.u32 s10, v17;
	[tilespmem:v57+s24+$0x0] =	vst.idx.msk $0xffff, v28;
	v28 =	vadd.s32 v5, v42;
	v57 =	vadd.s32 v3, v23  }
0x10f: {  	v61 =	vor.u32 s9, v15;
	v54 =	vadd.s32 v16, v20;
	[tilespmem:v59+s24+$0x0] =	vst.idx.msk $0xffff, v35;
	v25 =	vshll.u32 v39, $0x2;
	v29 =	vld.idx.msk [tilespmem:v29+s21+$0x0], $0xffff  }
0x110: {  	v52 =	vor.u32 s0, v9;
	v55 =	vor.u32 s0, v8;
	v50 =	vld.idx.msk [tilespmem:v30+s3+$0x0], $0xffff;
	v20 =	vadd.s32 v1, v25;
	[tilespmem:v58+s24+$0x0] =	vst.idx.msk $0xffff, v27  }
0x111: {  	v27 =	vand.u32 $0x7C, v25;
	v20 =	vand.u32 $0xFFFFFF80, v20;
	[tilespmem:v49+s24+$0x0] =	vst.idx.msk $0xffff, v38;
	v26 =	vshll.u32 v48, $0x2;
	v58 =	vld.idx.msk [tilespmem:v62+s3+$0x0], $0xffff  }
0x112: {  	v30 =	vor.u32 v27, v20;
	v59 =	vadd.s32 v1, v26;
	[tilespmem:v63+s24+$0x0] =	vst.idx.msk $0xffff, v32;
	v32 =	vld.idx.msk [tilespmem:v53+s3+$0x0], $0xffff  }
0x113: {  	v27 =	vor.u32 s15, v13;
	v60 =	vand.u32 $0x7C, v26;
	v39 =	vld.idx.msk [tilespmem:v57+s3+$0x0], $0xffff;
	v20 =	vand.u32 $0xFFFFFF80, v59  }
0x114: {  	v33 =	vadd.s32 v5, v25;
	v37 =	vld.idx.msk [tilespmem:v28+s3+$0x0], $0xffff;
	v41 =	vor.u32 v60, v20;
	v20 =	vshll.u32 v29, $0x2  }
0x115: {  	v38 =	vadd.s32 v7, v42;
	[tilespmem:v61+s24+$0x0] =	vst.idx.msk $0xffff, v34;
	v28 =	vld.idx.msk [tilespmem:v54+s3+$0x0], $0xffff;
	v61 =	vadd.s32 v10, v20  }
0x116: {  	v34 =	vadd.s32 v14, v21;
	[tilespmem:v55+s24+$0x0] =	vst.idx.msk $0xffff, v50;
	v29 =	vld.idx.msk [tilespmem:v56+s3+$0x0], $0xffff;
	v63 =	vand.u32 $0x7C, v20;
	v62 =	vand.u32 $0xFFFFFF80, v61  }
0x117: {  	s9 =	simm.s32 $0xA;
	v42 =	vor.u32 s16, v4;
	v36 =	vld.idx.msk [tilespmem:v52+s21+$0x0], $0xffff;
	v35 =	vor.u32 v63, v62;
	[tilespmem:v43+s24+$0x0] =	vst.idx.msk $0xffff, v58  }
.LBB2_4:
0x118: {  	s10 =	sshll.u32 s9, $0x7;
	p1 =	slt.u32 s9, $0xA6;
	s9 =	sadd.s32 $0x2, s9;
	v31 =	vld.idx.msk [tilespmem:v31+s3+$0x0], $0xffff;
	[tilespmem:v27+s24+$0x0] =	vst.idx.msk $0xffff, v32  }
0x119: {  	v27 =	vor.u32 s10, v0;
	s11 =	sadd.s32 $0x80, s10;
	v32 =	vld.idx.msk [tilespmem:v41+s3+$0x0], $0xffff;
	[tilespmem:v40+s24+$0x0] =	vst.idx.msk $0xffff, v37;
	v37 =	vor.u32 s1, v13  }
0x11a: {  	v41 =	vor.u32 s8, v2;
	v40 =	vor.u32 s11, v0;
	v38 =	vld.idx.msk [tilespmem:v38+s3+$0x0], $0xffff;
	[tilespmem:v22+s24+$0x0] =	vst.idx.msk $0xffff, v28  }
0x11b: {  	v43 =	vor.u32 s5, v8;
	v28 =	vadd.s32 v3, v26;
	v34 =	vld.idx.msk [tilespmem:v34+s3+$0x0], $0xffff;
	[tilespmem:v18+s24+$0x0] =	vst.idx.msk $0xffff, v29;
	v18 =	vor.u32 s1, v17  }
0x11c: {  	v29 =	vor.u32 s5, v9;
	[tilespmem:v42+s24+$0x0] =	vst.idx.msk $0xffff, v39;
	v35 =	vld.idx.msk [tilespmem:v35+s3+$0x0], $0xffff;
	v39 =	vadd.s32 v14, v19;
	v42 =	vor.u32 s15, v15  }
0x11d: {  	v45 =	vor.u32 s29, v11;
	v22 =	vor.u32 s15, v17;
	v36 =	vshll.u32 v36, $0x2;
	s15 =	smov.u32 s29;
	s29 =	smov.u32 s5;
	s5 =	smov.u32 s8;
	v44 =	vld.idx.msk [tilespmem:v24+s3+$0x0], $0xffff;
	v24 =	vmovc v33  }
0x11e: {  	v46 =	vor.u32 s16, v6;
	s8 =	smov.u32 s11;
	v47 =	vand.u32 $0x7C, v36;
	v33 =	vld.idx.msk [tilespmem:v27+s21+$0x0], $0xffff;
	v27 =	vadd.s32 v10, v36;
	[tilespmem:v37+s24+$0x0] =	vst.idx.msk $0xffff, v31  }
0x11f: {  	v23 =	vadd.s32 v7, v23;
	v48 =	vor.u32 s1, v15;
	s1 =	smov.u32 s0;
	s0 =	smov.u32 s16;
	s16 =	smov.u32 s7;
	v37 =	vld.idx.msk [tilespmem:v40+s21+$0x0], $0xffff;
	[tilespmem:v41+s24+$0x0] =	vst.idx.msk $0xffff, v32;
	v27 =	vand.u32 $0xFFFFFF80, v27  }
0x120: {  	s7 =	smov.u32 s10;
	v28 =	vld.idx.msk [tilespmem:v28+s3+$0x0], $0xffff;
	[tilespmem:v43+s24+$0x0] =	vst.idx.msk $0xffff, v38;
	v32 =	vor.u32 v47, v27;
	v43 =	vor.u32 s1, v11;
	v27 =	vor.u32 s15, v13  }
0x121: {  	v40 =	vadd.s32 v12, v20;
	v38 =	vor.u32 s5, v4;
	v47 =	vor.u32 s0, v9;
	v29 =	vld.idx.msk [tilespmem:v29+s21+$0x0], $0xffff;
	[tilespmem:v42+s24+$0x0] =	vst.idx.msk $0xffff, v34  }
0x122: {  	v34 =	vadd.s32 v5, v26;
	[tilespmem:v45+s24+$0x0] =	vst.idx.msk $0xffff, v35;
	v35 =	vld.idx.msk [tilespmem:v39+s3+$0x0], $0xffff;
	v39 =	vadd.s32 v16, v21  }
0x123: {  	v45 =	vor.u32 s16, v2;
	v42 =	vld.idx.msk [tilespmem:v30+s3+$0x0], $0xffff;
	[tilespmem:v46+s24+$0x0] =	vst.idx.msk $0xffff, v44;
	v44 =	vor.u32 s0, v8;
	v46 =	vadd.s32 v16, v19  }
0x124: {  	v49 =	vadd.s32 v3, v25;
	v31 =	vadd.s32 v12, v36;
	v21 =	vshll.u32 v33, $0x2;
	v19 =	vmovc v36;
	v50 =	vld.idx.msk [tilespmem:v23+s3+$0x0], $0xffff  }
0x125: {  	v30 =	vadd.s32 v1, v21;
	v33 =	vand.u32 $0x7C, v21;
	v51 =	vshll.u32 v37, $0x2;
	v23 =	vmovc v25;
	v25 =	vmovc v21;
	v52 =	vld.idx.msk [tilespmem:v32+s3+$0x0], $0xffff  }
0x126: {  	v53 =	vand.u32 $0xFFFFFF80, v30;
	v36 =	vadd.s32 v1, v51;
	v41 =	vand.u32 $0x7C, v51;
	[tilespmem:v38+s24+$0x0] =	vst.idx.msk $0xffff, v28;
	v32 =	vld.idx.msk [tilespmem:v40+s3+$0x0], $0xffff  }
.Ltmp3:
0x127: {  	v30 =	vor.u32 v33, v53;
	v33 =	vadd.s32 v5, v25;
	v28 =	vand.u32 $0xFFFFFF80, v36;
	v21 =	vmovc v20;
	v37 =	vld.idx.msk [tilespmem:v34+s3+$0x0], $0xffff;
	(pc) =	sbr.rel @p1 .LBB2_4-.Ltmp3, $4  }
0x128: {  	v40 =	vor.u32 s5, v6;
	v20 =	vshll.u32 v29, $0x2;
	v41 =	vor.u32 v41, v28;
	[tilespmem:v48+s24+$0x0] =	vst.idx.msk $0xffff, v35;
	v28 =	vld.idx.msk [tilespmem:v39+s3+$0x0], $0xffff  }
0x129: {  	v38 =	vadd.s32 v7, v26;
	[tilespmem:v45+s24+$0x0] =	vst.idx.msk $0xffff, v42;
	v45 =	vadd.s32 v10, v20;
	v29 =	vld.idx.msk [tilespmem:v46+s3+$0x0], $0xffff  }
0x12a: {  	v34 =	vadd.s32 v14, v21;
	v35 =	vand.u32 $0x7C, v20;
	v39 =	vld.idx.msk [tilespmem:v49+s3+$0x0], $0xffff;
	[tilespmem:v44+s24+$0x0] =	vst.idx.msk $0xffff, v50;
	v44 =	vand.u32 $0xFFFFFF80, v45  }
0x12b: {  	v26 =	vmov v51;
	v42 =	vor.u32 s16, v4;
	v36 =	vld.idx.msk [tilespmem:v47+s21+$0x0], $0xffff;
	v35 =	vor.u32 v35, v44;
	[tilespmem:v43+s24+$0x0] =	vst.idx.msk $0xffff, v52  }
0x12c: {  	_ =	sdelay $0x3  }
0x12d: {  	v41 =	vld.idx.msk [tilespmem:v41+s3+$0x0], $0xffff;
	v43 =	vor.u32 s8, v2  }
0x12e: {  	v44 =	vadd.s32 v3, v26;
	v30 =	vld.idx.msk [tilespmem:v30+s3+$0x0], $0xffff;
	v45 =	vor.u32 s7, v2  }
0x12f: {  	v46 =	vadd.s32 v3, v25;
	_ =	sdelay $0x2  }
0x130: {  	[tilespmem:v43+s24+$0x0] =	vst.idx.msk $0xffff, v41  }
0x131: {  	v61 =	vor.u32 s8, v4;
	[tilespmem:v45+s24+$0x0] =	vst.idx.msk $0xffff, v30;
	v41 =	vld.idx.msk [tilespmem:v44+s3+$0x0], $0xffff  }
0x132: {  	v62 =	vadd.s32 v5, v26;
	v48 =	vor.u32 s7, v4;
	v63 =	vld.idx.msk [tilespmem:v46+s3+$0x0], $0xffff;
	_ =	sdelay $0x1  }
0x133: {  	[tilespmem:v42+s24+$0x0] =	vst.idx.msk $0xffff, v39  }
0x134: {  	v49 =	vor.u32 s16, v6;
	v24 =	vld.idx.msk [tilespmem:v24+s3+$0x0], $0xffff  }
0x135: {  	v23 =	vadd.s32 v7, v23;
	[tilespmem:v61+s24+$0x0] =	vst.idx.msk $0xffff, v41  }
0x136: {  	v50 =	vor.u32 s8, v6;
	[tilespmem:v48+s24+$0x0] =	vst.idx.msk $0xffff, v63;
	v30 =	vld.idx.msk [tilespmem:v62+s3+$0x0], $0xffff  }
0x137: {  	[tilespmem:v40+s24+$0x0] =	vst.idx.msk $0xffff, v37;
	v51 =	vadd.s32 v7, v26;
	v52 =	vor.u32 s7, v6;
	v33 =	vld.idx.msk [tilespmem:v33+s3+$0x0], $0xffff  }
0x138: {  	v53 =	vor.u32 s5, v8;
	v54 =	vadd.s32 v7, v25;
	v38 =	vld.idx.msk [tilespmem:v38+s3+$0x0], $0xffff  }
0x139: {  	v55 =	vor.u32 s5, v9;
	[tilespmem:v49+s24+$0x0] =	vst.idx.msk $0xffff, v24  }
0x13a: {  	v56 =	vor.u32 s16, v8;
	v23 =	vld.idx.msk [tilespmem:v23+s3+$0x0], $0xffff  }
0x13b: {  	v57 =	vor.u32 s16, v9;
	[tilespmem:v50+s24+$0x0] =	vst.idx.msk $0xffff, v30  }
0x13c: {  	v58 =	vor.u32 s8, v8;
	[tilespmem:v52+s24+$0x0] =	vst.idx.msk $0xffff, v33;
	v26 =	vld.idx.msk [tilespmem:v51+s3+$0x0], $0xffff  }
0x13d: {  	v59 =	vor.u32 s8, v9;
	v60 =	vor.u32 s7, v8;
	[tilespmem:v53+s24+$0x0] =	vst.idx.msk $0xffff, v38;
	v25 =	vld.idx.msk [tilespmem:v54+s3+$0x0], $0xffff  }
0x13e: {  	v38 =	vld.idx.msk [tilespmem:v55+s21+$0x0], $0xffff;
	v61 =	vor.u32 s7, v9  }
0x13f: {  	[tilespmem:v56+s24+$0x0] =	vst.idx.msk $0xffff, v23  }
0x140: {  	v47 =	vor.u32 s29, v11;
	[tilespmem:v27+s24+$0x0] =	vst.idx.msk $0xffff, v32;
	v21 =	vadd.s32 v16, v21;
	v63 =	vld.idx.msk [tilespmem:v57+s21+$0x0], $0xffff  }
0x141: {  	v40 =	vor.u32 s0, v11;
	v34 =	vld.idx.msk [tilespmem:v34+s3+$0x0], $0xffff;
	v45 =	vadd.s32 v14, v19;
	v24 =	vshll.u32 v36, $0x2;
	[tilespmem:v58+s24+$0x0] =	vst.idx.msk $0xffff, v26  }
0x142: {  	v46 =	vadd.s32 v10, v24;
	v41 =	vor.u32 s15, v15;
	v48 =	vand.u32 $0x7C, v24;
	[tilespmem:v60+s24+$0x0] =	vst.idx.msk $0xffff, v25;
	v33 =	vld.idx.msk [tilespmem:v59+s21+$0x0], $0xffff  }
0x143: {  	v42 =	vand.u32 $0xFFFFFF80, v46;
	v62 =	vor.u32 s1, v13;
	v37 =	vshll.u32 v38, $0x2;
	v49 =	vld.idx.msk [tilespmem:v61+s21+$0x0], $0xffff  }
0x144: {  	v31 =	vld.idx.msk [tilespmem:v31+s3+$0x0], $0xffff;
	v30 =	vor.u32 v48, v42;
	v50 =	vadd.s32 v12, v20;
	v51 =	vadd.s32 v10, v37  }
0x145: {  	v54 =	vand.u32 $0x7C, v37;
	v53 =	vand.u32 $0xFFFFFF80, v51;
	v36 =	vshll.u32 v63, $0x2  }
0x146: {  	v52 =	vld.idx.msk [tilespmem:v35+s3+$0x0], $0xffff;
	v48 =	vor.u32 s15, v17;
	v32 =	vor.u32 v54, v53;
	v55 =	vadd.s32 v10, v36  }
0x147: {  	[tilespmem:v41+s24+$0x0] =	vst.idx.msk $0xffff, v34;
	v56 =	vand.u32 $0x7C, v36;
	v35 =	vand.u32 $0xFFFFFF80, v55;
	v33 =	vshll.u32 v33, $0x2  }
0x148: {  	v21 =	vld.idx.msk [tilespmem:v21+s3+$0x0], $0xffff;
	v57 =	vor.u32 v56, v35;
	v35 =	vshll.u32 v49, $0x2;
	v58 =	vadd.s32 v10, v33  }
0x149: {  	[tilespmem:v62+s24+$0x0] =	vst.idx.msk $0xffff, v31;
	v62 =	vld.idx.msk [tilespmem:v30+s3+$0x0], $0xffff;
	v60 =	vand.u32 $0x7C, v33;
	v61 =	vadd.s32 v10, v35;
	v31 =	vand.u32 $0xFFFFFF80, v58  }
0x14a: {  	v59 =	vld.idx.msk [tilespmem:v45+s3+$0x0], $0xffff;
	v44 =	vand.u32 $0x7C, v35;
	v45 =	vand.u32 $0xFFFFFF80, v61;
	v63 =	vor.u32 v60, v31  }
0x14b: {  	[tilespmem:v47+s24+$0x0] =	vst.idx.msk $0xffff, v52;
	v25 =	vor.u32 s1, v15;
	v30 =	vor.u32 v44, v45  }
0x14c: {  	[tilespmem:v22+s24+$0x0] =	vst.idx.msk $0xffff, v28;
	v19 =	vadd.s32 v16, v19;
	v46 =	vor.u32 s29, v13;
	v47 =	vld.idx.msk [tilespmem:v50+s3+$0x0], $0xffff  }
0x14d: {  	[tilespmem:v18+s24+$0x0] =	vst.idx.msk $0xffff, v29;
	v18 =	vadd.s32 v12, v24;
	v51 =	vor.u32 s16, v11;
	v23 =	vld.idx.msk [tilespmem:v57+s3+$0x0], $0xffff  }
0x14e: {  	v53 =	vadd.s32 v12, v36;
	[tilespmem:v48+s24+$0x0] =	vst.idx.msk $0xffff, v21;
	v50 =	vor.u32 s5, v11;
	v49 =	vld.idx.msk [tilespmem:v32+s3+$0x0], $0xffff  }
0x14f: {  	v54 =	vor.u32 s8, v11;
	v52 =	vadd.s32 v12, v37;
	[tilespmem:v40+s24+$0x0] =	vst.idx.msk $0xffff, v62;
	v27 =	vld.idx.msk [tilespmem:v63+s3+$0x0], $0xffff  }
0x150: {  	v55 =	vor.u32 s7, v11;
	[tilespmem:v25+s24+$0x0] =	vst.idx.msk $0xffff, v59;
	v56 =	vadd.s32 v12, v33;
	v30 =	vld.idx.msk [tilespmem:v30+s3+$0x0], $0xffff  }
0x151: {  	[tilespmem:v46+s24+$0x0] =	vst.idx.msk $0xffff, v47;
	v57 =	vor.u32 s1, v17;
	v19 =	vld.idx.msk [tilespmem:v19+s3+$0x0], $0xffff;
	v58 =	vadd.s32 v12, v35  }
0x152: {  	v18 =	vld.idx.msk [tilespmem:v18+s3+$0x0], $0xffff;
	v59 =	vadd.s32 v14, v20;
	v60 =	vor.u32 s0, v13;
	[tilespmem:v51+s24+$0x0] =	vst.idx.msk $0xffff, v23  }
0x153: {  	v42 =	vor.u32 s16, v13;
	v61 =	vadd.s32 v14, v24;
	[tilespmem:v50+s24+$0x0] =	vst.idx.msk $0xffff, v49;
	v25 =	vld.idx.msk [tilespmem:v53+s3+$0x0], $0xffff  }
0x154: {  	v43 =	vadd.s32 v14, v36;
	v62 =	vor.u32 s5, v13;
	v31 =	vld.idx.msk [tilespmem:v52+s3+$0x0], $0xffff;
	[tilespmem:v54+s24+$0x0] =	vst.idx.msk $0xffff, v27  }
0x155: {  	v44 =	vor.u32 s8, v13;
	v63 =	vadd.s32 v14, v37;
	[tilespmem:v55+s24+$0x0] =	vst.idx.msk $0xffff, v30;
	v38 =	vld.idx.msk [tilespmem:v56+s3+$0x0], $0xffff  }
0x156: {  	v45 =	vor.u32 s7, v13;
	[tilespmem:v57+s24+$0x0] =	vst.idx.msk $0xffff, v19;
	v19 =	vadd.s32 v14, v33;
	v21 =	vld.idx.msk [tilespmem:v58+s3+$0x0], $0xffff  }
0x157: {  	v46 =	vor.u32 s29, v15;
	v22 =	vld.idx.msk [tilespmem:v59+s3+$0x0], $0xffff;
	[tilespmem:v60+s24+$0x0] =	vst.idx.msk $0xffff, v18;
	v18 =	vadd.s32 v14, v35  }
0x158: {  	v48 =	vadd.s32 v16, v20;
	v47 =	vor.u32 s0, v15;
	v28 =	vld.idx.msk [tilespmem:v61+s3+$0x0], $0xffff;
	[tilespmem:v42+s24+$0x0] =	vst.idx.msk $0xffff, v25  }
0x159: {  	v24 =	vadd.s32 v16, v24;
	v50 =	vor.u32 s16, v15;
	[tilespmem:v62+s24+$0x0] =	vst.idx.msk $0xffff, v31;
	v26 =	vld.idx.msk [tilespmem:v43+s3+$0x0], $0xffff  }
0x15a: {  	v49 =	vor.u32 s5, v15;
	v52 =	vadd.s32 v16, v36;
	v23 =	vld.idx.msk [tilespmem:v63+s3+$0x0], $0xffff;
	[tilespmem:v44+s24+$0x0] =	vst.idx.msk $0xffff, v38  }
0x15b: {  	v51 =	vadd.s32 v16, v37;
	v53 =	vor.u32 s8, v15;
	[tilespmem:v45+s24+$0x0] =	vst.idx.msk $0xffff, v21;
	v19 =	vld.idx.msk [tilespmem:v19+s3+$0x0], $0xffff  }
0x15c: {  	[tilespmem:v46+s24+$0x0] =	vst.idx.msk $0xffff, v22;
	v54 =	vor.u32 s7, v15;
	v55 =	vadd.s32 v16, v33;
	v18 =	vld.idx.msk [tilespmem:v18+s3+$0x0], $0xffff  }
0x15d: {  	v57 =	vadd.s32 v16, v35;
	v20 =	vld.idx.msk [tilespmem:v48+s3+$0x0], $0xffff;
	v56 =	vor.u32 s29, v17;
	[tilespmem:v47+s24+$0x0] =	vst.idx.msk $0xffff, v28  }
0x15e: {  	v58 =	vor.u32 s0, v17;
	v24 =	vld.idx.msk [tilespmem:v24+s3+$0x0], $0xffff;
	[tilespmem:v50+s24+$0x0] =	vst.idx.msk $0xffff, v26  }
0x15f: {  	v61 =	vor.u32 s16, v17;
	[tilespmem:v49+s24+$0x0] =	vst.idx.msk $0xffff, v23;
	v62 =	vld.idx.msk [tilespmem:v52+s3+$0x0], $0xffff  }
0x160: {  	v59 =	vor.u32 s5, v17;
	v60 =	vld.idx.msk [tilespmem:v51+s3+$0x0], $0xffff;
	[tilespmem:v53+s24+$0x0] =	vst.idx.msk $0xffff, v19  }
0x161: {  	v19 =	vor.u32 s8, v17;
	[tilespmem:v54+s24+$0x0] =	vst.idx.msk $0xffff, v18;
	v18 =	vld.idx.msk [tilespmem:v55+s3+$0x0], $0xffff  }
0x162: {  	v63 =	vor.u32 s7, v17;
	[tilespmem:v56+s24+$0x0] =	vst.idx.msk $0xffff, v20;
	v21 =	vld.idx.msk [tilespmem:v57+s3+$0x0], $0xffff  }
0x163: {  	[tilespmem:v58+s24+$0x0] =	vst.idx.msk $0xffff, v24  }
0x164: {  	[tilespmem:v61+s24+$0x0] =	vst.idx.msk $0xffff, v62  }
0x165: {  	[tilespmem:v59+s24+$0x0] =	vst.idx.msk $0xffff, v60  }
0x166: {  	[tilespmem:v19+s24+$0x0] =	vst.idx.msk $0xffff, v18  }
0x167: {  	[tilespmem:v63+s24+$0x0] =	vst.idx.msk $0xffff, v21  }
0x168: {  	s29 =	simm.s32 $0x1;
	s31 =	rddreg [dreg:$0x8]  }
0x169: {  	[hbm4b:s31+s3] =	stream.linear.scatter [tilespmem:s24], [sflag:$0x4], $0x5400, $0x38;
	[tilespmem:$0x1D000] =	vst v63  }
.LBB2_6:
0x16a: {  	s31 =	smul.u32 $0x150, s29;
	_ =	sdelay $0x1  }
0x16b: {  	_ =	swait.ge [sflag:s20], $0x5400;
	s0 =	sadd.s32 s31, s12  }
0x16c: {  	s10 =	simm.s32 $0x80;
	[sflag:s20] =	ssyncset.done $0x0;
	s30 =	sshll.u32 s0, $0x4  }
0x16d: {  	s1 =	simm.s32 $0x0;
	v18 =	vor.u32 s10, v0;
	[sflag:s20] =	ssyncadd.s32 $0xFFFFAC00;
	s0 =	sadd.s32 s4, s30  }
0x16e: {  	[tilespmem:s21], [sflag:$0x2] =	stream.linear.gather [hbm4b:s0+s1], $0x5400, $0x38;
	[tilespmem:$0x1D000] =	vst v63  }
0x16f: {  	_ =	swait.ge [sflag:s25], $0x5400  }
0x170: {  	[sflag:s25] =	ssyncset.done $0x0  }
0x171: {  	[sflag:s25] =	ssyncadd.s32 $0xFFFFAC00  }
0x172: {  	v18 =	vld.idx.msk [tilespmem:v18+s19+$0x0], $0xffff;
	_ =	sdelay $0x1  }
0x173: {  	s11 =	simm.s32 $0x0  }
0x174: {  	v19 =	vor.u32 s11, v0;
	_ =	sdelay $0x1  }
0x175: {  	v18 =	vshll.u32 v18, $0x2  }
0x176: {  	v20 =	vadd.s32 v1, v18  }
0x177: {  	v21 =	vand.u32 $0x7C, v18;
	v20 =	vand.u32 $0xFFFFFF80, v20  }
0x178: {  	v19 =	vld.idx.msk [tilespmem:v19+s19+$0x0], $0xffff;
	v20 =	vor.u32 v21, v20;
	_ =	sdelay $0x2  }
0x179: {  	s16 =	simm.s32 $0x180  }
0x17a: {  	v21 =	vor.u32 s16, v0  }
0x17b: {  	v22 =	vor.u32 s10, v2;
	v19 =	vshll.u32 v19, $0x2;
	v20 =	vld.idx.msk [tilespmem:v20+s3+$0x0], $0xffff  }
0x17c: {  	v23 =	vadd.s32 v1, v19;
	v24 =	vadd.s32 v3, v18  }
0x17d: {  	v25 =	vand.u32 $0x7C, v19;
	v23 =	vand.u32 $0xFFFFFF80, v23  }
0x17e: {  	v23 =	vor.u32 v25, v23  }
0x17f: {  	v21 =	vld.idx.msk [tilespmem:v21+s19+$0x0], $0xffff  }
0x180: {  	s15 =	simm.s32 $0x100;
	[tilespmem:v22+s22+$0x0] =	vst.idx.msk $0xffff, v20  }
0x181: {  	v20 =	vor.u32 s15, v0;
	v22 =	vld.idx.msk [tilespmem:v24+s3+$0x0], $0xffff;
	v24 =	vor.u32 s10, v4  }
0x182: {  	v25 =	vadd.s32 v5, v18  }
0x183: {  	v26 =	vor.u32 s11, v2;
	v23 =	vld.idx.msk [tilespmem:v23+s3+$0x0], $0xffff  }
0x184: {  	v27 =	vadd.s32 v3, v19;
	v21 =	vshll.u32 v21, $0x2  }
0x185: {  	v28 =	vadd.s32 v1, v21  }
0x186: {  	v29 =	vand.u32 $0x7C, v21;
	v20 =	vld.idx.msk [tilespmem:v20+s19+$0x0], $0xffff;
	[tilespmem:v24+s22+$0x0] =	vst.idx.msk $0xffff, v22;
	v22 =	vand.u32 $0xFFFFFF80, v28  }
0x187: {  	v24 =	vld.idx.msk [tilespmem:v25+s3+$0x0], $0xffff;
	v22 =	vor.u32 v29, v22;
	v25 =	vor.u32 s10, v6  }
0x188: {  	v18 =	vadd.s32 v7, v18;
	[tilespmem:v26+s22+$0x0] =	vst.idx.msk $0xffff, v23  }
0x189: {  	v26 =	vor.u32 s11, v4;
	v23 =	vld.idx.msk [tilespmem:v27+s3+$0x0], $0xffff  }
0x18a: {  	v27 =	vadd.s32 v5, v19  }
0x18b: {  	s0 =	simm.s32 $0x280  }
0x18c: {  	v28 =	vshll.u32 v20, $0x2;
	v20 =	vld.idx.msk [tilespmem:v22+s3+$0x0], $0xffff;
	[tilespmem:v25+s22+$0x0] =	vst.idx.msk $0xffff, v24;
	v22 =	vor.u32 s0, v0;
	v24 =	vor.u32 s16, v2  }
0x18d: {  	v30 =	vor.u32 s10, v8;
	v29 =	vadd.s32 v3, v21;
	v25 =	vadd.s32 v1, v28;
	v18 =	vld.idx.msk [tilespmem:v18+s3+$0x0], $0xffff  }
0x18e: {  	[tilespmem:v26+s22+$0x0] =	vst.idx.msk $0xffff, v23;
	v23 =	vor.u32 s10, v9;
	v31 =	vand.u32 $0x7C, v28;
	v25 =	vand.u32 $0xFFFFFF80, v25  }
0x18f: {  	v26 =	vld.idx.msk [tilespmem:v27+s3+$0x0], $0xffff;
	v27 =	vor.u32 s11, v6;
	v25 =	vor.u32 v31, v25  }
0x190: {  	v19 =	vadd.s32 v7, v19  }
0x191: {  	s1 =	simm.s32 $0x200;
	v22 =	vld.idx.msk [tilespmem:v22+s19+$0x0], $0xffff;
	[tilespmem:v24+s22+$0x0] =	vst.idx.msk $0xffff, v20  }
0x192: {  	v20 =	vor.u32 s1, v0;
	v24 =	vld.idx.msk [tilespmem:v29+s3+$0x0], $0xffff;
	[tilespmem:v30+s22+$0x0] =	vst.idx.msk $0xffff, v18  }
0x193: {  	v18 =	vor.u32 s16, v4;
	v23 =	vld.idx.msk [tilespmem:v23+s19+$0x0], $0xffff  }
0x194: {  	[tilespmem:v27+s22+$0x0] =	vst.idx.msk $0xffff, v26;
	v29 =	vadd.s32 v5, v21;
	v30 =	vor.u32 s15, v2;
	v25 =	vld.idx.msk [tilespmem:v25+s3+$0x0], $0xffff  }
0x195: {  	v26 =	vor.u32 s11, v8;
	v27 =	vadd.s32 v3, v28;
	v19 =	vld.idx.msk [tilespmem:v19+s3+$0x0], $0xffff  }
0x196: {  	v31 =	vor.u32 s11, v9;
	v22 =	vshll.u32 v22, $0x2  }
0x197: {  	v32 =	vld.idx.msk [tilespmem:v20+s19+$0x0], $0xffff;
	v20 =	vadd.s32 v1, v22  }
0x198: {  	[tilespmem:v18+s22+$0x0] =	vst.idx.msk $0xffff, v24;
	v18 =	vand.u32 $0x7C, v22;
	v24 =	vand.u32 $0xFFFFFF80, v20  }
0x199: {  	v29 =	vld.idx.msk [tilespmem:v29+s3+$0x0], $0xffff;
	v20 =	vshll.u32 v23, $0x2;
	v23 =	vor.u32 s16, v6;
	[tilespmem:v30+s22+$0x0] =	vst.idx.msk $0xffff, v25;
	v18 =	vor.u32 v18, v24  }
0x19a: {  	v21 =	vadd.s32 v7, v21;
	[tilespmem:v26+s22+$0x0] =	vst.idx.msk $0xffff, v19;
	v25 =	vld.idx.msk [tilespmem:v27+s3+$0x0], $0xffff  }
0x19b: {  	s7 =	simm.s32 $0x380;
	v26 =	vor.u32 s15, v4;
	v24 =	vadd.s32 v10, v20;
	v27 =	vld.idx.msk [tilespmem:v31+s19+$0x0], $0xffff  }
0x19c: {  	v31 =	vor.u32 s7, v0;
	v19 =	vand.u32 $0xFFFFFF80, v24;
	v24 =	vand.u32 $0x7C, v20  }
0x19d: {  	v19 =	vor.u32 v24, v19;
	v24 =	vadd.s32 v5, v28;
	v30 =	vshll.u32 v32, $0x2  }
0x19e: {  	v35 =	vor.u32 s16, v8;
	v32 =	vadd.s32 v1, v30;
	[tilespmem:v23+s22+$0x0] =	vst.idx.msk $0xffff, v29;
	v23 =	vor.u32 s0, v2;
	v18 =	vld.idx.msk [tilespmem:v18+s3+$0x0], $0xffff  }
0x19f: {  	v34 =	vadd.s32 v3, v22;
	v29 =	vand.u32 $0x7C, v30;
	v32 =	vand.u32 $0xFFFFFF80, v32;
	v21 =	vld.idx.msk [tilespmem:v21+s3+$0x0], $0xffff  }
0x1a0: {  	s5 =	simm.s32 $0x300;
	[tilespmem:v26+s22+$0x0] =	vst.idx.msk $0xffff, v25;
	v26 =	vshll.u32 v27, $0x2;
	v27 =	vor.u32 v29, v32  }
0x1a1: {  	v33 =	vor.u32 s5, v0;
	v63 =	vor.u32 s10, v11;
	v25 =	vor.u32 s16, v9;
	v31 =	vld.idx.msk [tilespmem:v31+s19+$0x0], $0xffff  }
0x1a2: {  	v45 =	vor.u32 s11, v11;
	v29 =	vor.u32 s15, v6;
	v62 =	vadd.s32 v10, v26;
	v24 =	vld.idx.msk [tilespmem:v24+s3+$0x0], $0xffff  }
0x1a3: {  	v28 =	vadd.s32 v7, v28;
	v36 =	vand.u32 $0x7C, v26;
	v19 =	vld.idx.msk [tilespmem:v19+s3+$0x0], $0xffff;
	v32 =	vand.u32 $0xFFFFFF80, v62;
	[tilespmem:v23+s22+$0x0] =	vst.idx.msk $0xffff, v18  }
0x1a4: {  	s8 =	simm.s32 $0x400;
	v46 =	vor.u32 s10, v13;
	v18 =	vor.u32 v36, v32;
	[tilespmem:v35+s22+$0x0] =	vst.idx.msk $0xffff, v21;
	v21 =	vor.u32 s0, v4;
	v34 =	vld.idx.msk [tilespmem:v34+s3+$0x0], $0xffff  }
0x1a5: {  	v38 =	vor.u32 s15, v9;
	v53 =	vor.u32 s8, v0;
	v37 =	vadd.s32 v5, v22;
	v27 =	vld.idx.msk [tilespmem:v27+s3+$0x0], $0xffff  }
0x1a6: {  	v54 =	vor.u32 s7, v2;
	v40 =	vor.u32 s1, v2;
	v39 =	vadd.s32 v12, v20;
	v25 =	vld.idx.msk [tilespmem:v25+s19+$0x0], $0xffff  }
0x1a7: {  	v56 =	vor.u32 s11, v13;
	v44 =	vor.u32 s10, v15;
	v33 =	vld.idx.msk [tilespmem:v33+s19+$0x0], $0xffff;
	[tilespmem:v29+s22+$0x0] =	vst.idx.msk $0xffff, v24;
	v29 =	vadd.s32 v3, v30  }
0x1a8: {  	v60 =	vor.u32 s16, v11;
	v42 =	vshll.u32 v31, $0x2;
	v24 =	vor.u32 s15, v8;
	v28 =	vld.idx.msk [tilespmem:v28+s3+$0x0], $0xffff  }
0x1a9: {  	v61 =	vor.u32 s11, v15;
	v49 =	vor.u32 s0, v6;
	v47 =	vadd.s32 v1, v42;
	v18 =	vld.idx.msk [tilespmem:v18+s3+$0x0], $0xffff;
	[tilespmem:v21+s22+$0x0] =	vst.idx.msk $0xffff, v34  }
0x1aa: {  	v31 =	vadd.s32 v12, v26;
	v43 =	vand.u32 $0x7C, v42;
	[tilespmem:v63+s22+$0x0] =	vst.idx.msk $0xffff, v19;
	v21 =	vand.u32 $0xFFFFFF80, v47;
	v19 =	vld.idx.msk [tilespmem:v37+s3+$0x0], $0xffff  }
0x1ab: {  	v50 =	vor.u32 s1, v4;
	[tilespmem:v40+s22+$0x0] =	vst.idx.msk $0xffff, v27;
	v48 =	vor.u32 v43, v21;
	v21 =	vshll.u32 v25, $0x2;
	v25 =	vld.idx.msk [tilespmem:v39+s3+$0x0], $0xffff  }
0x1ac: {  	v58 =	vor.u32 s0, v8;
	v22 =	vadd.s32 v7, v22;
	v52 =	vadd.s32 v5, v30;
	v29 =	vld.idx.msk [tilespmem:v29+s3+$0x0], $0xffff  }
0x1ad: {  	v39 =	vld.idx.msk [tilespmem:v53+s19+$0x0], $0xffff;
	v27 =	vadd.s32 v10, v21;
	[tilespmem:v24+s22+$0x0] =	vst.idx.msk $0xffff, v28;
	v28 =	vadd.s32 v14, v20  }
0x1ae: {  	v23 =	vshll.u32 v33, $0x2;
	v24 =	vand.u32 $0xFFFFFF80, v27;
	v27 =	vand.u32 $0x7C, v21;
	v51 =	vld.idx.msk [tilespmem:v38+s19+$0x0], $0xffff;
	[tilespmem:v45+s22+$0x0] =	vst.idx.msk $0xffff, v18  }
0x1af: {  	s9 =	simm.s32 $0x480;
	v41 =	vadd.s32 v1, v23;
	v27 =	vor.u32 v27, v24;
	v31 =	vld.idx.msk [tilespmem:v31+s3+$0x0], $0xffff;
	[tilespmem:v49+s22+$0x0] =	vst.idx.msk $0xffff, v19  }
0x1b0: {  	v18 =	vand.u32 $0x7C, v23;
	v24 =	vand.u32 $0xFFFFFF80, v41;
	v32 =	vld.idx.msk [tilespmem:v48+s3+$0x0], $0xffff;
	[tilespmem:v46+s22+$0x0] =	vst.idx.msk $0xffff, v25;
	v25 =	vor.u32 s9, v0  }
0x1b1: {  	v59 =	vadd.s32 v14, v26;
	v57 =	vadd.s32 v3, v42;
	v38 =	vor.u32 v18, v24;
	v55 =	vld.idx.msk [tilespmem:v22+s3+$0x0], $0xffff  }
0x1b2: {  	v30 =	vadd.s32 v7, v30;
	v63 =	vor.u32 s7, v4;
	v40 =	vor.u32 s7, v6;
	[tilespmem:v50+s22+$0x0] =	vst.idx.msk $0xffff, v29;
	v28 =	vld.idx.msk [tilespmem:v28+s3+$0x0], $0xffff  }
0x1b3: {  	v43 =	vor.u32 s15, v11;
	v53 =	vadd.s32 v12, v21;
	v35 =	vld.idx.msk [tilespmem:v52+s3+$0x0], $0xffff;
	v19 =	vshll.u32 v51, $0x2  }
0x1b4: {  	v45 =	vor.u32 s1, v6;
	v29 =	vor.u32 s0, v9;
	v27 =	vld.idx.msk [tilespmem:v27+s3+$0x0], $0xffff;
	v46 =	vadd.s32 v10, v19  }
0x1b5: {  	v24 =	vadd.s32 v5, v23;
	v47 =	vand.u32 $0x7C, v19;
	[tilespmem:v56+s22+$0x0] =	vst.idx.msk $0xffff, v31;
	v48 =	vld.idx.msk [tilespmem:v25+s19+$0x0], $0xffff;
	v25 =	vand.u32 $0xFFFFFF80, v46  }
0x1b6: {  	v18 =	vor.u32 s11, v17;
	v49 =	vor.u32 s5, v2;
	v38 =	vld.idx.msk [tilespmem:v38+s3+$0x0], $0xffff;
	[tilespmem:v54+s22+$0x0] =	vst.idx.msk $0xffff, v32;
	v62 =	vor.u32 v47, v25  }
0x1b7: {  	v56 =	vadd.s32 v16, v26;
	v31 =	vadd.s32 v12, v19;
	v32 =	vld.idx.msk [tilespmem:v57+s3+$0x0], $0xffff;
	[tilespmem:v58+s22+$0x0] =	vst.idx.msk $0xffff, v55  }
0x1b8: {  	v34 =	vld.idx.msk [tilespmem:v59+s3+$0x0], $0xffff;
	v54 =	vadd.s32 v16, v20;
	[tilespmem:v44+s22+$0x0] =	vst.idx.msk $0xffff, v28;
	v57 =	vadd.s32 v3, v23  }
0x1b9: {  	v22 =	vor.u32 s10, v17;
	v28 =	vadd.s32 v5, v42;
	[tilespmem:v45+s22+$0x0] =	vst.idx.msk $0xffff, v35;
	v25 =	vshll.u32 v39, $0x2;
	v29 =	vld.idx.msk [tilespmem:v29+s19+$0x0], $0xffff  }
0x1ba: {  	v52 =	vor.u32 s1, v9;
	v55 =	vor.u32 s1, v8;
	v50 =	vld.idx.msk [tilespmem:v30+s3+$0x0], $0xffff;
	v20 =	vadd.s32 v1, v25;
	[tilespmem:v60+s22+$0x0] =	vst.idx.msk $0xffff, v27  }
0x1bb: {  	v27 =	vand.u32 $0x7C, v25;
	v20 =	vand.u32 $0xFFFFFF80, v20;
	[tilespmem:v49+s22+$0x0] =	vst.idx.msk $0xffff, v38;
	v26 =	vshll.u32 v48, $0x2;
	v58 =	vld.idx.msk [tilespmem:v62+s3+$0x0], $0xffff  }
0x1bc: {  	v30 =	vor.u32 v27, v20;
	v59 =	vadd.s32 v1, v26;
	[tilespmem:v63+s22+$0x0] =	vst.idx.msk $0xffff, v32;
	v32 =	vld.idx.msk [tilespmem:v53+s3+$0x0], $0xffff  }
0x1bd: {  	v27 =	vor.u32 s16, v13;
	v60 =	vand.u32 $0x7C, v26;
	v39 =	vld.idx.msk [tilespmem:v57+s3+$0x0], $0xffff;
	v20 =	vand.u32 $0xFFFFFF80, v59  }
0x1be: {  	v33 =	vadd.s32 v5, v25;
	v37 =	vld.idx.msk [tilespmem:v28+s3+$0x0], $0xffff;
	v41 =	vor.u32 v60, v20;
	v20 =	vshll.u32 v29, $0x2  }
0x1bf: {  	v38 =	vadd.s32 v7, v42;
	[tilespmem:v61+s22+$0x0] =	vst.idx.msk $0xffff, v34;
	v28 =	vld.idx.msk [tilespmem:v54+s3+$0x0], $0xffff;
	v61 =	vadd.s32 v10, v20  }
0x1c0: {  	v34 =	vadd.s32 v14, v21;
	[tilespmem:v55+s22+$0x0] =	vst.idx.msk $0xffff, v50;
	v29 =	vld.idx.msk [tilespmem:v56+s3+$0x0], $0xffff;
	v63 =	vand.u32 $0x7C, v20;
	v62 =	vand.u32 $0xFFFFFF80, v61  }
0x1c1: {  	s10 =	simm.s32 $0xA;
	v42 =	vor.u32 s5, v4;
	v36 =	vld.idx.msk [tilespmem:v52+s19+$0x0], $0xffff;
	v35 =	vor.u32 v63, v62;
	[tilespmem:v43+s22+$0x0] =	vst.idx.msk $0xffff, v58  }
.LBB2_7:
0x1c2: {  	s11 =	sshll.u32 s10, $0x7;
	p1 =	slt.u32 s10, $0xA6;
	s10 =	sadd.s32 $0x2, s10;
	v31 =	vld.idx.msk [tilespmem:v31+s3+$0x0], $0xffff;
	[tilespmem:v27+s22+$0x0] =	vst.idx.msk $0xffff, v32  }
0x1c3: {  	v27 =	vor.u32 s11, v0;
	s14 =	sadd.s32 $0x80, s11;
	v32 =	vld.idx.msk [tilespmem:v41+s3+$0x0], $0xffff;
	[tilespmem:v40+s22+$0x0] =	vst.idx.msk $0xffff, v37;
	v37 =	vor.u32 s15, v13  }
0x1c4: {  	v41 =	vor.u32 s9, v2;
	v40 =	vor.u32 s14, v0;
	v38 =	vld.idx.msk [tilespmem:v38+s3+$0x0], $0xffff;
	[tilespmem:v22+s22+$0x0] =	vst.idx.msk $0xffff, v28  }
0x1c5: {  	v43 =	vor.u32 s7, v8;
	v28 =	vadd.s32 v3, v26;
	v34 =	vld.idx.msk [tilespmem:v34+s3+$0x0], $0xffff;
	[tilespmem:v18+s22+$0x0] =	vst.idx.msk $0xffff, v29;
	v18 =	vor.u32 s15, v17  }
0x1c6: {  	v29 =	vor.u32 s7, v9;
	[tilespmem:v42+s22+$0x0] =	vst.idx.msk $0xffff, v39;
	v35 =	vld.idx.msk [tilespmem:v35+s3+$0x0], $0xffff;
	v39 =	vadd.s32 v14, v19;
	v42 =	vor.u32 s16, v15  }
0x1c7: {  	v45 =	vor.u32 s0, v11;
	v22 =	vor.u32 s16, v17;
	v36 =	vshll.u32 v36, $0x2;
	s16 =	smov.u32 s0;
	s0 =	smov.u32 s7;
	s7 =	smov.u32 s9;
	v44 =	vld.idx.msk [tilespmem:v24+s3+$0x0], $0xffff;
	v24 =	vmovc v33  }
0x1c8: {  	v46 =	vor.u32 s5, v6;
	s9 =	smov.u32 s14;
	v47 =	vand.u32 $0x7C, v36;
	v33 =	vld.idx.msk [tilespmem:v27+s19+$0x0], $0xffff;
	v27 =	vadd.s32 v10, v36;
	[tilespmem:v37+s22+$0x0] =	vst.idx.msk $0xffff, v31  }
0x1c9: {  	v23 =	vadd.s32 v7, v23;
	v48 =	vor.u32 s15, v15;
	s15 =	smov.u32 s1;
	s1 =	smov.u32 s5;
	s5 =	smov.u32 s8;
	v37 =	vld.idx.msk [tilespmem:v40+s19+$0x0], $0xffff;
	[tilespmem:v41+s22+$0x0] =	vst.idx.msk $0xffff, v32;
	v27 =	vand.u32 $0xFFFFFF80, v27  }
0x1ca: {  	s8 =	smov.u32 s11;
	v28 =	vld.idx.msk [tilespmem:v28+s3+$0x0], $0xffff;
	[tilespmem:v43+s22+$0x0] =	vst.idx.msk $0xffff, v38;
	v32 =	vor.u32 v47, v27;
	v43 =	vor.u32 s15, v11;
	v27 =	vor.u32 s16, v13  }
0x1cb: {  	v40 =	vadd.s32 v12, v20;
	v38 =	vor.u32 s7, v4;
	v47 =	vor.u32 s1, v9;
	v29 =	vld.idx.msk [tilespmem:v29+s19+$0x0], $0xffff;
	[tilespmem:v42+s22+$0x0] =	vst.idx.msk $0xffff, v34  }
0x1cc: {  	v34 =	vadd.s32 v5, v26;
	[tilespmem:v45+s22+$0x0] =	vst.idx.msk $0xffff, v35;
	v35 =	vld.idx.msk [tilespmem:v39+s3+$0x0], $0xffff;
	v39 =	vadd.s32 v16, v21  }
0x1cd: {  	v45 =	vor.u32 s5, v2;
	v42 =	vld.idx.msk [tilespmem:v30+s3+$0x0], $0xffff;
	[tilespmem:v46+s22+$0x0] =	vst.idx.msk $0xffff, v44;
	v44 =	vor.u32 s1, v8;
	v46 =	vadd.s32 v16, v19  }
0x1ce: {  	v49 =	vadd.s32 v3, v25;
	v31 =	vadd.s32 v12, v36;
	v21 =	vshll.u32 v33, $0x2;
	v19 =	vmovc v36;
	v50 =	vld.idx.msk [tilespmem:v23+s3+$0x0], $0xffff  }
0x1cf: {  	v30 =	vadd.s32 v1, v21;
	v33 =	vand.u32 $0x7C, v21;
	v51 =	vshll.u32 v37, $0x2;
	v23 =	vmovc v25;
	v25 =	vmovc v21;
	v52 =	vld.idx.msk [tilespmem:v32+s3+$0x0], $0xffff  }
0x1d0: {  	v53 =	vand.u32 $0xFFFFFF80, v30;
	v36 =	vadd.s32 v1, v51;
	v41 =	vand.u32 $0x7C, v51;
	[tilespmem:v38+s22+$0x0] =	vst.idx.msk $0xffff, v28;
	v32 =	vld.idx.msk [tilespmem:v40+s3+$0x0], $0xffff  }
.Ltmp4:
0x1d1: {  	v30 =	vor.u32 v33, v53;
	v33 =	vadd.s32 v5, v25;
	v28 =	vand.u32 $0xFFFFFF80, v36;
	v21 =	vmovc v20;
	v37 =	vld.idx.msk [tilespmem:v34+s3+$0x0], $0xffff;
	(pc) =	sbr.rel @p1 .LBB2_7-.Ltmp4, $4  }
0x1d2: {  	v40 =	vor.u32 s7, v6;
	v20 =	vshll.u32 v29, $0x2;
	v41 =	vor.u32 v41, v28;
	[tilespmem:v48+s22+$0x0] =	vst.idx.msk $0xffff, v35;
	v28 =	vld.idx.msk [tilespmem:v39+s3+$0x0], $0xffff  }
0x1d3: {  	v38 =	vadd.s32 v7, v26;
	[tilespmem:v45+s22+$0x0] =	vst.idx.msk $0xffff, v42;
	v45 =	vadd.s32 v10, v20;
	v29 =	vld.idx.msk [tilespmem:v46+s3+$0x0], $0xffff  }
0x1d4: {  	v34 =	vadd.s32 v14, v21;
	v35 =	vand.u32 $0x7C, v20;
	v39 =	vld.idx.msk [tilespmem:v49+s3+$0x0], $0xffff;
	[tilespmem:v44+s22+$0x0] =	vst.idx.msk $0xffff, v50;
	v44 =	vand.u32 $0xFFFFFF80, v45  }
0x1d5: {  	v26 =	vmov v51;
	v42 =	vor.u32 s5, v4;
	v36 =	vld.idx.msk [tilespmem:v47+s19+$0x0], $0xffff;
	v35 =	vor.u32 v35, v44;
	[tilespmem:v43+s22+$0x0] =	vst.idx.msk $0xffff, v52  }
0x1d6: {  	_ =	sdelay $0x3  }
0x1d7: {  	v41 =	vld.idx.msk [tilespmem:v41+s3+$0x0], $0xffff;
	v43 =	vor.u32 s9, v2  }
0x1d8: {  	v44 =	vadd.s32 v3, v26;
	v30 =	vld.idx.msk [tilespmem:v30+s3+$0x0], $0xffff;
	v45 =	vor.u32 s8, v2  }
0x1d9: {  	v46 =	vadd.s32 v3, v25;
	_ =	sdelay $0x2  }
0x1da: {  	[tilespmem:v43+s22+$0x0] =	vst.idx.msk $0xffff, v41  }
0x1db: {  	v61 =	vor.u32 s9, v4;
	[tilespmem:v45+s22+$0x0] =	vst.idx.msk $0xffff, v30;
	v41 =	vld.idx.msk [tilespmem:v44+s3+$0x0], $0xffff  }
0x1dc: {  	v63 =	vor.u32 s8, v4;
	v30 =	vadd.s32 v5, v26;
	v62 =	vld.idx.msk [tilespmem:v46+s3+$0x0], $0xffff;
	_ =	sdelay $0x1  }
0x1dd: {  	[tilespmem:v42+s22+$0x0] =	vst.idx.msk $0xffff, v39  }
0x1de: {  	v48 =	vor.u32 s5, v6;
	[tilespmem:v40+s22+$0x0] =	vst.idx.msk $0xffff, v37;
	v24 =	vld.idx.msk [tilespmem:v24+s3+$0x0], $0xffff  }
0x1df: {  	v23 =	vadd.s32 v7, v23;
	v51 =	vor.u32 s7, v8;
	v38 =	vld.idx.msk [tilespmem:v38+s3+$0x0], $0xffff;
	[tilespmem:v61+s22+$0x0] =	vst.idx.msk $0xffff, v41  }
0x1e0: {  	v49 =	vor.u32 s9, v6;
	v52 =	vor.u32 s7, v9;
	[tilespmem:v63+s22+$0x0] =	vst.idx.msk $0xffff, v62;
	v30 =	vld.idx.msk [tilespmem:v30+s3+$0x0], $0xffff  }
0x1e1: {  	v50 =	vor.u32 s8, v6;
	v26 =	vadd.s32 v7, v26;
	v33 =	vld.idx.msk [tilespmem:v33+s3+$0x0], $0xffff  }
0x1e2: {  	v25 =	vadd.s32 v7, v25  }
0x1e3: {  	[tilespmem:v48+s22+$0x0] =	vst.idx.msk $0xffff, v24  }
0x1e4: {  	[tilespmem:v51+s22+$0x0] =	vst.idx.msk $0xffff, v38;
	v24 =	vor.u32 s5, v8;
	v23 =	vld.idx.msk [tilespmem:v23+s3+$0x0], $0xffff  }
0x1e5: {  	v53 =	vor.u32 s5, v9;
	v38 =	vld.idx.msk [tilespmem:v52+s19+$0x0], $0xffff;
	[tilespmem:v49+s22+$0x0] =	vst.idx.msk $0xffff, v30  }
0x1e6: {  	v30 =	vor.u32 s9, v8;
	[tilespmem:v50+s22+$0x0] =	vst.idx.msk $0xffff, v33;
	v26 =	vld.idx.msk [tilespmem:v26+s3+$0x0], $0xffff  }
0x1e7: {  	v54 =	vor.u32 s9, v9;
	v55 =	vor.u32 s8, v8;
	v25 =	vld.idx.msk [tilespmem:v25+s3+$0x0], $0xffff  }
0x1e8: {  	v56 =	vor.u32 s8, v9  }
0x1e9: {  	v31 =	vld.idx.msk [tilespmem:v31+s3+$0x0], $0xffff;
	[tilespmem:v24+s22+$0x0] =	vst.idx.msk $0xffff, v23  }
0x1ea: {  	v58 =	vadd.s32 v14, v19;
	v59 =	vor.u32 s16, v15;
	v57 =	vld.idx.msk [tilespmem:v53+s19+$0x0], $0xffff  }
0x1eb: {  	v21 =	vadd.s32 v16, v21;
	v63 =	vadd.s32 v12, v20;
	v37 =	vshll.u32 v38, $0x2;
	[tilespmem:v30+s22+$0x0] =	vst.idx.msk $0xffff, v26  }
0x1ec: {  	v62 =	vor.u32 s1, v11;
	v45 =	vadd.s32 v10, v37;
	v24 =	vshll.u32 v36, $0x2;
	[tilespmem:v55+s22+$0x0] =	vst.idx.msk $0xffff, v25;
	v33 =	vld.idx.msk [tilespmem:v54+s19+$0x0], $0xffff  }
0x1ed: {  	[tilespmem:v27+s22+$0x0] =	vst.idx.msk $0xffff, v32;
	v47 =	vand.u32 $0x7C, v37;
	v23 =	vor.u32 s15, v13;
	v60 =	vadd.s32 v10, v24;
	v61 =	vld.idx.msk [tilespmem:v56+s19+$0x0], $0xffff  }
0x1ee: {  	v34 =	vld.idx.msk [tilespmem:v34+s3+$0x0], $0xffff;
	v46 =	vand.u32 $0xFFFFFF80, v45;
	v42 =	vand.u32 $0xFFFFFF80, v60;
	v30 =	vand.u32 $0x7C, v24  }
0x1ef: {  	v27 =	vld.idx.msk [tilespmem:v35+s3+$0x0], $0xffff;
	v36 =	vshll.u32 v57, $0x2;
	v26 =	vor.u32 s0, v11;
	v30 =	vor.u32 v30, v42  }
0x1f0: {  	v32 =	vor.u32 v47, v46;
	v48 =	vadd.s32 v10, v36;
	v49 =	vand.u32 $0x7C, v36  }
0x1f1: {  	v25 =	vor.u32 s15, v15;
	v35 =	vand.u32 $0xFFFFFF80, v48;
	v33 =	vshll.u32 v33, $0x2  }
0x1f2: {  	[tilespmem:v23+s22+$0x0] =	vst.idx.msk $0xffff, v31;
	v23 =	vor.u32 v49, v35;
	v50 =	vshll.u32 v61, $0x2;
	v31 =	vadd.s32 v10, v33  }
0x1f3: {  	[tilespmem:v59+s22+$0x0] =	vst.idx.msk $0xffff, v34;
	v51 =	vld.idx.msk [tilespmem:v58+s3+$0x0], $0xffff;
	v52 =	vand.u32 $0x7C, v33;
	v53 =	vadd.s32 v10, v50;
	v31 =	vand.u32 $0xFFFFFF80, v31  }
0x1f4: {  	[tilespmem:v26+s22+$0x0] =	vst.idx.msk $0xffff, v27;
	v26 =	vld.idx.msk [tilespmem:v30+s3+$0x0], $0xffff;
	v30 =	vand.u32 $0x7C, v50;
	v27 =	vor.u32 v52, v31;
	v31 =	vand.u32 $0xFFFFFF80, v53  }
0x1f5: {  	[tilespmem:v22+s22+$0x0] =	vst.idx.msk $0xffff, v28;
	v22 =	vor.u32 s16, v17;
	v21 =	vld.idx.msk [tilespmem:v21+s3+$0x0], $0xffff;
	v30 =	vor.u32 v30, v31  }
0x1f6: {  	v19 =	vadd.s32 v16, v19;
	[tilespmem:v18+s22+$0x0] =	vst.idx.msk $0xffff, v29;
	v29 =	vor.u32 s7, v11;
	v28 =	vld.idx.msk [tilespmem:v32+s3+$0x0], $0xffff  }
0x1f7: {  	v18 =	vadd.s32 v12, v24;
	v54 =	vor.u32 s0, v13;
	v55 =	vld.idx.msk [tilespmem:v63+s3+$0x0], $0xffff  }
0x1f8: {  	[tilespmem:v25+s22+$0x0] =	vst.idx.msk $0xffff, v51;
	v25 =	vor.u32 s5, v11;
	v23 =	vld.idx.msk [tilespmem:v23+s3+$0x0], $0xffff;
	v31 =	vadd.s32 v12, v37  }
0x1f9: {  	v56 =	vor.u32 s9, v11;
	[tilespmem:v62+s22+$0x0] =	vst.idx.msk $0xffff, v26;
	v26 =	vadd.s32 v12, v36;
	v27 =	vld.idx.msk [tilespmem:v27+s3+$0x0], $0xffff  }
0x1fa: {  	[tilespmem:v22+s22+$0x0] =	vst.idx.msk $0xffff, v21;
	v57 =	vor.u32 s8, v11;
	v58 =	vadd.s32 v12, v33;
	v30 =	vld.idx.msk [tilespmem:v30+s3+$0x0], $0xffff  }
0x1fb: {  	v59 =	vor.u32 s15, v17;
	[tilespmem:v29+s22+$0x0] =	vst.idx.msk $0xffff, v28;
	v19 =	vld.idx.msk [tilespmem:v19+s3+$0x0], $0xffff;
	v21 =	vadd.s32 v12, v50  }
0x1fc: {  	v22 =	vadd.s32 v14, v20;
	v60 =	vor.u32 s1, v13;
	[tilespmem:v54+s22+$0x0] =	vst.idx.msk $0xffff, v55;
	v18 =	vld.idx.msk [tilespmem:v18+s3+$0x0], $0xffff  }
0x1fd: {  	v28 =	vadd.s32 v14, v24;
	v29 =	vor.u32 s7, v13;
	[tilespmem:v25+s22+$0x0] =	vst.idx.msk $0xffff, v23;
	v31 =	vld.idx.msk [tilespmem:v31+s3+$0x0], $0xffff  }
0x1fe: {  	v23 =	vadd.s32 v14, v37;
	v25 =	vld.idx.msk [tilespmem:v26+s3+$0x0], $0xffff;
	v26 =	vor.u32 s5, v13;
	[tilespmem:v56+s22+$0x0] =	vst.idx.msk $0xffff, v27  }
0x1ff: {  	v61 =	vor.u32 s9, v13;
	v27 =	vadd.s32 v14, v36;
	v38 =	vld.idx.msk [tilespmem:v58+s3+$0x0], $0xffff;
	[tilespmem:v57+s22+$0x0] =	vst.idx.msk $0xffff, v30  }
0x200: {  	[tilespmem:v59+s22+$0x0] =	vst.idx.msk $0xffff, v19;
	v19 =	vadd.s32 v14, v33;
	v30 =	vor.u32 s8, v13;
	v21 =	vld.idx.msk [tilespmem:v21+s3+$0x0], $0xffff  }
0x201: {  	v62 =	vor.u32 s0, v15;
	v22 =	vld.idx.msk [tilespmem:v22+s3+$0x0], $0xffff;
	[tilespmem:v60+s22+$0x0] =	vst.idx.msk $0xffff, v18;
	v18 =	vadd.s32 v14, v50  }
0x202: {  	v20 =	vadd.s32 v16, v20;
	v63 =	vor.u32 s1, v15;
	v28 =	vld.idx.msk [tilespmem:v28+s3+$0x0], $0xffff;
	[tilespmem:v29+s22+$0x0] =	vst.idx.msk $0xffff, v31  }
0x203: {  	v24 =	vadd.s32 v16, v24;
	v29 =	vor.u32 s7, v15;
	v23 =	vld.idx.msk [tilespmem:v23+s3+$0x0], $0xffff;
	[tilespmem:v26+s22+$0x0] =	vst.idx.msk $0xffff, v25  }
0x204: {  	v25 =	vor.u32 s5, v15;
	v26 =	vld.idx.msk [tilespmem:v27+s3+$0x0], $0xffff;
	v27 =	vadd.s32 v16, v37;
	[tilespmem:v61+s22+$0x0] =	vst.idx.msk $0xffff, v38  }
0x205: {  	v31 =	vadd.s32 v16, v36;
	v38 =	vor.u32 s9, v15;
	v19 =	vld.idx.msk [tilespmem:v19+s3+$0x0], $0xffff;
	[tilespmem:v30+s22+$0x0] =	vst.idx.msk $0xffff, v21  }
0x206: {  	[tilespmem:v62+s22+$0x0] =	vst.idx.msk $0xffff, v22;
	v22 =	vadd.s32 v16, v33;
	v21 =	vor.u32 s8, v15;
	v18 =	vld.idx.msk [tilespmem:v18+s3+$0x0], $0xffff  }
0x207: {  	v20 =	vld.idx.msk [tilespmem:v20+s3+$0x0], $0xffff;
	[tilespmem:v63+s22+$0x0] =	vst.idx.msk $0xffff, v28;
	v28 =	vadd.s32 v16, v50;
	v30 =	vor.u32 s0, v17  }
0x208: {  	v40 =	vor.u32 s1, v17;
	v24 =	vld.idx.msk [tilespmem:v24+s3+$0x0], $0xffff;
	[tilespmem:v29+s22+$0x0] =	vst.idx.msk $0xffff, v23  }
0x209: {  	v23 =	vor.u32 s7, v17;
	[tilespmem:v25+s22+$0x0] =	vst.idx.msk $0xffff, v26;
	v25 =	vld.idx.msk [tilespmem:v27+s3+$0x0], $0xffff  }
0x20a: {  	v26 =	vor.u32 s5, v17;
	v27 =	vld.idx.msk [tilespmem:v31+s3+$0x0], $0xffff;
	[tilespmem:v38+s22+$0x0] =	vst.idx.msk $0xffff, v19  }
0x20b: {  	v19 =	vor.u32 s9, v17;
	[tilespmem:v21+s22+$0x0] =	vst.idx.msk $0xffff, v18;
	v18 =	vld.idx.msk [tilespmem:v22+s3+$0x0], $0xffff  }
0x20c: {  	[tilespmem:v30+s22+$0x0] =	vst.idx.msk $0xffff, v20;
	v20 =	vor.u32 s8, v17;
	v21 =	vld.idx.msk [tilespmem:v28+s3+$0x0], $0xffff  }
0x20d: {  	[tilespmem:v40+s22+$0x0] =	vst.idx.msk $0xffff, v24  }
0x20e: {  	[tilespmem:v23+s22+$0x0] =	vst.idx.msk $0xffff, v25  }
0x20f: {  	s15 =	sadd.s32 s6, s31;
	[tilespmem:v26+s22+$0x0] =	vst.idx.msk $0xffff, v27  }
0x210: {  	s0 =	sshll.u32 s15, $0x4;
	[tilespmem:v19+s22+$0x0] =	vst.idx.msk $0xffff, v18  }
0x211: {  	s16 =	simm.s32 $0x0;
	s0 =	sadd.s32 s2, s0;
	[tilespmem:v20+s22+$0x0] =	vst.idx.msk $0xffff, v21  }
0x212: {  	[hbm4b:s0+s16] =	stream.linear.scatter [tilespmem:s22], [sflag:$0x3], $0x5400, $0x38;
	[tilespmem:$0x1D000] =	vst v63  }
0x213: {  	s31 =	sadd.s32 s31, s13;
	_ =	swait.ge [sflag:s23], $0x5400  }
0x214: {  	s11 =	simm.s32 $0x80;
	s0 =	sshll.u32 s31, $0x4;
	[sflag:s23] =	ssyncset.done $0x0  }
0x215: {  	v18 =	vor.u32 s11, v0;
	s0 =	sadd.s32 s4, s0;
	[sflag:s23] =	ssyncadd.s32 $0xFFFFAC00  }
0x216: {  	[tilespmem:s19], [sflag:$0x1] =	stream.linear.gather [hbm4b:s0+s16], $0x5400, $0x38;
	[tilespmem:$0x1D000] =	vst v63  }
0x217: {  	_ =	swait.ge [sflag:s26], $0x5400  }
0x218: {  	[sflag:s26] =	ssyncset.done $0x0  }
0x219: {  	[sflag:s26] =	ssyncadd.s32 $0xFFFFAC00  }
0x21a: {  	v18 =	vld.idx.msk [tilespmem:v18+s21+$0x0], $0xffff;
	_ =	sdelay $0x1  }
0x21b: {  	s10 =	simm.s32 $0x0  }
0x21c: {  	v19 =	vor.u32 s10, v0;
	_ =	sdelay $0x1  }
0x21d: {  	v18 =	vshll.u32 v18, $0x2  }
0x21e: {  	v20 =	vadd.s32 v1, v18  }
0x21f: {  	v21 =	vand.u32 $0x7C, v18;
	v20 =	vand.u32 $0xFFFFFF80, v20  }
0x220: {  	v19 =	vld.idx.msk [tilespmem:v19+s21+$0x0], $0xffff;
	v20 =	vor.u32 v21, v20;
	_ =	sdelay $0x2  }
0x221: {  	s16 =	simm.s32 $0x180  }
0x222: {  	v21 =	vor.u32 s16, v0  }
0x223: {  	v22 =	vor.u32 s11, v2;
	v19 =	vshll.u32 v19, $0x2;
	v20 =	vld.idx.msk [tilespmem:v20+s3+$0x0], $0xffff  }
0x224: {  	v23 =	vadd.s32 v1, v19;
	v24 =	vadd.s32 v3, v18  }
0x225: {  	v25 =	vand.u32 $0x7C, v19;
	v23 =	vand.u32 $0xFFFFFF80, v23  }
0x226: {  	v23 =	vor.u32 v25, v23  }
0x227: {  	v21 =	vld.idx.msk [tilespmem:v21+s21+$0x0], $0xffff  }
0x228: {  	s15 =	simm.s32 $0x100;
	[tilespmem:v22+s24+$0x0] =	vst.idx.msk $0xffff, v20  }
0x229: {  	v20 =	vor.u32 s15, v0;
	v22 =	vld.idx.msk [tilespmem:v24+s3+$0x0], $0xffff;
	v24 =	vor.u32 s11, v4  }
0x22a: {  	v25 =	vadd.s32 v5, v18  }
0x22b: {  	v26 =	vor.u32 s10, v2;
	v23 =	vld.idx.msk [tilespmem:v23+s3+$0x0], $0xffff  }
0x22c: {  	v27 =	vadd.s32 v3, v19;
	v21 =	vshll.u32 v21, $0x2  }
0x22d: {  	v28 =	vadd.s32 v1, v21  }
0x22e: {  	v29 =	vand.u32 $0x7C, v21;
	v20 =	vld.idx.msk [tilespmem:v20+s21+$0x0], $0xffff;
	[tilespmem:v24+s24+$0x0] =	vst.idx.msk $0xffff, v22;
	v22 =	vand.u32 $0xFFFFFF80, v28  }
0x22f: {  	v24 =	vld.idx.msk [tilespmem:v25+s3+$0x0], $0xffff;
	v22 =	vor.u32 v29, v22;
	v25 =	vor.u32 s11, v6  }
0x230: {  	v18 =	vadd.s32 v7, v18;
	[tilespmem:v26+s24+$0x0] =	vst.idx.msk $0xffff, v23  }
0x231: {  	v26 =	vor.u32 s10, v4;
	v23 =	vld.idx.msk [tilespmem:v27+s3+$0x0], $0xffff  }
0x232: {  	v27 =	vadd.s32 v5, v19  }
0x233: {  	s0 =	simm.s32 $0x280  }
0x234: {  	v28 =	vshll.u32 v20, $0x2;
	v20 =	vld.idx.msk [tilespmem:v22+s3+$0x0], $0xffff;
	[tilespmem:v25+s24+$0x0] =	vst.idx.msk $0xffff, v24;
	v22 =	vor.u32 s0, v0;
	v24 =	vor.u32 s16, v2  }
0x235: {  	v30 =	vor.u32 s11, v8;
	v29 =	vadd.s32 v3, v21;
	v25 =	vadd.s32 v1, v28;
	v18 =	vld.idx.msk [tilespmem:v18+s3+$0x0], $0xffff  }
0x236: {  	[tilespmem:v26+s24+$0x0] =	vst.idx.msk $0xffff, v23;
	v23 =	vor.u32 s11, v9;
	v31 =	vand.u32 $0x7C, v28;
	v25 =	vand.u32 $0xFFFFFF80, v25  }
0x237: {  	v26 =	vld.idx.msk [tilespmem:v27+s3+$0x0], $0xffff;
	v27 =	vor.u32 s10, v6;
	v25 =	vor.u32 v31, v25  }
0x238: {  	v19 =	vadd.s32 v7, v19  }
0x239: {  	s1 =	simm.s32 $0x200;
	v22 =	vld.idx.msk [tilespmem:v22+s21+$0x0], $0xffff;
	[tilespmem:v24+s24+$0x0] =	vst.idx.msk $0xffff, v20  }
0x23a: {  	v20 =	vor.u32 s1, v0;
	v24 =	vld.idx.msk [tilespmem:v29+s3+$0x0], $0xffff;
	[tilespmem:v30+s24+$0x0] =	vst.idx.msk $0xffff, v18  }
0x23b: {  	v18 =	vor.u32 s16, v4;
	v23 =	vld.idx.msk [tilespmem:v23+s21+$0x0], $0xffff  }
0x23c: {  	[tilespmem:v27+s24+$0x0] =	vst.idx.msk $0xffff, v26;
	v29 =	vadd.s32 v5, v21;
	v30 =	vor.u32 s15, v2;
	v25 =	vld.idx.msk [tilespmem:v25+s3+$0x0], $0xffff  }
0x23d: {  	v26 =	vor.u32 s10, v8;
	v27 =	vadd.s32 v3, v28;
	v19 =	vld.idx.msk [tilespmem:v19+s3+$0x0], $0xffff  }
0x23e: {  	v31 =	vor.u32 s10, v9;
	v22 =	vshll.u32 v22, $0x2  }
0x23f: {  	s5 =	simm.s32 $0x300;
	v41 =	vld.idx.msk [tilespmem:v20+s21+$0x0], $0xffff;
	v20 =	vadd.s32 v1, v22  }
0x240: {  	v42 =	vor.u32 s5, v0;
	[tilespmem:v18+s24+$0x0] =	vst.idx.msk $0xffff, v24;
	v18 =	vand.u32 $0x7C, v22;
	v24 =	vand.u32 $0xFFFFFF80, v20  }
0x241: {  	v29 =	vld.idx.msk [tilespmem:v29+s3+$0x0], $0xffff;
	v20 =	vshll.u32 v23, $0x2;
	v23 =	vor.u32 s16, v6;
	[tilespmem:v30+s24+$0x0] =	vst.idx.msk $0xffff, v25;
	v18 =	vor.u32 v18, v24  }
0x242: {  	v21 =	vadd.s32 v7, v21;
	[tilespmem:v26+s24+$0x0] =	vst.idx.msk $0xffff, v19;
	v24 =	vadd.s32 v10, v20;
	v25 =	vld.idx.msk [tilespmem:v27+s3+$0x0], $0xffff  }
0x243: {  	v26 =	vor.u32 s15, v4;
	v27 =	vld.idx.msk [tilespmem:v31+s21+$0x0], $0xffff;
	v19 =	vand.u32 $0xFFFFFF80, v24;
	v24 =	vand.u32 $0x7C, v20  }
0x244: {  	s7 =	simm.s32 $0x380;
	v19 =	vor.u32 v24, v19;
	v24 =	vadd.s32 v5, v28  }
0x245: {  	v31 =	vor.u32 s7, v0;
	v30 =	vshll.u32 v41, $0x2  }
0x246: {  	v44 =	vor.u32 s16, v8;
	v32 =	vadd.s32 v1, v30;
	[tilespmem:v23+s24+$0x0] =	vst.idx.msk $0xffff, v29;
	v23 =	vor.u32 s0, v2;
	v18 =	vld.idx.msk [tilespmem:v18+s3+$0x0], $0xffff  }
0x247: {  	v43 =	vadd.s32 v3, v22;
	v29 =	vand.u32 $0x7C, v30;
	v32 =	vand.u32 $0xFFFFFF80, v32;
	v21 =	vld.idx.msk [tilespmem:v21+s3+$0x0], $0xffff  }
0x248: {  	v33 =	vld.idx.msk [tilespmem:v42+s21+$0x0], $0xffff;
	[tilespmem:v26+s24+$0x0] =	vst.idx.msk $0xffff, v25;
	v26 =	vshll.u32 v27, $0x2;
	v27 =	vor.u32 v29, v32  }
0x249: {  	v25 =	vor.u32 s16, v9;
	v29 =	vor.u32 s15, v6;
	v45 =	vadd.s32 v10, v26;
	v24 =	vld.idx.msk [tilespmem:v24+s3+$0x0], $0xffff  }
0x24a: {  	v28 =	vadd.s32 v7, v28;
	v31 =	vld.idx.msk [tilespmem:v31+s21+$0x0], $0xffff;
	v46 =	vand.u32 $0x7C, v26;
	v32 =	vand.u32 $0xFFFFFF80, v45  }
0x24b: {  	v47 =	vor.u32 s11, v11;
	v48 =	vor.u32 s10, v11;
	s8 =	simm.s32 $0x400;
	v19 =	vld.idx.msk [tilespmem:v19+s3+$0x0], $0xffff;
	[tilespmem:v23+s24+$0x0] =	vst.idx.msk $0xffff, v18;
	v18 =	vor.u32 v46, v32  }
0x24c: {  	v62 =	vor.u32 s8, v0;
	[tilespmem:v44+s24+$0x0] =	vst.idx.msk $0xffff, v21;
	v21 =	vor.u32 s0, v4;
	v34 =	vld.idx.msk [tilespmem:v43+s3+$0x0], $0xffff  }
0x24d: {  	v49 =	vor.u32 s11, v13;
	v53 =	vor.u32 s1, v2;
	v50 =	vadd.s32 v5, v22;
	v27 =	vld.idx.msk [tilespmem:v27+s3+$0x0], $0xffff  }
0x24e: {  	v59 =	vor.u32 s1, v4;
	v51 =	vor.u32 s15, v9;
	v52 =	vadd.s32 v12, v20;
	v25 =	vld.idx.msk [tilespmem:v25+s21+$0x0], $0xffff;
	[tilespmem:v29+s24+$0x0] =	vst.idx.msk $0xffff, v24  }
0x24f: {  	v42 =	vshll.u32 v31, $0x2;
	v24 =	vor.u32 s15, v8;
	v29 =	vadd.s32 v3, v30;
	v28 =	vld.idx.msk [tilespmem:v28+s3+$0x0], $0xffff  }
0x250: {  	v63 =	vor.u32 s7, v2;
	v58 =	vor.u32 s0, v6;
	v54 =	vadd.s32 v1, v42;
	v18 =	vld.idx.msk [tilespmem:v18+s3+$0x0], $0xffff  }
0x251: {  	v39 =	vld.idx.msk [tilespmem:v62+s21+$0x0], $0xffff;
	v31 =	vadd.s32 v12, v26;
	v56 =	vand.u32 $0x7C, v42;
	[tilespmem:v21+s24+$0x0] =	vst.idx.msk $0xffff, v34;
	v21 =	vand.u32 $0xFFFFFF80, v54  }
0x252: {  	v22 =	vadd.s32 v7, v22;
	[tilespmem:v47+s24+$0x0] =	vst.idx.msk $0xffff, v19;
	v19 =	vld.idx.msk [tilespmem:v50+s3+$0x0], $0xffff;
	v57 =	vor.u32 v56, v21  }
0x253: {  	v61 =	vadd.s32 v5, v30;
	v23 =	vshll.u32 v33, $0x2;
	[tilespmem:v53+s24+$0x0] =	vst.idx.msk $0xffff, v27;
	v21 =	vshll.u32 v25, $0x2;
	v25 =	vld.idx.msk [tilespmem:v52+s3+$0x0], $0xffff  }
0x254: {  	v29 =	vld.idx.msk [tilespmem:v29+s3+$0x0], $0xffff;
	v27 =	vadd.s32 v10, v21;
	[tilespmem:v24+s24+$0x0] =	vst.idx.msk $0xffff, v28;
	v28 =	vadd.s32 v14, v20  }
0x255: {  	v55 =	vadd.s32 v1, v23;
	v24 =	vand.u32 $0xFFFFFF80, v27;
	v27 =	vand.u32 $0x7C, v21;
	v60 =	vld.idx.msk [tilespmem:v51+s21+$0x0], $0xffff;
	[tilespmem:v48+s24+$0x0] =	vst.idx.msk $0xffff, v18  }
0x256: {  	v27 =	vor.u32 v27, v24;
	v18 =	vand.u32 $0x7C, v23;
	v24 =	vand.u32 $0xFFFFFF80, v55;
	v31 =	vld.idx.msk [tilespmem:v31+s3+$0x0], $0xffff  }
0x257: {  	v40 =	vor.u32 s7, v6;
	s9 =	simm.s32 $0x480;
	v43 =	vor.u32 s15, v11;
	v38 =	vor.u32 v18, v24;
	v32 =	vld.idx.msk [tilespmem:v57+s3+$0x0], $0xffff;
	[tilespmem:v58+s24+$0x0] =	vst.idx.msk $0xffff, v19  }
0x258: {  	v30 =	vadd.s32 v7, v30;
	v53 =	vor.u32 s10, v13;
	[tilespmem:v49+s24+$0x0] =	vst.idx.msk $0xffff, v25;
	v25 =	vor.u32 s9, v0;
	v52 =	vld.idx.msk [tilespmem:v22+s3+$0x0], $0xffff  }
0x259: {  	v54 =	vadd.s32 v3, v42;
	v56 =	vadd.s32 v14, v26;
	[tilespmem:v59+s24+$0x0] =	vst.idx.msk $0xffff, v29;
	v28 =	vld.idx.msk [tilespmem:v28+s3+$0x0], $0xffff  }
0x25a: {  	v55 =	vor.u32 s0, v8;
	v24 =	vadd.s32 v5, v23;
	v29 =	vor.u32 s0, v9;
	v35 =	vld.idx.msk [tilespmem:v61+s3+$0x0], $0xffff  }
0x25b: {  	v57 =	vor.u32 s11, v15;
	v58 =	vor.u32 s16, v11;
	v19 =	vshll.u32 v60, $0x2;
	v27 =	vld.idx.msk [tilespmem:v27+s3+$0x0], $0xffff  }
0x25c: {  	v59 =	vor.u32 s1, v6;
	v49 =	vor.u32 s5, v2;
	v60 =	vadd.s32 v10, v19;
	v38 =	vld.idx.msk [tilespmem:v38+s3+$0x0], $0xffff  }
0x25d: {  	v47 =	vand.u32 $0x7C, v19;
	[tilespmem:v53+s24+$0x0] =	vst.idx.msk $0xffff, v31;
	v53 =	vadd.s32 v12, v21;
	v48 =	vld.idx.msk [tilespmem:v25+s21+$0x0], $0xffff;
	v25 =	vand.u32 $0xFFFFFF80, v60  }
0x25e: {  	v31 =	vadd.s32 v12, v19;
	[tilespmem:v63+s24+$0x0] =	vst.idx.msk $0xffff, v32;
	v34 =	vld.idx.msk [tilespmem:v56+s3+$0x0], $0xffff;
	v62 =	vor.u32 v47, v25  }
0x25f: {  	v18 =	vor.u32 s10, v17;
	v63 =	vor.u32 s7, v4;
	v56 =	vadd.s32 v16, v26;
	v32 =	vld.idx.msk [tilespmem:v54+s3+$0x0], $0xffff;
	[tilespmem:v55+s24+$0x0] =	vst.idx.msk $0xffff, v52  }
0x260: {  	v22 =	vor.u32 s11, v17;
	[tilespmem:v57+s24+$0x0] =	vst.idx.msk $0xffff, v28;
	v28 =	vadd.s32 v5, v42;
	v57 =	vadd.s32 v3, v23  }
0x261: {  	v61 =	vor.u32 s10, v15;
	v54 =	vadd.s32 v16, v20;
	[tilespmem:v59+s24+$0x0] =	vst.idx.msk $0xffff, v35;
	v25 =	vshll.u32 v39, $0x2;
	v29 =	vld.idx.msk [tilespmem:v29+s21+$0x0], $0xffff  }
0x262: {  	v52 =	vor.u32 s1, v9;
	v55 =	vor.u32 s1, v8;
	v50 =	vld.idx.msk [tilespmem:v30+s3+$0x0], $0xffff;
	v20 =	vadd.s32 v1, v25;
	[tilespmem:v58+s24+$0x0] =	vst.idx.msk $0xffff, v27  }
0x263: {  	v27 =	vand.u32 $0x7C, v25;
	v20 =	vand.u32 $0xFFFFFF80, v20;
	[tilespmem:v49+s24+$0x0] =	vst.idx.msk $0xffff, v38;
	v26 =	vshll.u32 v48, $0x2;
	v58 =	vld.idx.msk [tilespmem:v62+s3+$0x0], $0xffff  }
0x264: {  	v30 =	vor.u32 v27, v20;
	v59 =	vadd.s32 v1, v26;
	[tilespmem:v63+s24+$0x0] =	vst.idx.msk $0xffff, v32;
	v32 =	vld.idx.msk [tilespmem:v53+s3+$0x0], $0xffff  }
0x265: {  	v27 =	vor.u32 s16, v13;
	v60 =	vand.u32 $0x7C, v26;
	v39 =	vld.idx.msk [tilespmem:v57+s3+$0x0], $0xffff;
	v20 =	vand.u32 $0xFFFFFF80, v59  }
0x266: {  	v33 =	vadd.s32 v5, v25;
	v37 =	vld.idx.msk [tilespmem:v28+s3+$0x0], $0xffff;
	v41 =	vor.u32 v60, v20;
	v20 =	vshll.u32 v29, $0x2  }
0x267: {  	v38 =	vadd.s32 v7, v42;
	[tilespmem:v61+s24+$0x0] =	vst.idx.msk $0xffff, v34;
	v28 =	vld.idx.msk [tilespmem:v54+s3+$0x0], $0xffff;
	v61 =	vadd.s32 v10, v20  }
0x268: {  	v34 =	vadd.s32 v14, v21;
	[tilespmem:v55+s24+$0x0] =	vst.idx.msk $0xffff, v50;
	v29 =	vld.idx.msk [tilespmem:v56+s3+$0x0], $0xffff;
	v63 =	vand.u32 $0x7C, v20;
	v62 =	vand.u32 $0xFFFFFF80, v61  }
0x269: {  	s10 =	simm.s32 $0xA;
	v42 =	vor.u32 s5, v4;
	v36 =	vld.idx.msk [tilespmem:v52+s21+$0x0], $0xffff;
	v35 =	vor.u32 v63, v62;
	[tilespmem:v43+s24+$0x0] =	vst.idx.msk $0xffff, v58  }
.LBB2_9:
0x26a: {  	s11 =	sshll.u32 s10, $0x7;
	p1 =	slt.u32 s10, $0xA6;
	s10 =	sadd.s32 $0x2, s10;
	v31 =	vld.idx.msk [tilespmem:v31+s3+$0x0], $0xffff;
	[tilespmem:v27+s24+$0x0] =	vst.idx.msk $0xffff, v32  }
0x26b: {  	v27 =	vor.u32 s11, v0;
	s14 =	sadd.s32 $0x80, s11;
	v32 =	vld.idx.msk [tilespmem:v41+s3+$0x0], $0xffff;
	[tilespmem:v40+s24+$0x0] =	vst.idx.msk $0xffff, v37;
	v37 =	vor.u32 s15, v13  }
0x26c: {  	v41 =	vor.u32 s9, v2;
	v40 =	vor.u32 s14, v0;
	v38 =	vld.idx.msk [tilespmem:v38+s3+$0x0], $0xffff;
	[tilespmem:v22+s24+$0x0] =	vst.idx.msk $0xffff, v28  }
0x26d: {  	v43 =	vor.u32 s7, v8;
	v28 =	vadd.s32 v3, v26;
	v34 =	vld.idx.msk [tilespmem:v34+s3+$0x0], $0xffff;
	[tilespmem:v18+s24+$0x0] =	vst.idx.msk $0xffff, v29;
	v18 =	vor.u32 s15, v17  }
0x26e: {  	v29 =	vor.u32 s7, v9;
	[tilespmem:v42+s24+$0x0] =	vst.idx.msk $0xffff, v39;
	v35 =	vld.idx.msk [tilespmem:v35+s3+$0x0], $0xffff;
	v39 =	vadd.s32 v14, v19;
	v42 =	vor.u32 s16, v15  }
0x26f: {  	v45 =	vor.u32 s0, v11;
	v22 =	vor.u32 s16, v17;
	v36 =	vshll.u32 v36, $0x2;
	s16 =	smov.u32 s0;
	s0 =	smov.u32 s7;
	s7 =	smov.u32 s9;
	v44 =	vld.idx.msk [tilespmem:v24+s3+$0x0], $0xffff;
	v24 =	vmovc v33  }
0x270: {  	v46 =	vor.u32 s5, v6;
	s9 =	smov.u32 s14;
	v47 =	vand.u32 $0x7C, v36;
	v33 =	vld.idx.msk [tilespmem:v27+s21+$0x0], $0xffff;
	v27 =	vadd.s32 v10, v36;
	[tilespmem:v37+s24+$0x0] =	vst.idx.msk $0xffff, v31  }
0x271: {  	v23 =	vadd.s32 v7, v23;
	v48 =	vor.u32 s15, v15;
	s15 =	smov.u32 s1;
	s1 =	smov.u32 s5;
	s5 =	smov.u32 s8;
	v37 =	vld.idx.msk [tilespmem:v40+s21+$0x0], $0xffff;
	[tilespmem:v41+s24+$0x0] =	vst.idx.msk $0xffff, v32;
	v27 =	vand.u32 $0xFFFFFF80, v27  }
0x272: {  	s8 =	smov.u32 s11;
	v28 =	vld.idx.msk [tilespmem:v28+s3+$0x0], $0xffff;
	[tilespmem:v43+s24+$0x0] =	vst.idx.msk $0xffff, v38;
	v32 =	vor.u32 v47, v27;
	v43 =	vor.u32 s15, v11;
	v27 =	vor.u32 s16, v13  }
0x273: {  	v40 =	vadd.s32 v12, v20;
	v38 =	vor.u32 s7, v4;
	v47 =	vor.u32 s1, v9;
	v29 =	vld.idx.msk [tilespmem:v29+s21+$0x0], $0xffff;
	[tilespmem:v42+s24+$0x0] =	vst.idx.msk $0xffff, v34  }
0x274: {  	v34 =	vadd.s32 v5, v26;
	[tilespmem:v45+s24+$0x0] =	vst.idx.msk $0xffff, v35;
	v35 =	vld.idx.msk [tilespmem:v39+s3+$0x0], $0xffff;
	v39 =	vadd.s32 v16, v21  }
0x275: {  	v45 =	vor.u32 s5, v2;
	v42 =	vld.idx.msk [tilespmem:v30+s3+$0x0], $0xffff;
	[tilespmem:v46+s24+$0x0] =	vst.idx.msk $0xffff, v44;
	v44 =	vor.u32 s1, v8;
	v46 =	vadd.s32 v16, v19  }
0x276: {  	v49 =	vadd.s32 v3, v25;
	v31 =	vadd.s32 v12, v36;
	v21 =	vshll.u32 v33, $0x2;
	v19 =	vmovc v36;
	v50 =	vld.idx.msk [tilespmem:v23+s3+$0x0], $0xffff  }
0x277: {  	v30 =	vadd.s32 v1, v21;
	v33 =	vand.u32 $0x7C, v21;
	v51 =	vshll.u32 v37, $0x2;
	v23 =	vmovc v25;
	v25 =	vmovc v21;
	v52 =	vld.idx.msk [tilespmem:v32+s3+$0x0], $0xffff  }
0x278: {  	v53 =	vand.u32 $0xFFFFFF80, v30;
	v36 =	vadd.s32 v1, v51;
	v41 =	vand.u32 $0x7C, v51;
	[tilespmem:v38+s24+$0x0] =	vst.idx.msk $0xffff, v28;
	v32 =	vld.idx.msk [tilespmem:v40+s3+$0x0], $0xffff  }
.Ltmp5:
0x279: {  	v30 =	vor.u32 v33, v53;
	v33 =	vadd.s32 v5, v25;
	v28 =	vand.u32 $0xFFFFFF80, v36;
	v21 =	vmovc v20;
	v37 =	vld.idx.msk [tilespmem:v34+s3+$0x0], $0xffff;
	(pc) =	sbr.rel @p1 .LBB2_9-.Ltmp5, $4  }
0x27a: {  	v40 =	vor.u32 s7, v6;
	v20 =	vshll.u32 v29, $0x2;
	v41 =	vor.u32 v41, v28;
	[tilespmem:v48+s24+$0x0] =	vst.idx.msk $0xffff, v35;
	v28 =	vld.idx.msk [tilespmem:v39+s3+$0x0], $0xffff  }
0x27b: {  	v38 =	vadd.s32 v7, v26;
	[tilespmem:v45+s24+$0x0] =	vst.idx.msk $0xffff, v42;
	v45 =	vadd.s32 v10, v20;
	v29 =	vld.idx.msk [tilespmem:v46+s3+$0x0], $0xffff  }
0x27c: {  	v34 =	vadd.s32 v14, v21;
	v35 =	vand.u32 $0x7C, v20;
	v39 =	vld.idx.msk [tilespmem:v49+s3+$0x0], $0xffff;
	[tilespmem:v44+s24+$0x0] =	vst.idx.msk $0xffff, v50;
	v44 =	vand.u32 $0xFFFFFF80, v45  }
0x27d: {  	v26 =	vmov v51;
	v42 =	vor.u32 s5, v4;
	v36 =	vld.idx.msk [tilespmem:v47+s21+$0x0], $0xffff;
	v35 =	vor.u32 v35, v44;
	[tilespmem:v43+s24+$0x0] =	vst.idx.msk $0xffff, v52  }
0x27e: {  	_ =	sdelay $0x3  }
0x27f: {  	v41 =	vld.idx.msk [tilespmem:v41+s3+$0x0], $0xffff;
	v43 =	vor.u32 s9, v2  }
0x280: {  	v44 =	vadd.s32 v3, v26;
	v30 =	vld.idx.msk [tilespmem:v30+s3+$0x0], $0xffff;
	v45 =	vor.u32 s8, v2  }
0x281: {  	v46 =	vadd.s32 v3, v25;
	_ =	sdelay $0x2  }
0x282: {  	[tilespmem:v43+s24+$0x0] =	vst.idx.msk $0xffff, v41  }
0x283: {  	v61 =	vor.u32 s9, v4;
	[tilespmem:v45+s24+$0x0] =	vst.idx.msk $0xffff, v30;
	v41 =	vld.idx.msk [tilespmem:v44+s3+$0x0], $0xffff  }
0x284: {  	v62 =	vadd.s32 v5, v26;
	v48 =	vor.u32 s8, v4;
	v63 =	vld.idx.msk [tilespmem:v46+s3+$0x0], $0xffff;
	_ =	sdelay $0x1  }
0x285: {  	[tilespmem:v42+s24+$0x0] =	vst.idx.msk $0xffff, v39  }
0x286: {  	v49 =	vor.u32 s5, v6;
	v24 =	vld.idx.msk [tilespmem:v24+s3+$0x0], $0xffff  }
0x287: {  	v23 =	vadd.s32 v7, v23;
	[tilespmem:v61+s24+$0x0] =	vst.idx.msk $0xffff, v41  }
0x288: {  	v50 =	vor.u32 s9, v6;
	[tilespmem:v48+s24+$0x0] =	vst.idx.msk $0xffff, v63;
	v30 =	vld.idx.msk [tilespmem:v62+s3+$0x0], $0xffff  }
0x289: {  	[tilespmem:v40+s24+$0x0] =	vst.idx.msk $0xffff, v37;
	v51 =	vadd.s32 v7, v26;
	v52 =	vor.u32 s8, v6;
	v33 =	vld.idx.msk [tilespmem:v33+s3+$0x0], $0xffff  }
0x28a: {  	v53 =	vor.u32 s7, v8;
	v54 =	vadd.s32 v7, v25;
	v38 =	vld.idx.msk [tilespmem:v38+s3+$0x0], $0xffff  }
0x28b: {  	v55 =	vor.u32 s7, v9;
	[tilespmem:v49+s24+$0x0] =	vst.idx.msk $0xffff, v24  }
0x28c: {  	v56 =	vor.u32 s5, v8;
	v23 =	vld.idx.msk [tilespmem:v23+s3+$0x0], $0xffff  }
0x28d: {  	v57 =	vor.u32 s5, v9;
	[tilespmem:v50+s24+$0x0] =	vst.idx.msk $0xffff, v30  }
0x28e: {  	v58 =	vor.u32 s9, v8;
	[tilespmem:v52+s24+$0x0] =	vst.idx.msk $0xffff, v33;
	v26 =	vld.idx.msk [tilespmem:v51+s3+$0x0], $0xffff  }
0x28f: {  	v59 =	vor.u32 s9, v9;
	v60 =	vor.u32 s8, v8;
	[tilespmem:v53+s24+$0x0] =	vst.idx.msk $0xffff, v38;
	v25 =	vld.idx.msk [tilespmem:v54+s3+$0x0], $0xffff  }
0x290: {  	v38 =	vld.idx.msk [tilespmem:v55+s21+$0x0], $0xffff;
	v61 =	vor.u32 s8, v9  }
0x291: {  	[tilespmem:v56+s24+$0x0] =	vst.idx.msk $0xffff, v23  }
0x292: {  	v47 =	vor.u32 s0, v11;
	[tilespmem:v27+s24+$0x0] =	vst.idx.msk $0xffff, v32;
	v21 =	vadd.s32 v16, v21;
	v63 =	vld.idx.msk [tilespmem:v57+s21+$0x0], $0xffff  }
0x293: {  	v40 =	vor.u32 s1, v11;
	v34 =	vld.idx.msk [tilespmem:v34+s3+$0x0], $0xffff;
	v45 =	vadd.s32 v14, v19;
	v24 =	vshll.u32 v36, $0x2;
	[tilespmem:v58+s24+$0x0] =	vst.idx.msk $0xffff, v26  }
0x294: {  	v46 =	vadd.s32 v10, v24;
	v41 =	vor.u32 s16, v15;
	v48 =	vand.u32 $0x7C, v24;
	[tilespmem:v60+s24+$0x0] =	vst.idx.msk $0xffff, v25;
	v33 =	vld.idx.msk [tilespmem:v59+s21+$0x0], $0xffff  }
0x295: {  	v42 =	vand.u32 $0xFFFFFF80, v46;
	v62 =	vor.u32 s15, v13;
	v37 =	vshll.u32 v38, $0x2;
	v49 =	vld.idx.msk [tilespmem:v61+s21+$0x0], $0xffff  }
0x296: {  	v31 =	vld.idx.msk [tilespmem:v31+s3+$0x0], $0xffff;
	v30 =	vor.u32 v48, v42;
	v50 =	vadd.s32 v12, v20;
	v51 =	vadd.s32 v10, v37  }
0x297: {  	v54 =	vand.u32 $0x7C, v37;
	v53 =	vand.u32 $0xFFFFFF80, v51;
	v36 =	vshll.u32 v63, $0x2  }
0x298: {  	v52 =	vld.idx.msk [tilespmem:v35+s3+$0x0], $0xffff;
	v48 =	vor.u32 s16, v17;
	v32 =	vor.u32 v54, v53;
	v55 =	vadd.s32 v10, v36  }
0x299: {  	[tilespmem:v41+s24+$0x0] =	vst.idx.msk $0xffff, v34;
	v56 =	vand.u32 $0x7C, v36;
	v35 =	vand.u32 $0xFFFFFF80, v55;
	v33 =	vshll.u32 v33, $0x2  }
0x29a: {  	v21 =	vld.idx.msk [tilespmem:v21+s3+$0x0], $0xffff;
	v57 =	vor.u32 v56, v35;
	v35 =	vshll.u32 v49, $0x2;
	v58 =	vadd.s32 v10, v33  }
0x29b: {  	[tilespmem:v62+s24+$0x0] =	vst.idx.msk $0xffff, v31;
	v62 =	vld.idx.msk [tilespmem:v30+s3+$0x0], $0xffff;
	v60 =	vand.u32 $0x7C, v33;
	v61 =	vadd.s32 v10, v35;
	v31 =	vand.u32 $0xFFFFFF80, v58  }
0x29c: {  	v59 =	vld.idx.msk [tilespmem:v45+s3+$0x0], $0xffff;
	v44 =	vand.u32 $0x7C, v35;
	v45 =	vand.u32 $0xFFFFFF80, v61;
	v63 =	vor.u32 v60, v31  }
0x29d: {  	[tilespmem:v47+s24+$0x0] =	vst.idx.msk $0xffff, v52;
	v25 =	vor.u32 s15, v15;
	v30 =	vor.u32 v44, v45  }
0x29e: {  	[tilespmem:v22+s24+$0x0] =	vst.idx.msk $0xffff, v28;
	v19 =	vadd.s32 v16, v19;
	v46 =	vor.u32 s0, v13;
	v47 =	vld.idx.msk [tilespmem:v50+s3+$0x0], $0xffff  }
0x29f: {  	[tilespmem:v18+s24+$0x0] =	vst.idx.msk $0xffff, v29;
	v18 =	vadd.s32 v12, v24;
	v51 =	vor.u32 s5, v11;
	v23 =	vld.idx.msk [tilespmem:v57+s3+$0x0], $0xffff  }
0x2a0: {  	v53 =	vadd.s32 v12, v36;
	[tilespmem:v48+s24+$0x0] =	vst.idx.msk $0xffff, v21;
	v50 =	vor.u32 s7, v11;
	v49 =	vld.idx.msk [tilespmem:v32+s3+$0x0], $0xffff  }
0x2a1: {  	v54 =	vor.u32 s9, v11;
	v52 =	vadd.s32 v12, v37;
	[tilespmem:v40+s24+$0x0] =	vst.idx.msk $0xffff, v62;
	v27 =	vld.idx.msk [tilespmem:v63+s3+$0x0], $0xffff  }
0x2a2: {  	v55 =	vor.u32 s8, v11;
	[tilespmem:v25+s24+$0x0] =	vst.idx.msk $0xffff, v59;
	v56 =	vadd.s32 v12, v33;
	v30 =	vld.idx.msk [tilespmem:v30+s3+$0x0], $0xffff  }
0x2a3: {  	[tilespmem:v46+s24+$0x0] =	vst.idx.msk $0xffff, v47;
	v57 =	vor.u32 s15, v17;
	v19 =	vld.idx.msk [tilespmem:v19+s3+$0x0], $0xffff;
	v58 =	vadd.s32 v12, v35  }
0x2a4: {  	v18 =	vld.idx.msk [tilespmem:v18+s3+$0x0], $0xffff;
	v59 =	vadd.s32 v14, v20;
	v60 =	vor.u32 s1, v13;
	[tilespmem:v51+s24+$0x0] =	vst.idx.msk $0xffff, v23  }
0x2a5: {  	v42 =	vor.u32 s5, v13;
	v61 =	vadd.s32 v14, v24;
	[tilespmem:v50+s24+$0x0] =	vst.idx.msk $0xffff, v49;
	v25 =	vld.idx.msk [tilespmem:v53+s3+$0x0], $0xffff  }
0x2a6: {  	v43 =	vadd.s32 v14, v36;
	v62 =	vor.u32 s7, v13;
	v31 =	vld.idx.msk [tilespmem:v52+s3+$0x0], $0xffff;
	[tilespmem:v54+s24+$0x0] =	vst.idx.msk $0xffff, v27  }
0x2a7: {  	v44 =	vor.u32 s9, v13;
	v63 =	vadd.s32 v14, v37;
	[tilespmem:v55+s24+$0x0] =	vst.idx.msk $0xffff, v30;
	v38 =	vld.idx.msk [tilespmem:v56+s3+$0x0], $0xffff  }
0x2a8: {  	v45 =	vor.u32 s8, v13;
	[tilespmem:v57+s24+$0x0] =	vst.idx.msk $0xffff, v19;
	v19 =	vadd.s32 v14, v33;
	v21 =	vld.idx.msk [tilespmem:v58+s3+$0x0], $0xffff  }
0x2a9: {  	v46 =	vor.u32 s0, v15;
	v22 =	vld.idx.msk [tilespmem:v59+s3+$0x0], $0xffff;
	[tilespmem:v60+s24+$0x0] =	vst.idx.msk $0xffff, v18;
	v18 =	vadd.s32 v14, v35  }
0x2aa: {  	v48 =	vadd.s32 v16, v20;
	v47 =	vor.u32 s1, v15;
	v28 =	vld.idx.msk [tilespmem:v61+s3+$0x0], $0xffff;
	[tilespmem:v42+s24+$0x0] =	vst.idx.msk $0xffff, v25  }
0x2ab: {  	v24 =	vadd.s32 v16, v24;
	v50 =	vor.u32 s5, v15;
	[tilespmem:v62+s24+$0x0] =	vst.idx.msk $0xffff, v31;
	v26 =	vld.idx.msk [tilespmem:v43+s3+$0x0], $0xffff  }
0x2ac: {  	v49 =	vor.u32 s7, v15;
	v52 =	vadd.s32 v16, v36;
	v23 =	vld.idx.msk [tilespmem:v63+s3+$0x0], $0xffff;
	[tilespmem:v44+s24+$0x0] =	vst.idx.msk $0xffff, v38  }
0x2ad: {  	v51 =	vadd.s32 v16, v37;
	v53 =	vor.u32 s9, v15;
	[tilespmem:v45+s24+$0x0] =	vst.idx.msk $0xffff, v21;
	v19 =	vld.idx.msk [tilespmem:v19+s3+$0x0], $0xffff  }
0x2ae: {  	[tilespmem:v46+s24+$0x0] =	vst.idx.msk $0xffff, v22;
	v54 =	vor.u32 s8, v15;
	v55 =	vadd.s32 v16, v33;
	v18 =	vld.idx.msk [tilespmem:v18+s3+$0x0], $0xffff  }
0x2af: {  	v57 =	vadd.s32 v16, v35;
	v20 =	vld.idx.msk [tilespmem:v48+s3+$0x0], $0xffff;
	v56 =	vor.u32 s0, v17;
	[tilespmem:v47+s24+$0x0] =	vst.idx.msk $0xffff, v28  }
0x2b0: {  	v58 =	vor.u32 s1, v17;
	v24 =	vld.idx.msk [tilespmem:v24+s3+$0x0], $0xffff;
	[tilespmem:v50+s24+$0x0] =	vst.idx.msk $0xffff, v26  }
0x2b1: {  	v61 =	vor.u32 s5, v17;
	[tilespmem:v49+s24+$0x0] =	vst.idx.msk $0xffff, v23;
	v62 =	vld.idx.msk [tilespmem:v52+s3+$0x0], $0xffff  }
0x2b2: {  	v59 =	vor.u32 s7, v17;
	v60 =	vld.idx.msk [tilespmem:v51+s3+$0x0], $0xffff;
	[tilespmem:v53+s24+$0x0] =	vst.idx.msk $0xffff, v19  }
0x2b3: {  	v19 =	vor.u32 s9, v17;
	[tilespmem:v54+s24+$0x0] =	vst.idx.msk $0xffff, v18;
	v18 =	vld.idx.msk [tilespmem:v55+s3+$0x0], $0xffff  }
0x2b4: {  	s29 =	sadd.s32 $0x1, s29;
	v63 =	vor.u32 s8, v17;
	[tilespmem:v56+s24+$0x0] =	vst.idx.msk $0xffff, v20;
	v21 =	vld.idx.msk [tilespmem:v57+s3+$0x0], $0xffff  }
0x2b5: {  	p1 =	sne.s32 s29, $0x2E;
	[tilespmem:v58+s24+$0x0] =	vst.idx.msk $0xffff, v24  }
.Ltmp6:
0x2b6: {  	[tilespmem:v61+s24+$0x0] =	vst.idx.msk $0xffff, v62;
	(pc) =	sbr.rel @p1 .LBB2_6-.Ltmp6, $4  }
0x2b7: {  	[tilespmem:v59+s24+$0x0] =	vst.idx.msk $0xffff, v60  }
0x2b8: {  	[tilespmem:v19+s24+$0x0] =	vst.idx.msk $0xffff, v18  }
0x2b9: {  	s31 =	sadd.s32 s2, s30;
	[tilespmem:v63+s24+$0x0] =	vst.idx.msk $0xffff, v21  }
0x2ba: {  	[hbm4b:s31+s3] =	stream.linear.scatter [tilespmem:s24], [sflag:$0x4], $0x5400, $0x38;
	[tilespmem:$0x1D000] =	vst v63  }
0x2bb: {  	_ =	swait.ge [sflag:s20], $0x5400;
	s11 =	simm.s32 $0x80  }
0x2bc: {  	[sflag:s20] =	ssyncset.done $0x0;
	v18 =	vor.u32 s11, v0  }
0x2bd: {  	[sflag:s20] =	ssyncadd.s32 $0xFFFFAC00  }
0x2be: {  	_ =	swait.ge [sflag:s25], $0x5400  }
0x2bf: {  	[sflag:s25] =	ssyncset.done $0x0  }
0x2c0: {  	[sflag:s25] =	ssyncadd.s32 $0xFFFFAC00  }
0x2c1: {  	v18 =	vld.idx.msk [tilespmem:v18+s19+$0x0], $0xffff;
	_ =	sdelay $0x1  }
0x2c2: {  	s10 =	simm.s32 $0x0  }
0x2c3: {  	v19 =	vor.u32 s10, v0;
	_ =	sdelay $0x1  }
0x2c4: {  	v18 =	vshll.u32 v18, $0x2  }
0x2c5: {  	v20 =	vadd.s32 v1, v18  }
0x2c6: {  	v21 =	vand.u32 $0x7C, v18;
	v20 =	vand.u32 $0xFFFFFF80, v20  }
0x2c7: {  	v19 =	vld.idx.msk [tilespmem:v19+s19+$0x0], $0xffff;
	v20 =	vor.u32 v21, v20;
	_ =	sdelay $0x2  }
0x2c8: {  	s16 =	simm.s32 $0x180  }
0x2c9: {  	v21 =	vor.u32 s16, v0  }
0x2ca: {  	v22 =	vor.u32 s11, v2;
	v19 =	vshll.u32 v19, $0x2;
	v20 =	vld.idx.msk [tilespmem:v20+s3+$0x0], $0xffff  }
0x2cb: {  	v23 =	vadd.s32 v1, v19;
	v24 =	vadd.s32 v3, v18  }
0x2cc: {  	v25 =	vand.u32 $0x7C, v19;
	v23 =	vand.u32 $0xFFFFFF80, v23  }
0x2cd: {  	v23 =	vor.u32 v25, v23  }
0x2ce: {  	v21 =	vld.idx.msk [tilespmem:v21+s19+$0x0], $0xffff  }
0x2cf: {  	s15 =	simm.s32 $0x100;
	[tilespmem:v22+s22+$0x0] =	vst.idx.msk $0xffff, v20  }
0x2d0: {  	v20 =	vor.u32 s15, v0;
	v22 =	vld.idx.msk [tilespmem:v24+s3+$0x0], $0xffff;
	v24 =	vor.u32 s11, v4  }
0x2d1: {  	v25 =	vadd.s32 v5, v18  }
0x2d2: {  	v26 =	vor.u32 s10, v2;
	v23 =	vld.idx.msk [tilespmem:v23+s3+$0x0], $0xffff  }
0x2d3: {  	v27 =	vadd.s32 v3, v19;
	v21 =	vshll.u32 v21, $0x2  }
0x2d4: {  	v28 =	vadd.s32 v1, v21  }
0x2d5: {  	v29 =	vand.u32 $0x7C, v21;
	v20 =	vld.idx.msk [tilespmem:v20+s19+$0x0], $0xffff;
	[tilespmem:v24+s22+$0x0] =	vst.idx.msk $0xffff, v22;
	v22 =	vand.u32 $0xFFFFFF80, v28  }
0x2d6: {  	v24 =	vld.idx.msk [tilespmem:v25+s3+$0x0], $0xffff;
	v22 =	vor.u32 v29, v22;
	v25 =	vor.u32 s11, v6  }
0x2d7: {  	v18 =	vadd.s32 v7, v18;
	[tilespmem:v26+s22+$0x0] =	vst.idx.msk $0xffff, v23  }
0x2d8: {  	v26 =	vor.u32 s10, v4;
	v23 =	vld.idx.msk [tilespmem:v27+s3+$0x0], $0xffff  }
0x2d9: {  	v27 =	vadd.s32 v5, v19  }
0x2da: {  	s0 =	simm.s32 $0x280  }
0x2db: {  	v28 =	vshll.u32 v20, $0x2;
	v20 =	vld.idx.msk [tilespmem:v22+s3+$0x0], $0xffff;
	[tilespmem:v25+s22+$0x0] =	vst.idx.msk $0xffff, v24;
	v22 =	vor.u32 s0, v0;
	v24 =	vor.u32 s16, v2  }
0x2dc: {  	v30 =	vor.u32 s11, v8;
	v29 =	vadd.s32 v3, v21;
	v25 =	vadd.s32 v1, v28;
	v18 =	vld.idx.msk [tilespmem:v18+s3+$0x0], $0xffff  }
0x2dd: {  	[tilespmem:v26+s22+$0x0] =	vst.idx.msk $0xffff, v23;
	v23 =	vor.u32 s11, v9;
	v31 =	vand.u32 $0x7C, v28;
	v25 =	vand.u32 $0xFFFFFF80, v25  }
0x2de: {  	v26 =	vld.idx.msk [tilespmem:v27+s3+$0x0], $0xffff;
	v27 =	vor.u32 s10, v6;
	v25 =	vor.u32 v31, v25  }
0x2df: {  	v19 =	vadd.s32 v7, v19  }
0x2e0: {  	s1 =	simm.s32 $0x200;
	v22 =	vld.idx.msk [tilespmem:v22+s19+$0x0], $0xffff;
	[tilespmem:v24+s22+$0x0] =	vst.idx.msk $0xffff, v20  }
0x2e1: {  	v20 =	vor.u32 s1, v0;
	v24 =	vld.idx.msk [tilespmem:v29+s3+$0x0], $0xffff;
	[tilespmem:v30+s22+$0x0] =	vst.idx.msk $0xffff, v18  }
0x2e2: {  	v18 =	vor.u32 s16, v4;
	v23 =	vld.idx.msk [tilespmem:v23+s19+$0x0], $0xffff  }
0x2e3: {  	[tilespmem:v27+s22+$0x0] =	vst.idx.msk $0xffff, v26;
	v29 =	vadd.s32 v5, v21;
	v30 =	vor.u32 s15, v2;
	v25 =	vld.idx.msk [tilespmem:v25+s3+$0x0], $0xffff  }
0x2e4: {  	v26 =	vor.u32 s10, v8;
	v27 =	vadd.s32 v3, v28;
	v19 =	vld.idx.msk [tilespmem:v19+s3+$0x0], $0xffff  }
0x2e5: {  	v31 =	vor.u32 s10, v9;
	v22 =	vshll.u32 v22, $0x2  }
0x2e6: {  	v32 =	vld.idx.msk [tilespmem:v20+s19+$0x0], $0xffff;
	v20 =	vadd.s32 v1, v22  }
0x2e7: {  	[tilespmem:v18+s22+$0x0] =	vst.idx.msk $0xffff, v24;
	v18 =	vand.u32 $0x7C, v22;
	v24 =	vand.u32 $0xFFFFFF80, v20  }
0x2e8: {  	v29 =	vld.idx.msk [tilespmem:v29+s3+$0x0], $0xffff;
	v20 =	vshll.u32 v23, $0x2;
	v23 =	vor.u32 s16, v6;
	[tilespmem:v30+s22+$0x0] =	vst.idx.msk $0xffff, v25;
	v18 =	vor.u32 v18, v24  }
0x2e9: {  	v21 =	vadd.s32 v7, v21;
	[tilespmem:v26+s22+$0x0] =	vst.idx.msk $0xffff, v19;
	v25 =	vld.idx.msk [tilespmem:v27+s3+$0x0], $0xffff  }
0x2ea: {  	s7 =	simm.s32 $0x380;
	v26 =	vor.u32 s15, v4;
	v24 =	vadd.s32 v10, v20;
	v27 =	vld.idx.msk [tilespmem:v31+s19+$0x0], $0xffff  }
0x2eb: {  	v31 =	vor.u32 s7, v0;
	v19 =	vand.u32 $0xFFFFFF80, v24;
	v24 =	vand.u32 $0x7C, v20  }
0x2ec: {  	v19 =	vor.u32 v24, v19;
	v24 =	vadd.s32 v5, v28;
	v30 =	vshll.u32 v32, $0x2  }
0x2ed: {  	v35 =	vor.u32 s16, v8;
	v32 =	vadd.s32 v1, v30;
	[tilespmem:v23+s22+$0x0] =	vst.idx.msk $0xffff, v29;
	v23 =	vor.u32 s0, v2;
	v18 =	vld.idx.msk [tilespmem:v18+s3+$0x0], $0xffff  }
0x2ee: {  	v34 =	vadd.s32 v3, v22;
	v29 =	vand.u32 $0x7C, v30;
	v32 =	vand.u32 $0xFFFFFF80, v32;
	v21 =	vld.idx.msk [tilespmem:v21+s3+$0x0], $0xffff  }
0x2ef: {  	s5 =	simm.s32 $0x300;
	[tilespmem:v26+s22+$0x0] =	vst.idx.msk $0xffff, v25;
	v26 =	vshll.u32 v27, $0x2;
	v27 =	vor.u32 v29, v32  }
0x2f0: {  	v33 =	vor.u32 s5, v0;
	v63 =	vor.u32 s11, v11;
	v25 =	vor.u32 s16, v9;
	v31 =	vld.idx.msk [tilespmem:v31+s19+$0x0], $0xffff  }
0x2f1: {  	v45 =	vor.u32 s10, v11;
	v29 =	vor.u32 s15, v6;
	v62 =	vadd.s32 v10, v26;
	v24 =	vld.idx.msk [tilespmem:v24+s3+$0x0], $0xffff  }
0x2f2: {  	v28 =	vadd.s32 v7, v28;
	v36 =	vand.u32 $0x7C, v26;
	v19 =	vld.idx.msk [tilespmem:v19+s3+$0x0], $0xffff;
	v32 =	vand.u32 $0xFFFFFF80, v62;
	[tilespmem:v23+s22+$0x0] =	vst.idx.msk $0xffff, v18  }
0x2f3: {  	v46 =	vor.u32 s11, v13;
	v18 =	vor.u32 v36, v32;
	[tilespmem:v35+s22+$0x0] =	vst.idx.msk $0xffff, v21;
	v21 =	vor.u32 s0, v4;
	v34 =	vld.idx.msk [tilespmem:v34+s3+$0x0], $0xffff  }
0x2f4: {  	v38 =	vor.u32 s15, v9;
	v40 =	vor.u32 s1, v2;
	v37 =	vadd.s32 v5, v22;
	v27 =	vld.idx.msk [tilespmem:v27+s3+$0x0], $0xffff  }
0x2f5: {  	s8 =	simm.s32 $0x400;
	v49 =	vor.u32 s0, v6;
	v50 =	vor.u32 s1, v4;
	v39 =	vadd.s32 v12, v20;
	v25 =	vld.idx.msk [tilespmem:v25+s19+$0x0], $0xffff  }
0x2f6: {  	v53 =	vor.u32 s8, v0;
	v54 =	vor.u32 s7, v2;
	v33 =	vld.idx.msk [tilespmem:v33+s19+$0x0], $0xffff;
	[tilespmem:v29+s22+$0x0] =	vst.idx.msk $0xffff, v24;
	v29 =	vadd.s32 v3, v30  }
0x2f7: {  	v56 =	vor.u32 s10, v13;
	v42 =	vshll.u32 v31, $0x2;
	v24 =	vor.u32 s15, v8;
	v28 =	vld.idx.msk [tilespmem:v28+s3+$0x0], $0xffff  }
0x2f8: {  	v58 =	vor.u32 s0, v8;
	v44 =	vor.u32 s11, v15;
	v47 =	vadd.s32 v1, v42;
	v18 =	vld.idx.msk [tilespmem:v18+s3+$0x0], $0xffff;
	[tilespmem:v21+s22+$0x0] =	vst.idx.msk $0xffff, v34  }
0x2f9: {  	v31 =	vadd.s32 v12, v26;
	v43 =	vand.u32 $0x7C, v42;
	[tilespmem:v63+s22+$0x0] =	vst.idx.msk $0xffff, v19;
	v21 =	vand.u32 $0xFFFFFF80, v47;
	v19 =	vld.idx.msk [tilespmem:v37+s3+$0x0], $0xffff  }
0x2fa: {  	v60 =	vor.u32 s16, v11;
	[tilespmem:v40+s22+$0x0] =	vst.idx.msk $0xffff, v27;
	v48 =	vor.u32 v43, v21;
	v21 =	vshll.u32 v25, $0x2;
	v25 =	vld.idx.msk [tilespmem:v39+s3+$0x0], $0xffff  }
0x2fb: {  	v61 =	vor.u32 s10, v15;
	v22 =	vadd.s32 v7, v22;
	v52 =	vadd.s32 v5, v30;
	v29 =	vld.idx.msk [tilespmem:v29+s3+$0x0], $0xffff  }
0x2fc: {  	v39 =	vld.idx.msk [tilespmem:v53+s19+$0x0], $0xffff;
	v27 =	vadd.s32 v10, v21;
	[tilespmem:v24+s22+$0x0] =	vst.idx.msk $0xffff, v28;
	v28 =	vadd.s32 v14, v20  }
0x2fd: {  	v23 =	vshll.u32 v33, $0x2;
	v24 =	vand.u32 $0xFFFFFF80, v27;
	v27 =	vand.u32 $0x7C, v21;
	v51 =	vld.idx.msk [tilespmem:v38+s19+$0x0], $0xffff;
	[tilespmem:v45+s22+$0x0] =	vst.idx.msk $0xffff, v18  }
0x2fe: {  	s9 =	simm.s32 $0x480;
	v41 =	vadd.s32 v1, v23;
	v27 =	vor.u32 v27, v24;
	v31 =	vld.idx.msk [tilespmem:v31+s3+$0x0], $0xffff;
	[tilespmem:v49+s22+$0x0] =	vst.idx.msk $0xffff, v19  }
0x2ff: {  	v18 =	vand.u32 $0x7C, v23;
	v24 =	vand.u32 $0xFFFFFF80, v41;
	v32 =	vld.idx.msk [tilespmem:v48+s3+$0x0], $0xffff;
	[tilespmem:v46+s22+$0x0] =	vst.idx.msk $0xffff, v25;
	v25 =	vor.u32 s9, v0  }
0x300: {  	v59 =	vadd.s32 v14, v26;
	v57 =	vadd.s32 v3, v42;
	v38 =	vor.u32 v18, v24;
	v55 =	vld.idx.msk [tilespmem:v22+s3+$0x0], $0xffff  }
0x301: {  	v30 =	vadd.s32 v7, v30;
	v63 =	vor.u32 s7, v4;
	v40 =	vor.u32 s7, v6;
	[tilespmem:v50+s22+$0x0] =	vst.idx.msk $0xffff, v29;
	v28 =	vld.idx.msk [tilespmem:v28+s3+$0x0], $0xffff  }
0x302: {  	v43 =	vor.u32 s15, v11;
	v53 =	vadd.s32 v12, v21;
	v35 =	vld.idx.msk [tilespmem:v52+s3+$0x0], $0xffff;
	v19 =	vshll.u32 v51, $0x2  }
0x303: {  	v45 =	vor.u32 s1, v6;
	v29 =	vor.u32 s0, v9;
	v27 =	vld.idx.msk [tilespmem:v27+s3+$0x0], $0xffff;
	v46 =	vadd.s32 v10, v19  }
0x304: {  	v24 =	vadd.s32 v5, v23;
	v47 =	vand.u32 $0x7C, v19;
	[tilespmem:v56+s22+$0x0] =	vst.idx.msk $0xffff, v31;
	v48 =	vld.idx.msk [tilespmem:v25+s19+$0x0], $0xffff;
	v25 =	vand.u32 $0xFFFFFF80, v46  }
0x305: {  	v18 =	vor.u32 s10, v17;
	v49 =	vor.u32 s5, v2;
	v38 =	vld.idx.msk [tilespmem:v38+s3+$0x0], $0xffff;
	[tilespmem:v54+s22+$0x0] =	vst.idx.msk $0xffff, v32;
	v62 =	vor.u32 v47, v25  }
0x306: {  	v56 =	vadd.s32 v16, v26;
	v31 =	vadd.s32 v12, v19;
	v32 =	vld.idx.msk [tilespmem:v57+s3+$0x0], $0xffff;
	[tilespmem:v58+s22+$0x0] =	vst.idx.msk $0xffff, v55  }
0x307: {  	v34 =	vld.idx.msk [tilespmem:v59+s3+$0x0], $0xffff;
	v54 =	vadd.s32 v16, v20;
	[tilespmem:v44+s22+$0x0] =	vst.idx.msk $0xffff, v28;
	v57 =	vadd.s32 v3, v23  }
0x308: {  	v22 =	vor.u32 s11, v17;
	v28 =	vadd.s32 v5, v42;
	[tilespmem:v45+s22+$0x0] =	vst.idx.msk $0xffff, v35;
	v25 =	vshll.u32 v39, $0x2;
	v29 =	vld.idx.msk [tilespmem:v29+s19+$0x0], $0xffff  }
0x309: {  	v52 =	vor.u32 s1, v9;
	v55 =	vor.u32 s1, v8;
	v50 =	vld.idx.msk [tilespmem:v30+s3+$0x0], $0xffff;
	v20 =	vadd.s32 v1, v25;
	[tilespmem:v60+s22+$0x0] =	vst.idx.msk $0xffff, v27  }
0x30a: {  	v27 =	vand.u32 $0x7C, v25;
	v20 =	vand.u32 $0xFFFFFF80, v20;
	[tilespmem:v49+s22+$0x0] =	vst.idx.msk $0xffff, v38;
	v26 =	vshll.u32 v48, $0x2;
	v58 =	vld.idx.msk [tilespmem:v62+s3+$0x0], $0xffff  }
0x30b: {  	v30 =	vor.u32 v27, v20;
	v59 =	vadd.s32 v1, v26;
	[tilespmem:v63+s22+$0x0] =	vst.idx.msk $0xffff, v32;
	v32 =	vld.idx.msk [tilespmem:v53+s3+$0x0], $0xffff  }
0x30c: {  	v27 =	vor.u32 s16, v13;
	v60 =	vand.u32 $0x7C, v26;
	v39 =	vld.idx.msk [tilespmem:v57+s3+$0x0], $0xffff;
	v20 =	vand.u32 $0xFFFFFF80, v59  }
0x30d: {  	v33 =	vadd.s32 v5, v25;
	v37 =	vld.idx.msk [tilespmem:v28+s3+$0x0], $0xffff;
	v41 =	vor.u32 v60, v20;
	v20 =	vshll.u32 v29, $0x2  }
0x30e: {  	v38 =	vadd.s32 v7, v42;
	[tilespmem:v61+s22+$0x0] =	vst.idx.msk $0xffff, v34;
	v28 =	vld.idx.msk [tilespmem:v54+s3+$0x0], $0xffff;
	v61 =	vadd.s32 v10, v20  }
0x30f: {  	v34 =	vadd.s32 v14, v21;
	[tilespmem:v55+s22+$0x0] =	vst.idx.msk $0xffff, v50;
	v29 =	vld.idx.msk [tilespmem:v56+s3+$0x0], $0xffff;
	v63 =	vand.u32 $0x7C, v20;
	v62 =	vand.u32 $0xFFFFFF80, v61  }
0x310: {  	s10 =	simm.s32 $0xA;
	v42 =	vor.u32 s5, v4;
	v36 =	vld.idx.msk [tilespmem:v52+s19+$0x0], $0xffff;
	v35 =	vor.u32 v63, v62;
	[tilespmem:v43+s22+$0x0] =	vst.idx.msk $0xffff, v58  }
.LBB2_12:
0x311: {  	s11 =	sshll.u32 s10, $0x7;
	p1 =	slt.u32 s10, $0xA6;
	s10 =	sadd.s32 $0x2, s10;
	v31 =	vld.idx.msk [tilespmem:v31+s3+$0x0], $0xffff;
	[tilespmem:v27+s22+$0x0] =	vst.idx.msk $0xffff, v32  }
0x312: {  	v27 =	vor.u32 s11, v0;
	s14 =	sadd.s32 $0x80, s11;
	v32 =	vld.idx.msk [tilespmem:v41+s3+$0x0], $0xffff;
	[tilespmem:v40+s22+$0x0] =	vst.idx.msk $0xffff, v37;
	v37 =	vor.u32 s15, v13  }
0x313: {  	v41 =	vor.u32 s9, v2;
	v40 =	vor.u32 s14, v0;
	v38 =	vld.idx.msk [tilespmem:v38+s3+$0x0], $0xffff;
	[tilespmem:v22+s22+$0x0] =	vst.idx.msk $0xffff, v28  }
0x314: {  	v43 =	vor.u32 s7, v8;
	v28 =	vadd.s32 v3, v26;
	v34 =	vld.idx.msk [tilespmem:v34+s3+$0x0], $0xffff;
	[tilespmem:v18+s22+$0x0] =	vst.idx.msk $0xffff, v29;
	v18 =	vor.u32 s15, v17  }
0x315: {  	v29 =	vor.u32 s7, v9;
	[tilespmem:v42+s22+$0x0] =	vst.idx.msk $0xffff, v39;
	v35 =	vld.idx.msk [tilespmem:v35+s3+$0x0], $0xffff;
	v39 =	vadd.s32 v14, v19;
	v42 =	vor.u32 s16, v15  }
0x316: {  	v45 =	vor.u32 s0, v11;
	v22 =	vor.u32 s16, v17;
	v36 =	vshll.u32 v36, $0x2;
	s16 =	smov.u32 s0;
	s0 =	smov.u32 s7;
	s7 =	smov.u32 s9;
	v44 =	vld.idx.msk [tilespmem:v24+s3+$0x0], $0xffff;
	v24 =	vmovc v33  }
0x317: {  	v46 =	vor.u32 s5, v6;
	s9 =	smov.u32 s14;
	v47 =	vand.u32 $0x7C, v36;
	v33 =	vld.idx.msk [tilespmem:v27+s19+$0x0], $0xffff;
	v27 =	vadd.s32 v10, v36;
	[tilespmem:v37+s22+$0x0] =	vst.idx.msk $0xffff, v31  }
0x318: {  	v23 =	vadd.s32 v7, v23;
	v48 =	vor.u32 s15, v15;
	s15 =	smov.u32 s1;
	s1 =	smov.u32 s5;
	s5 =	smov.u32 s8;
	v37 =	vld.idx.msk [tilespmem:v40+s19+$0x0], $0xffff;
	[tilespmem:v41+s22+$0x0] =	vst.idx.msk $0xffff, v32;
	v27 =	vand.u32 $0xFFFFFF80, v27  }
0x319: {  	s8 =	smov.u32 s11;
	v28 =	vld.idx.msk [tilespmem:v28+s3+$0x0], $0xffff;
	[tilespmem:v43+s22+$0x0] =	vst.idx.msk $0xffff, v38;
	v32 =	vor.u32 v47, v27;
	v43 =	vor.u32 s15, v11;
	v27 =	vor.u32 s16, v13  }
0x31a: {  	v40 =	vadd.s32 v12, v20;
	v38 =	vor.u32 s7, v4;
	v47 =	vor.u32 s1, v9;
	v29 =	vld.idx.msk [tilespmem:v29+s19+$0x0], $0xffff;
	[tilespmem:v42+s22+$0x0] =	vst.idx.msk $0xffff, v34  }
0x31b: {  	v34 =	vadd.s32 v5, v26;
	[tilespmem:v45+s22+$0x0] =	vst.idx.msk $0xffff, v35;
	v35 =	vld.idx.msk [tilespmem:v39+s3+$0x0], $0xffff;
	v39 =	vadd.s32 v16, v21  }
0x31c: {  	v45 =	vor.u32 s5, v2;
	v42 =	vld.idx.msk [tilespmem:v30+s3+$0x0], $0xffff;
	[tilespmem:v46+s22+$0x0] =	vst.idx.msk $0xffff, v44;
	v44 =	vor.u32 s1, v8;
	v46 =	vadd.s32 v16, v19  }
0x31d: {  	v49 =	vadd.s32 v3, v25;
	v31 =	vadd.s32 v12, v36;
	v21 =	vshll.u32 v33, $0x2;
	v19 =	vmovc v36;
	v50 =	vld.idx.msk [tilespmem:v23+s3+$0x0], $0xffff  }
0x31e: {  	v30 =	vadd.s32 v1, v21;
	v33 =	vand.u32 $0x7C, v21;
	v51 =	vshll.u32 v37, $0x2;
	v23 =	vmovc v25;
	v25 =	vmovc v21;
	v52 =	vld.idx.msk [tilespmem:v32+s3+$0x0], $0xffff  }
0x31f: {  	v53 =	vand.u32 $0xFFFFFF80, v30;
	v36 =	vadd.s32 v1, v51;
	v41 =	vand.u32 $0x7C, v51;
	[tilespmem:v38+s22+$0x0] =	vst.idx.msk $0xffff, v28;
	v32 =	vld.idx.msk [tilespmem:v40+s3+$0x0], $0xffff  }
.Ltmp7:
0x320: {  	v30 =	vor.u32 v33, v53;
	v33 =	vadd.s32 v5, v25;
	v28 =	vand.u32 $0xFFFFFF80, v36;
	v21 =	vmovc v20;
	v37 =	vld.idx.msk [tilespmem:v34+s3+$0x0], $0xffff;
	(pc) =	sbr.rel @p1 .LBB2_12-.Ltmp7, $4  }
0x321: {  	v40 =	vor.u32 s7, v6;
	v20 =	vshll.u32 v29, $0x2;
	v41 =	vor.u32 v41, v28;
	[tilespmem:v48+s22+$0x0] =	vst.idx.msk $0xffff, v35;
	v28 =	vld.idx.msk [tilespmem:v39+s3+$0x0], $0xffff  }
0x322: {  	v38 =	vadd.s32 v7, v26;
	[tilespmem:v45+s22+$0x0] =	vst.idx.msk $0xffff, v42;
	v45 =	vadd.s32 v10, v20;
	v29 =	vld.idx.msk [tilespmem:v46+s3+$0x0], $0xffff  }
0x323: {  	v34 =	vadd.s32 v14, v21;
	v35 =	vand.u32 $0x7C, v20;
	v39 =	vld.idx.msk [tilespmem:v49+s3+$0x0], $0xffff;
	[tilespmem:v44+s22+$0x0] =	vst.idx.msk $0xffff, v50;
	v44 =	vand.u32 $0xFFFFFF80, v45  }
0x324: {  	v26 =	vmov v51;
	v42 =	vor.u32 s5, v4;
	v36 =	vld.idx.msk [tilespmem:v47+s19+$0x0], $0xffff;
	v35 =	vor.u32 v35, v44;
	[tilespmem:v43+s22+$0x0] =	vst.idx.msk $0xffff, v52  }
0x325: {  	_ =	sdelay $0x3  }
0x326: {  	v41 =	vld.idx.msk [tilespmem:v41+s3+$0x0], $0xffff;
	v43 =	vor.u32 s9, v2  }
0x327: {  	v44 =	vadd.s32 v3, v26;
	v30 =	vld.idx.msk [tilespmem:v30+s3+$0x0], $0xffff;
	v45 =	vor.u32 s8, v2  }
0x328: {  	v46 =	vadd.s32 v3, v25;
	_ =	sdelay $0x2  }
0x329: {  	[tilespmem:v43+s22+$0x0] =	vst.idx.msk $0xffff, v41  }
0x32a: {  	v61 =	vor.u32 s9, v4;
	[tilespmem:v45+s22+$0x0] =	vst.idx.msk $0xffff, v30;
	v41 =	vld.idx.msk [tilespmem:v44+s3+$0x0], $0xffff  }
0x32b: {  	v62 =	vadd.s32 v5, v26;
	v48 =	vor.u32 s8, v4;
	v63 =	vld.idx.msk [tilespmem:v46+s3+$0x0], $0xffff;
	_ =	sdelay $0x1  }
0x32c: {  	[tilespmem:v42+s22+$0x0] =	vst.idx.msk $0xffff, v39  }
0x32d: {  	v49 =	vor.u32 s5, v6;
	v24 =	vld.idx.msk [tilespmem:v24+s3+$0x0], $0xffff  }
0x32e: {  	v23 =	vadd.s32 v7, v23;
	[tilespmem:v61+s22+$0x0] =	vst.idx.msk $0xffff, v41  }
0x32f: {  	v50 =	vor.u32 s9, v6;
	[tilespmem:v48+s22+$0x0] =	vst.idx.msk $0xffff, v63;
	v30 =	vld.idx.msk [tilespmem:v62+s3+$0x0], $0xffff  }
0x330: {  	[tilespmem:v40+s22+$0x0] =	vst.idx.msk $0xffff, v37;
	v51 =	vadd.s32 v7, v26;
	v52 =	vor.u32 s8, v6;
	v33 =	vld.idx.msk [tilespmem:v33+s3+$0x0], $0xffff  }
0x331: {  	v53 =	vor.u32 s7, v8;
	v54 =	vadd.s32 v7, v25;
	v38 =	vld.idx.msk [tilespmem:v38+s3+$0x0], $0xffff  }
0x332: {  	v55 =	vor.u32 s7, v9;
	[tilespmem:v49+s22+$0x0] =	vst.idx.msk $0xffff, v24  }
0x333: {  	v56 =	vor.u32 s5, v8;
	v23 =	vld.idx.msk [tilespmem:v23+s3+$0x0], $0xffff  }
0x334: {  	v57 =	vor.u32 s5, v9;
	[tilespmem:v50+s22+$0x0] =	vst.idx.msk $0xffff, v30  }
0x335: {  	v58 =	vor.u32 s9, v8;
	[tilespmem:v52+s22+$0x0] =	vst.idx.msk $0xffff, v33;
	v26 =	vld.idx.msk [tilespmem:v51+s3+$0x0], $0xffff  }
0x336: {  	v59 =	vor.u32 s9, v9;
	v60 =	vor.u32 s8, v8;
	[tilespmem:v53+s22+$0x0] =	vst.idx.msk $0xffff, v38;
	v25 =	vld.idx.msk [tilespmem:v54+s3+$0x0], $0xffff  }
0x337: {  	v38 =	vld.idx.msk [tilespmem:v55+s19+$0x0], $0xffff;
	v61 =	vor.u32 s8, v9  }
0x338: {  	[tilespmem:v56+s22+$0x0] =	vst.idx.msk $0xffff, v23  }
0x339: {  	v47 =	vor.u32 s0, v11;
	[tilespmem:v27+s22+$0x0] =	vst.idx.msk $0xffff, v32;
	v21 =	vadd.s32 v16, v21;
	v63 =	vld.idx.msk [tilespmem:v57+s19+$0x0], $0xffff  }
0x33a: {  	v40 =	vor.u32 s1, v11;
	v34 =	vld.idx.msk [tilespmem:v34+s3+$0x0], $0xffff;
	v45 =	vadd.s32 v14, v19;
	v24 =	vshll.u32 v36, $0x2;
	[tilespmem:v58+s22+$0x0] =	vst.idx.msk $0xffff, v26  }
0x33b: {  	v46 =	vadd.s32 v10, v24;
	v41 =	vor.u32 s16, v15;
	v48 =	vand.u32 $0x7C, v24;
	[tilespmem:v60+s22+$0x0] =	vst.idx.msk $0xffff, v25;
	v33 =	vld.idx.msk [tilespmem:v59+s19+$0x0], $0xffff  }
0x33c: {  	v42 =	vand.u32 $0xFFFFFF80, v46;
	v62 =	vor.u32 s15, v13;
	v37 =	vshll.u32 v38, $0x2;
	v49 =	vld.idx.msk [tilespmem:v61+s19+$0x0], $0xffff  }
0x33d: {  	v31 =	vld.idx.msk [tilespmem:v31+s3+$0x0], $0xffff;
	v30 =	vor.u32 v48, v42;
	v50 =	vadd.s32 v12, v20;
	v51 =	vadd.s32 v10, v37  }
0x33e: {  	v54 =	vand.u32 $0x7C, v37;
	v53 =	vand.u32 $0xFFFFFF80, v51;
	v36 =	vshll.u32 v63, $0x2  }
0x33f: {  	v52 =	vld.idx.msk [tilespmem:v35+s3+$0x0], $0xffff;
	v48 =	vor.u32 s16, v17;
	v32 =	vor.u32 v54, v53;
	v55 =	vadd.s32 v10, v36  }
0x340: {  	[tilespmem:v41+s22+$0x0] =	vst.idx.msk $0xffff, v34;
	v56 =	vand.u32 $0x7C, v36;
	v35 =	vand.u32 $0xFFFFFF80, v55;
	v33 =	vshll.u32 v33, $0x2  }
0x341: {  	v21 =	vld.idx.msk [tilespmem:v21+s3+$0x0], $0xffff;
	v57 =	vor.u32 v56, v35;
	v35 =	vshll.u32 v49, $0x2;
	v58 =	vadd.s32 v10, v33  }
0x342: {  	[tilespmem:v62+s22+$0x0] =	vst.idx.msk $0xffff, v31;
	v62 =	vld.idx.msk [tilespmem:v30+s3+$0x0], $0xffff;
	v60 =	vand.u32 $0x7C, v33;
	v61 =	vadd.s32 v10, v35;
	v31 =	vand.u32 $0xFFFFFF80, v58  }
0x343: {  	v59 =	vld.idx.msk [tilespmem:v45+s3+$0x0], $0xffff;
	v44 =	vand.u32 $0x7C, v35;
	v45 =	vand.u32 $0xFFFFFF80, v61;
	v63 =	vor.u32 v60, v31  }
0x344: {  	[tilespmem:v47+s22+$0x0] =	vst.idx.msk $0xffff, v52;
	v25 =	vor.u32 s15, v15;
	v30 =	vor.u32 v44, v45  }
0x345: {  	[tilespmem:v22+s22+$0x0] =	vst.idx.msk $0xffff, v28;
	v19 =	vadd.s32 v16, v19;
	v46 =	vor.u32 s0, v13;
	v47 =	vld.idx.msk [tilespmem:v50+s3+$0x0], $0xffff  }
0x346: {  	[tilespmem:v18+s22+$0x0] =	vst.idx.msk $0xffff, v29;
	v18 =	vadd.s32 v12, v24;
	v51 =	vor.u32 s5, v11;
	v23 =	vld.idx.msk [tilespmem:v57+s3+$0x0], $0xffff  }
0x347: {  	v53 =	vadd.s32 v12, v36;
	[tilespmem:v48+s22+$0x0] =	vst.idx.msk $0xffff, v21;
	v50 =	vor.u32 s7, v11;
	v49 =	vld.idx.msk [tilespmem:v32+s3+$0x0], $0xffff  }
0x348: {  	v54 =	vor.u32 s9, v11;
	v52 =	vadd.s32 v12, v37;
	[tilespmem:v40+s22+$0x0] =	vst.idx.msk $0xffff, v62;
	v27 =	vld.idx.msk [tilespmem:v63+s3+$0x0], $0xffff  }
0x349: {  	v55 =	vor.u32 s8, v11;
	[tilespmem:v25+s22+$0x0] =	vst.idx.msk $0xffff, v59;
	v56 =	vadd.s32 v12, v33;
	v30 =	vld.idx.msk [tilespmem:v30+s3+$0x0], $0xffff  }
0x34a: {  	[tilespmem:v46+s22+$0x0] =	vst.idx.msk $0xffff, v47;
	v57 =	vor.u32 s15, v17;
	v19 =	vld.idx.msk [tilespmem:v19+s3+$0x0], $0xffff;
	v58 =	vadd.s32 v12, v35  }
0x34b: {  	v18 =	vld.idx.msk [tilespmem:v18+s3+$0x0], $0xffff;
	v59 =	vadd.s32 v14, v20;
	v60 =	vor.u32 s1, v13;
	[tilespmem:v51+s22+$0x0] =	vst.idx.msk $0xffff, v23  }
0x34c: {  	v42 =	vor.u32 s5, v13;
	v61 =	vadd.s32 v14, v24;
	[tilespmem:v50+s22+$0x0] =	vst.idx.msk $0xffff, v49;
	v25 =	vld.idx.msk [tilespmem:v53+s3+$0x0], $0xffff  }
0x34d: {  	v43 =	vadd.s32 v14, v36;
	v62 =	vor.u32 s7, v13;
	v31 =	vld.idx.msk [tilespmem:v52+s3+$0x0], $0xffff;
	[tilespmem:v54+s22+$0x0] =	vst.idx.msk $0xffff, v27  }
0x34e: {  	v44 =	vor.u32 s9, v13;
	v63 =	vadd.s32 v14, v37;
	[tilespmem:v55+s22+$0x0] =	vst.idx.msk $0xffff, v30;
	v38 =	vld.idx.msk [tilespmem:v56+s3+$0x0], $0xffff  }
0x34f: {  	v45 =	vor.u32 s8, v13;
	[tilespmem:v57+s22+$0x0] =	vst.idx.msk $0xffff, v19;
	v19 =	vadd.s32 v14, v33;
	v21 =	vld.idx.msk [tilespmem:v58+s3+$0x0], $0xffff  }
0x350: {  	v46 =	vor.u32 s0, v15;
	v22 =	vld.idx.msk [tilespmem:v59+s3+$0x0], $0xffff;
	[tilespmem:v60+s22+$0x0] =	vst.idx.msk $0xffff, v18;
	v18 =	vadd.s32 v14, v35  }
0x351: {  	v48 =	vadd.s32 v16, v20;
	v47 =	vor.u32 s1, v15;
	v28 =	vld.idx.msk [tilespmem:v61+s3+$0x0], $0xffff;
	[tilespmem:v42+s22+$0x0] =	vst.idx.msk $0xffff, v25  }
0x352: {  	v24 =	vadd.s32 v16, v24;
	v50 =	vor.u32 s5, v15;
	[tilespmem:v62+s22+$0x0] =	vst.idx.msk $0xffff, v31;
	v26 =	vld.idx.msk [tilespmem:v43+s3+$0x0], $0xffff  }
0x353: {  	v49 =	vor.u32 s7, v15;
	v52 =	vadd.s32 v16, v36;
	v23 =	vld.idx.msk [tilespmem:v63+s3+$0x0], $0xffff;
	[tilespmem:v44+s22+$0x0] =	vst.idx.msk $0xffff, v38  }
0x354: {  	v51 =	vadd.s32 v16, v37;
	v53 =	vor.u32 s9, v15;
	[tilespmem:v45+s22+$0x0] =	vst.idx.msk $0xffff, v21;
	v19 =	vld.idx.msk [tilespmem:v19+s3+$0x0], $0xffff  }
0x355: {  	[tilespmem:v46+s22+$0x0] =	vst.idx.msk $0xffff, v22;
	v54 =	vor.u32 s8, v15;
	v55 =	vadd.s32 v16, v33;
	v18 =	vld.idx.msk [tilespmem:v18+s3+$0x0], $0xffff  }
0x356: {  	v57 =	vadd.s32 v16, v35;
	v20 =	vld.idx.msk [tilespmem:v48+s3+$0x0], $0xffff;
	v56 =	vor.u32 s0, v17;
	[tilespmem:v47+s22+$0x0] =	vst.idx.msk $0xffff, v28  }
0x357: {  	v58 =	vor.u32 s1, v17;
	v24 =	vld.idx.msk [tilespmem:v24+s3+$0x0], $0xffff;
	[tilespmem:v50+s22+$0x0] =	vst.idx.msk $0xffff, v26  }
0x358: {  	v61 =	vor.u32 s5, v17;
	[tilespmem:v49+s22+$0x0] =	vst.idx.msk $0xffff, v23;
	v62 =	vld.idx.msk [tilespmem:v52+s3+$0x0], $0xffff  }
0x359: {  	v59 =	vor.u32 s7, v17;
	v60 =	vld.idx.msk [tilespmem:v51+s3+$0x0], $0xffff;
	[tilespmem:v53+s22+$0x0] =	vst.idx.msk $0xffff, v19  }
0x35a: {  	v19 =	vor.u32 s9, v17;
	[tilespmem:v54+s22+$0x0] =	vst.idx.msk $0xffff, v18;
	v18 =	vld.idx.msk [tilespmem:v55+s3+$0x0], $0xffff  }
0x35b: {  	v63 =	vor.u32 s8, v17;
	[tilespmem:v56+s22+$0x0] =	vst.idx.msk $0xffff, v20;
	v21 =	vld.idx.msk [tilespmem:v57+s3+$0x0], $0xffff  }
0x35c: {  	[tilespmem:v58+s22+$0x0] =	vst.idx.msk $0xffff, v24  }
0x35d: {  	[tilespmem:v61+s22+$0x0] =	vst.idx.msk $0xffff, v62  }
0x35e: {  	[tilespmem:v59+s22+$0x0] =	vst.idx.msk $0xffff, v60  }
0x35f: {  	[tilespmem:v19+s22+$0x0] =	vst.idx.msk $0xffff, v18  }
0x360: {  	[tilespmem:v63+s22+$0x0] =	vst.idx.msk $0xffff, v21  }
0x361: {  	s31 =	rddreg [dreg:$0x9]  }
0x362: {  	[hbm4b:s31+s3] =	stream.linear.scatter [tilespmem:s22], [sflag:$0x3], $0x5400, $0x38;
	[tilespmem:$0x1D000] =	vst v63  }
0x363: {  	_ =	swait.ge [sflag:s25], $0x5400  }
.Ltmp8:
0x364: {  	[sflag:s25] =	ssyncset.done $0x0;
	(pc) =	sbr.rel @p0 .LBB2_17-.Ltmp8, $4  }
0x365: {  	[sflag:s25] =	ssyncadd.s32 $0xFFFFAC00  }
0x366: {  	_ =	swait.ge [sflag:s26], $0x5400  }
0x367: {  	[sflag:s26] =	ssyncset.done $0x0  }
0x368: {  	[sflag:s26] =	ssyncadd.s32 $0xFFFFAC00  }
0x369: {  	s11 =	simm.s32 $0x80  }
0x36a: {  	s0 =	simm.s32 $0x0;
	s1 =	rddreg [dreg:$0xa];
	v18 =	vor.u32 s11, v0  }
0x36b: {  	[tilespmem:s19], [sflag:$0x5] =	stream.linear.gather [hbm4b:s1+s0], $0x1000, $0x38;
	[tilespmem:$0x1D000] =	vst v63  }
0x36c: {  	_ =	swait.ge [sflag:s18], $0x1000  }
0x36d: {  	[sflag:s18] =	ssyncset.done $0x0  }
0x36e: {  	[sflag:s18] =	ssyncadd.s32 $0xFFFFF000  }
0x36f: {  	v18 =	vld.idx.msk [tilespmem:v18+s19+$0x0], $0xffff;
	_ =	sdelay $0x1  }
0x370: {  	s10 =	simm.s32 $0x0  }
0x371: {  	v19 =	vor.u32 s10, v0;
	_ =	sdelay $0x1  }
0x372: {  	v18 =	vshll.u32 v18, $0x2  }
0x373: {  	v20 =	vadd.s32 v1, v18  }
0x374: {  	v21 =	vand.u32 $0x7C, v18;
	v20 =	vand.u32 $0xFFFFFF80, v20  }
0x375: {  	v19 =	vld.idx.msk [tilespmem:v19+s19+$0x0], $0xffff;
	v20 =	vor.u32 v21, v20;
	_ =	sdelay $0x2  }
0x376: {  	s16 =	simm.s32 $0x180  }
0x377: {  	v21 =	vor.u32 s16, v0  }
0x378: {  	v22 =	vor.u32 s11, v2;
	v19 =	vshll.u32 v19, $0x2;
	v20 =	vld.idx.msk [tilespmem:v20+s3+$0x0], $0xffff  }
0x379: {  	v23 =	vadd.s32 v1, v19;
	v24 =	vadd.s32 v3, v18  }
0x37a: {  	v25 =	vand.u32 $0x7C, v19;
	v23 =	vand.u32 $0xFFFFFF80, v23  }
0x37b: {  	v23 =	vor.u32 v25, v23  }
0x37c: {  	v21 =	vld.idx.msk [tilespmem:v21+s19+$0x0], $0xffff  }
0x37d: {  	s15 =	simm.s32 $0x100;
	[tilespmem:v22+s22+$0x0] =	vst.idx.msk $0xffff, v20  }
0x37e: {  	v20 =	vor.u32 s15, v0;
	v22 =	vld.idx.msk [tilespmem:v24+s3+$0x0], $0xffff;
	v24 =	vor.u32 s11, v4  }
0x37f: {  	v25 =	vadd.s32 v5, v18  }
0x380: {  	v26 =	vor.u32 s10, v2;
	v23 =	vld.idx.msk [tilespmem:v23+s3+$0x0], $0xffff  }
0x381: {  	v27 =	vadd.s32 v3, v19;
	v21 =	vshll.u32 v21, $0x2  }
0x382: {  	v28 =	vadd.s32 v1, v21  }
0x383: {  	v29 =	vand.u32 $0x7C, v21;
	v20 =	vld.idx.msk [tilespmem:v20+s19+$0x0], $0xffff;
	[tilespmem:v24+s22+$0x0] =	vst.idx.msk $0xffff, v22;
	v22 =	vand.u32 $0xFFFFFF80, v28  }
0x384: {  	v24 =	vld.idx.msk [tilespmem:v25+s3+$0x0], $0xffff;
	v22 =	vor.u32 v29, v22;
	v25 =	vor.u32 s11, v6  }
0x385: {  	v18 =	vadd.s32 v7, v18;
	[tilespmem:v26+s22+$0x0] =	vst.idx.msk $0xffff, v23  }
0x386: {  	v26 =	vor.u32 s10, v4;
	v23 =	vld.idx.msk [tilespmem:v27+s3+$0x0], $0xffff  }
0x387: {  	v27 =	vadd.s32 v5, v19  }
0x388: {  	s0 =	simm.s32 $0x280  }
0x389: {  	v28 =	vshll.u32 v20, $0x2;
	v20 =	vld.idx.msk [tilespmem:v22+s3+$0x0], $0xffff;
	[tilespmem:v25+s22+$0x0] =	vst.idx.msk $0xffff, v24;
	v22 =	vor.u32 s0, v0;
	v24 =	vor.u32 s16, v2  }
0x38a: {  	v30 =	vor.u32 s11, v8;
	v29 =	vadd.s32 v3, v21;
	v25 =	vadd.s32 v1, v28;
	v18 =	vld.idx.msk [tilespmem:v18+s3+$0x0], $0xffff  }
0x38b: {  	[tilespmem:v26+s22+$0x0] =	vst.idx.msk $0xffff, v23;
	v23 =	vor.u32 s11, v9;
	v31 =	vand.u32 $0x7C, v28;
	v25 =	vand.u32 $0xFFFFFF80, v25  }
0x38c: {  	v26 =	vld.idx.msk [tilespmem:v27+s3+$0x0], $0xffff;
	v27 =	vor.u32 s10, v6;
	v25 =	vor.u32 v31, v25  }
0x38d: {  	v19 =	vadd.s32 v7, v19  }
0x38e: {  	s1 =	simm.s32 $0x200;
	v22 =	vld.idx.msk [tilespmem:v22+s19+$0x0], $0xffff;
	[tilespmem:v24+s22+$0x0] =	vst.idx.msk $0xffff, v20  }
0x38f: {  	v20 =	vor.u32 s1, v0;
	v24 =	vld.idx.msk [tilespmem:v29+s3+$0x0], $0xffff;
	[tilespmem:v30+s22+$0x0] =	vst.idx.msk $0xffff, v18  }
0x390: {  	v18 =	vor.u32 s16, v4;
	v23 =	vld.idx.msk [tilespmem:v23+s19+$0x0], $0xffff  }
0x391: {  	[tilespmem:v27+s22+$0x0] =	vst.idx.msk $0xffff, v26;
	v29 =	vadd.s32 v5, v21;
	v30 =	vor.u32 s15, v2;
	v25 =	vld.idx.msk [tilespmem:v25+s3+$0x0], $0xffff  }
0x392: {  	v26 =	vor.u32 s10, v8;
	v27 =	vadd.s32 v3, v28;
	v19 =	vld.idx.msk [tilespmem:v19+s3+$0x0], $0xffff  }
0x393: {  	v31 =	vor.u32 s10, v9;
	v22 =	vshll.u32 v22, $0x2  }
0x394: {  	v32 =	vld.idx.msk [tilespmem:v20+s19+$0x0], $0xffff;
	v20 =	vadd.s32 v1, v22  }
0x395: {  	[tilespmem:v18+s22+$0x0] =	vst.idx.msk $0xffff, v24;
	v18 =	vand.u32 $0x7C, v22;
	v24 =	vand.u32 $0xFFFFFF80, v20  }
0x396: {  	v29 =	vld.idx.msk [tilespmem:v29+s3+$0x0], $0xffff;
	v20 =	vshll.u32 v23, $0x2;
	v23 =	vor.u32 s16, v6;
	[tilespmem:v30+s22+$0x0] =	vst.idx.msk $0xffff, v25;
	v18 =	vor.u32 v18, v24  }
0x397: {  	v21 =	vadd.s32 v7, v21;
	[tilespmem:v26+s22+$0x0] =	vst.idx.msk $0xffff, v19;
	v25 =	vld.idx.msk [tilespmem:v27+s3+$0x0], $0xffff  }
0x398: {  	s7 =	simm.s32 $0x380;
	v26 =	vor.u32 s15, v4;
	v24 =	vadd.s32 v10, v20;
	v27 =	vld.idx.msk [tilespmem:v31+s19+$0x0], $0xffff  }
0x399: {  	v31 =	vor.u32 s7, v0;
	v19 =	vand.u32 $0xFFFFFF80, v24;
	v24 =	vand.u32 $0x7C, v20  }
0x39a: {  	v19 =	vor.u32 v24, v19;
	v24 =	vadd.s32 v5, v28;
	v30 =	vshll.u32 v32, $0x2  }
0x39b: {  	v35 =	vor.u32 s16, v8;
	v32 =	vadd.s32 v1, v30;
	[tilespmem:v23+s22+$0x0] =	vst.idx.msk $0xffff, v29;
	v23 =	vor.u32 s0, v2;
	v18 =	vld.idx.msk [tilespmem:v18+s3+$0x0], $0xffff  }
0x39c: {  	v34 =	vadd.s32 v3, v22;
	v29 =	vand.u32 $0x7C, v30;
	v32 =	vand.u32 $0xFFFFFF80, v32;
	v21 =	vld.idx.msk [tilespmem:v21+s3+$0x0], $0xffff  }
0x39d: {  	s5 =	simm.s32 $0x300;
	[tilespmem:v26+s22+$0x0] =	vst.idx.msk $0xffff, v25;
	v26 =	vshll.u32 v27, $0x2;
	v27 =	vor.u32 v29, v32  }
0x39e: {  	v33 =	vor.u32 s5, v0;
	v63 =	vor.u32 s11, v11;
	v25 =	vor.u32 s16, v9;
	v31 =	vld.idx.msk [tilespmem:v31+s19+$0x0], $0xffff  }
0x39f: {  	v45 =	vor.u32 s10, v11;
	v29 =	vor.u32 s15, v6;
	v62 =	vadd.s32 v10, v26;
	v24 =	vld.idx.msk [tilespmem:v24+s3+$0x0], $0xffff  }
0x3a0: {  	v28 =	vadd.s32 v7, v28;
	v36 =	vand.u32 $0x7C, v26;
	v19 =	vld.idx.msk [tilespmem:v19+s3+$0x0], $0xffff;
	v32 =	vand.u32 $0xFFFFFF80, v62;
	[tilespmem:v23+s22+$0x0] =	vst.idx.msk $0xffff, v18  }
0x3a1: {  	s8 =	simm.s32 $0x400;
	v46 =	vor.u32 s11, v13;
	v18 =	vor.u32 v36, v32;
	[tilespmem:v35+s22+$0x0] =	vst.idx.msk $0xffff, v21;
	v21 =	vor.u32 s0, v4;
	v34 =	vld.idx.msk [tilespmem:v34+s3+$0x0], $0xffff  }
0x3a2: {  	v38 =	vor.u32 s15, v9;
	v53 =	vor.u32 s8, v0;
	v37 =	vadd.s32 v5, v22;
	v27 =	vld.idx.msk [tilespmem:v27+s3+$0x0], $0xffff  }
0x3a3: {  	v54 =	vor.u32 s7, v2;
	v40 =	vor.u32 s1, v2;
	v39 =	vadd.s32 v12, v20;
	v25 =	vld.idx.msk [tilespmem:v25+s19+$0x0], $0xffff  }
0x3a4: {  	v56 =	vor.u32 s10, v13;
	v44 =	vor.u32 s11, v15;
	v33 =	vld.idx.msk [tilespmem:v33+s19+$0x0], $0xffff;
	[tilespmem:v29+s22+$0x0] =	vst.idx.msk $0xffff, v24;
	v29 =	vadd.s32 v3, v30  }
0x3a5: {  	v60 =	vor.u32 s16, v11;
	v42 =	vshll.u32 v31, $0x2;
	v24 =	vor.u32 s15, v8;
	v28 =	vld.idx.msk [tilespmem:v28+s3+$0x0], $0xffff  }
0x3a6: {  	v61 =	vor.u32 s10, v15;
	v49 =	vor.u32 s0, v6;
	v47 =	vadd.s32 v1, v42;
	v18 =	vld.idx.msk [tilespmem:v18+s3+$0x0], $0xffff;
	[tilespmem:v21+s22+$0x0] =	vst.idx.msk $0xffff, v34  }
0x3a7: {  	v31 =	vadd.s32 v12, v26;
	v43 =	vand.u32 $0x7C, v42;
	[tilespmem:v63+s22+$0x0] =	vst.idx.msk $0xffff, v19;
	v21 =	vand.u32 $0xFFFFFF80, v47;
	v19 =	vld.idx.msk [tilespmem:v37+s3+$0x0], $0xffff  }
0x3a8: {  	v50 =	vor.u32 s1, v4;
	[tilespmem:v40+s22+$0x0] =	vst.idx.msk $0xffff, v27;
	v48 =	vor.u32 v43, v21;
	v21 =	vshll.u32 v25, $0x2;
	v25 =	vld.idx.msk [tilespmem:v39+s3+$0x0], $0xffff  }
0x3a9: {  	v58 =	vor.u32 s0, v8;
	v22 =	vadd.s32 v7, v22;
	v52 =	vadd.s32 v5, v30;
	v29 =	vld.idx.msk [tilespmem:v29+s3+$0x0], $0xffff  }
0x3aa: {  	v39 =	vld.idx.msk [tilespmem:v53+s19+$0x0], $0xffff;
	v27 =	vadd.s32 v10, v21;
	[tilespmem:v24+s22+$0x0] =	vst.idx.msk $0xffff, v28;
	v28 =	vadd.s32 v14, v20  }
0x3ab: {  	v23 =	vshll.u32 v33, $0x2;
	v24 =	vand.u32 $0xFFFFFF80, v27;
	v27 =	vand.u32 $0x7C, v21;
	v51 =	vld.idx.msk [tilespmem:v38+s19+$0x0], $0xffff;
	[tilespmem:v45+s22+$0x0] =	vst.idx.msk $0xffff, v18  }
0x3ac: {  	s9 =	simm.s32 $0x480;
	v41 =	vadd.s32 v1, v23;
	v27 =	vor.u32 v27, v24;
	v31 =	vld.idx.msk [tilespmem:v31+s3+$0x0], $0xffff;
	[tilespmem:v49+s22+$0x0] =	vst.idx.msk $0xffff, v19  }
0x3ad: {  	v18 =	vand.u32 $0x7C, v23;
	v24 =	vand.u32 $0xFFFFFF80, v41;
	v32 =	vld.idx.msk [tilespmem:v48+s3+$0x0], $0xffff;
	[tilespmem:v46+s22+$0x0] =	vst.idx.msk $0xffff, v25;
	v25 =	vor.u32 s9, v0  }
0x3ae: {  	v59 =	vadd.s32 v14, v26;
	v57 =	vadd.s32 v3, v42;
	v38 =	vor.u32 v18, v24;
	v55 =	vld.idx.msk [tilespmem:v22+s3+$0x0], $0xffff  }
0x3af: {  	v30 =	vadd.s32 v7, v30;
	v63 =	vor.u32 s7, v4;
	v40 =	vor.u32 s7, v6;
	[tilespmem:v50+s22+$0x0] =	vst.idx.msk $0xffff, v29;
	v28 =	vld.idx.msk [tilespmem:v28+s3+$0x0], $0xffff  }
0x3b0: {  	v43 =	vor.u32 s15, v11;
	v53 =	vadd.s32 v12, v21;
	v35 =	vld.idx.msk [tilespmem:v52+s3+$0x0], $0xffff;
	v19 =	vshll.u32 v51, $0x2  }
0x3b1: {  	v45 =	vor.u32 s1, v6;
	v29 =	vor.u32 s0, v9;
	v27 =	vld.idx.msk [tilespmem:v27+s3+$0x0], $0xffff;
	v46 =	vadd.s32 v10, v19  }
0x3b2: {  	v24 =	vadd.s32 v5, v23;
	v47 =	vand.u32 $0x7C, v19;
	[tilespmem:v56+s22+$0x0] =	vst.idx.msk $0xffff, v31;
	v48 =	vld.idx.msk [tilespmem:v25+s19+$0x0], $0xffff;
	v25 =	vand.u32 $0xFFFFFF80, v46  }
0x3b3: {  	v18 =	vor.u32 s10, v17;
	v49 =	vor.u32 s5, v2;
	v38 =	vld.idx.msk [tilespmem:v38+s3+$0x0], $0xffff;
	[tilespmem:v54+s22+$0x0] =	vst.idx.msk $0xffff, v32;
	v62 =	vor.u32 v47, v25  }
0x3b4: {  	v56 =	vadd.s32 v16, v26;
	v31 =	vadd.s32 v12, v19;
	v32 =	vld.idx.msk [tilespmem:v57+s3+$0x0], $0xffff;
	[tilespmem:v58+s22+$0x0] =	vst.idx.msk $0xffff, v55  }
0x3b5: {  	v34 =	vld.idx.msk [tilespmem:v59+s3+$0x0], $0xffff;
	v54 =	vadd.s32 v16, v20;
	[tilespmem:v44+s22+$0x0] =	vst.idx.msk $0xffff, v28;
	v57 =	vadd.s32 v3, v23  }
0x3b6: {  	v22 =	vor.u32 s11, v17;
	v28 =	vadd.s32 v5, v42;
	[tilespmem:v45+s22+$0x0] =	vst.idx.msk $0xffff, v35;
	v25 =	vshll.u32 v39, $0x2;
	v29 =	vld.idx.msk [tilespmem:v29+s19+$0x0], $0xffff  }
0x3b7: {  	v52 =	vor.u32 s1, v9;
	v55 =	vor.u32 s1, v8;
	v50 =	vld.idx.msk [tilespmem:v30+s3+$0x0], $0xffff;
	v20 =	vadd.s32 v1, v25;
	[tilespmem:v60+s22+$0x0] =	vst.idx.msk $0xffff, v27  }
0x3b8: {  	v27 =	vand.u32 $0x7C, v25;
	v20 =	vand.u32 $0xFFFFFF80, v20;
	[tilespmem:v49+s22+$0x0] =	vst.idx.msk $0xffff, v38;
	v26 =	vshll.u32 v48, $0x2;
	v58 =	vld.idx.msk [tilespmem:v62+s3+$0x0], $0xffff  }
0x3b9: {  	v30 =	vor.u32 v27, v20;
	v59 =	vadd.s32 v1, v26;
	[tilespmem:v63+s22+$0x0] =	vst.idx.msk $0xffff, v32;
	v32 =	vld.idx.msk [tilespmem:v53+s3+$0x0], $0xffff  }
0x3ba: {  	v27 =	vor.u32 s16, v13;
	v60 =	vand.u32 $0x7C, v26;
	v39 =	vld.idx.msk [tilespmem:v57+s3+$0x0], $0xffff;
	v20 =	vand.u32 $0xFFFFFF80, v59  }
0x3bb: {  	v33 =	vadd.s32 v5, v25;
	v37 =	vld.idx.msk [tilespmem:v28+s3+$0x0], $0xffff;
	v41 =	vor.u32 v60, v20;
	v20 =	vshll.u32 v29, $0x2  }
0x3bc: {  	v38 =	vadd.s32 v7, v42;
	[tilespmem:v61+s22+$0x0] =	vst.idx.msk $0xffff, v34;
	v28 =	vld.idx.msk [tilespmem:v54+s3+$0x0], $0xffff;
	v61 =	vadd.s32 v10, v20  }
0x3bd: {  	v34 =	vadd.s32 v14, v21;
	[tilespmem:v55+s22+$0x0] =	vst.idx.msk $0xffff, v50;
	v29 =	vld.idx.msk [tilespmem:v56+s3+$0x0], $0xffff;
	v63 =	vand.u32 $0x7C, v20;
	v62 =	vand.u32 $0xFFFFFF80, v61  }
0x3be: {  	s10 =	simm.s32 $0xA;
	v42 =	vor.u32 s5, v4;
	v36 =	vld.idx.msk [tilespmem:v52+s19+$0x0], $0xffff;
	v35 =	vor.u32 v63, v62;
	[tilespmem:v43+s22+$0x0] =	vst.idx.msk $0xffff, v58  }
.LBB2_15:
0x3bf: {  	s11 =	sshll.u32 s10, $0x7;
	p1 =	slt.u32 s10, $0x1E;
	s10 =	sadd.s32 $0x2, s10;
	v31 =	vld.idx.msk [tilespmem:v31+s3+$0x0], $0xffff;
	[tilespmem:v27+s22+$0x0] =	vst.idx.msk $0xffff, v32  }
0x3c0: {  	v27 =	vor.u32 s11, v0;
	s14 =	sadd.s32 $0x80, s11;
	v32 =	vld.idx.msk [tilespmem:v41+s3+$0x0], $0xffff;
	[tilespmem:v40+s22+$0x0] =	vst.idx.msk $0xffff, v37;
	v37 =	vor.u32 s15, v13  }
0x3c1: {  	v41 =	vor.u32 s9, v2;
	v40 =	vor.u32 s14, v0;
	v38 =	vld.idx.msk [tilespmem:v38+s3+$0x0], $0xffff;
	[tilespmem:v22+s22+$0x0] =	vst.idx.msk $0xffff, v28  }
0x3c2: {  	v43 =	vor.u32 s7, v8;
	v28 =	vadd.s32 v3, v26;
	v34 =	vld.idx.msk [tilespmem:v34+s3+$0x0], $0xffff;
	[tilespmem:v18+s22+$0x0] =	vst.idx.msk $0xffff, v29;
	v18 =	vor.u32 s15, v17  }
0x3c3: {  	v29 =	vor.u32 s7, v9;
	[tilespmem:v42+s22+$0x0] =	vst.idx.msk $0xffff, v39;
	v35 =	vld.idx.msk [tilespmem:v35+s3+$0x0], $0xffff;
	v39 =	vadd.s32 v14, v19;
	v42 =	vor.u32 s16, v15  }
0x3c4: {  	v45 =	vor.u32 s0, v11;
	v22 =	vor.u32 s16, v17;
	v36 =	vshll.u32 v36, $0x2;
	s16 =	smov.u32 s0;
	s0 =	smov.u32 s7;
	s7 =	smov.u32 s9;
	v44 =	vld.idx.msk [tilespmem:v24+s3+$0x0], $0xffff;
	v24 =	vmovc v33  }
0x3c5: {  	v46 =	vor.u32 s5, v6;
	s9 =	smov.u32 s14;
	v47 =	vand.u32 $0x7C, v36;
	v33 =	vld.idx.msk [tilespmem:v27+s19+$0x0], $0xffff;
	v27 =	vadd.s32 v10, v36;
	[tilespmem:v37+s22+$0x0] =	vst.idx.msk $0xffff, v31  }
0x3c6: {  	v23 =	vadd.s32 v7, v23;
	v48 =	vor.u32 s15, v15;
	s15 =	smov.u32 s1;
	s1 =	smov.u32 s5;
	s5 =	smov.u32 s8;
	v37 =	vld.idx.msk [tilespmem:v40+s19+$0x0], $0xffff;
	[tilespmem:v41+s22+$0x0] =	vst.idx.msk $0xffff, v32;
	v27 =	vand.u32 $0xFFFFFF80, v27  }
0x3c7: {  	s8 =	smov.u32 s11;
	v28 =	vld.idx.msk [tilespmem:v28+s3+$0x0], $0xffff;
	[tilespmem:v43+s22+$0x0] =	vst.idx.msk $0xffff, v38;
	v32 =	vor.u32 v47, v27;
	v43 =	vor.u32 s15, v11;
	v27 =	vor.u32 s16, v13  }
0x3c8: {  	v40 =	vadd.s32 v12, v20;
	v38 =	vor.u32 s7, v4;
	v47 =	vor.u32 s1, v9;
	v29 =	vld.idx.msk [tilespmem:v29+s19+$0x0], $0xffff;
	[tilespmem:v42+s22+$0x0] =	vst.idx.msk $0xffff, v34  }
0x3c9: {  	v34 =	vadd.s32 v5, v26;
	[tilespmem:v45+s22+$0x0] =	vst.idx.msk $0xffff, v35;
	v35 =	vld.idx.msk [tilespmem:v39+s3+$0x0], $0xffff;
	v39 =	vadd.s32 v16, v21  }
0x3ca: {  	v45 =	vor.u32 s5, v2;
	v42 =	vld.idx.msk [tilespmem:v30+s3+$0x0], $0xffff;
	[tilespmem:v46+s22+$0x0] =	vst.idx.msk $0xffff, v44;
	v44 =	vor.u32 s1, v8;
	v46 =	vadd.s32 v16, v19  }
0x3cb: {  	v49 =	vadd.s32 v3, v25;
	v31 =	vadd.s32 v12, v36;
	v21 =	vshll.u32 v33, $0x2;
	v19 =	vmovc v36;
	v50 =	vld.idx.msk [tilespmem:v23+s3+$0x0], $0xffff  }
0x3cc: {  	v30 =	vadd.s32 v1, v21;
	v33 =	vand.u32 $0x7C, v21;
	v51 =	vshll.u32 v37, $0x2;
	v23 =	vmovc v25;
	v25 =	vmovc v21;
	v52 =	vld.idx.msk [tilespmem:v32+s3+$0x0], $0xffff  }
0x3cd: {  	v53 =	vand.u32 $0xFFFFFF80, v30;
	v36 =	vadd.s32 v1, v51;
	v41 =	vand.u32 $0x7C, v51;
	[tilespmem:v38+s22+$0x0] =	vst.idx.msk $0xffff, v28;
	v32 =	vld.idx.msk [tilespmem:v40+s3+$0x0], $0xffff  }
.Ltmp9:
0x3ce: {  	v30 =	vor.u32 v33, v53;
	v33 =	vadd.s32 v5, v25;
	v28 =	vand.u32 $0xFFFFFF80, v36;
	v21 =	vmovc v20;
	v37 =	vld.idx.msk [tilespmem:v34+s3+$0x0], $0xffff;
	(pc) =	sbr.rel @p1 .LBB2_15-.Ltmp9, $4  }
0x3cf: {  	v40 =	vor.u32 s7, v6;
	v20 =	vshll.u32 v29, $0x2;
	v41 =	vor.u32 v41, v28;
	[tilespmem:v48+s22+$0x0] =	vst.idx.msk $0xffff, v35;
	v28 =	vld.idx.msk [tilespmem:v39+s3+$0x0], $0xffff  }
0x3d0: {  	v38 =	vadd.s32 v7, v26;
	[tilespmem:v45+s22+$0x0] =	vst.idx.msk $0xffff, v42;
	v45 =	vadd.s32 v10, v20;
	v29 =	vld.idx.msk [tilespmem:v46+s3+$0x0], $0xffff  }
0x3d1: {  	v34 =	vadd.s32 v14, v21;
	v35 =	vand.u32 $0x7C, v20;
	v39 =	vld.idx.msk [tilespmem:v49+s3+$0x0], $0xffff;
	[tilespmem:v44+s22+$0x0] =	vst.idx.msk $0xffff, v50;
	v44 =	vand.u32 $0xFFFFFF80, v45  }
0x3d2: {  	v26 =	vmov v51;
	v42 =	vor.u32 s5, v4;
	v36 =	vld.idx.msk [tilespmem:v47+s19+$0x0], $0xffff;
	v35 =	vor.u32 v35, v44;
	[tilespmem:v43+s22+$0x0] =	vst.idx.msk $0xffff, v52  }
0x3d3: {  	_ =	sdelay $0x3  }
0x3d4: {  	v41 =	vld.idx.msk [tilespmem:v41+s3+$0x0], $0xffff;
	v43 =	vor.u32 s9, v2  }
0x3d5: {  	v44 =	vadd.s32 v3, v26;
	v30 =	vld.idx.msk [tilespmem:v30+s3+$0x0], $0xffff;
	v45 =	vor.u32 s8, v2  }
0x3d6: {  	v46 =	vadd.s32 v3, v25;
	_ =	sdelay $0x2  }
0x3d7: {  	[tilespmem:v43+s22+$0x0] =	vst.idx.msk $0xffff, v41  }
0x3d8: {  	v61 =	vor.u32 s9, v4;
	[tilespmem:v45+s22+$0x0] =	vst.idx.msk $0xffff, v30;
	v41 =	vld.idx.msk [tilespmem:v44+s3+$0x0], $0xffff  }
0x3d9: {  	v62 =	vadd.s32 v5, v26;
	v48 =	vor.u32 s8, v4;
	v63 =	vld.idx.msk [tilespmem:v46+s3+$0x0], $0xffff;
	_ =	sdelay $0x1  }
0x3da: {  	[tilespmem:v42+s22+$0x0] =	vst.idx.msk $0xffff, v39  }
0x3db: {  	v49 =	vor.u32 s5, v6;
	v24 =	vld.idx.msk [tilespmem:v24+s3+$0x0], $0xffff  }
0x3dc: {  	v23 =	vadd.s32 v7, v23;
	[tilespmem:v61+s22+$0x0] =	vst.idx.msk $0xffff, v41  }
0x3dd: {  	v50 =	vor.u32 s9, v6;
	[tilespmem:v48+s22+$0x0] =	vst.idx.msk $0xffff, v63;
	v30 =	vld.idx.msk [tilespmem:v62+s3+$0x0], $0xffff  }
0x3de: {  	[tilespmem:v40+s22+$0x0] =	vst.idx.msk $0xffff, v37;
	v51 =	vadd.s32 v7, v26;
	v52 =	vor.u32 s8, v6;
	v33 =	vld.idx.msk [tilespmem:v33+s3+$0x0], $0xffff  }
0x3df: {  	v53 =	vor.u32 s7, v8;
	v54 =	vadd.s32 v7, v25;
	v38 =	vld.idx.msk [tilespmem:v38+s3+$0x0], $0xffff  }
0x3e0: {  	v55 =	vor.u32 s7, v9;
	[tilespmem:v49+s22+$0x0] =	vst.idx.msk $0xffff, v24  }
0x3e1: {  	v56 =	vor.u32 s5, v8;
	v23 =	vld.idx.msk [tilespmem:v23+s3+$0x0], $0xffff  }
0x3e2: {  	v57 =	vor.u32 s5, v9;
	[tilespmem:v50+s22+$0x0] =	vst.idx.msk $0xffff, v30  }
0x3e3: {  	v58 =	vor.u32 s9, v8;
	[tilespmem:v52+s22+$0x0] =	vst.idx.msk $0xffff, v33;
	v26 =	vld.idx.msk [tilespmem:v51+s3+$0x0], $0xffff  }
0x3e4: {  	v59 =	vor.u32 s9, v9;
	v60 =	vor.u32 s8, v8;
	[tilespmem:v53+s22+$0x0] =	vst.idx.msk $0xffff, v38;
	v25 =	vld.idx.msk [tilespmem:v54+s3+$0x0], $0xffff  }
0x3e5: {  	v38 =	vld.idx.msk [tilespmem:v55+s19+$0x0], $0xffff;
	v61 =	vor.u32 s8, v9  }
0x3e6: {  	[tilespmem:v56+s22+$0x0] =	vst.idx.msk $0xffff, v23  }
0x3e7: {  	v47 =	vor.u32 s0, v11;
	[tilespmem:v27+s22+$0x0] =	vst.idx.msk $0xffff, v32;
	v21 =	vadd.s32 v16, v21;
	v63 =	vld.idx.msk [tilespmem:v57+s19+$0x0], $0xffff  }
0x3e8: {  	v40 =	vor.u32 s1, v11;
	v34 =	vld.idx.msk [tilespmem:v34+s3+$0x0], $0xffff;
	v45 =	vadd.s32 v14, v19;
	v24 =	vshll.u32 v36, $0x2;
	[tilespmem:v58+s22+$0x0] =	vst.idx.msk $0xffff, v26  }
0x3e9: {  	v46 =	vadd.s32 v10, v24;
	v41 =	vor.u32 s16, v15;
	v48 =	vand.u32 $0x7C, v24;
	[tilespmem:v60+s22+$0x0] =	vst.idx.msk $0xffff, v25;
	v33 =	vld.idx.msk [tilespmem:v59+s19+$0x0], $0xffff  }
0x3ea: {  	v42 =	vand.u32 $0xFFFFFF80, v46;
	v62 =	vor.u32 s15, v13;
	v37 =	vshll.u32 v38, $0x2;
	v49 =	vld.idx.msk [tilespmem:v61+s19+$0x0], $0xffff  }
0x3eb: {  	v31 =	vld.idx.msk [tilespmem:v31+s3+$0x0], $0xffff;
	v30 =	vor.u32 v48, v42;
	v50 =	vadd.s32 v12, v20;
	v51 =	vadd.s32 v10, v37  }
0x3ec: {  	v54 =	vand.u32 $0x7C, v37;
	v53 =	vand.u32 $0xFFFFFF80, v51;
	v36 =	vshll.u32 v63, $0x2  }
0x3ed: {  	v52 =	vld.idx.msk [tilespmem:v35+s3+$0x0], $0xffff;
	v48 =	vor.u32 s16, v17;
	v32 =	vor.u32 v54, v53;
	v55 =	vadd.s32 v10, v36  }
0x3ee: {  	[tilespmem:v41+s22+$0x0] =	vst.idx.msk $0xffff, v34;
	v56 =	vand.u32 $0x7C, v36;
	v35 =	vand.u32 $0xFFFFFF80, v55;
	v33 =	vshll.u32 v33, $0x2  }
0x3ef: {  	v21 =	vld.idx.msk [tilespmem:v21+s3+$0x0], $0xffff;
	v57 =	vor.u32 v56, v35;
	v35 =	vshll.u32 v49, $0x2;
	v58 =	vadd.s32 v10, v33  }
0x3f0: {  	[tilespmem:v62+s22+$0x0] =	vst.idx.msk $0xffff, v31;
	v62 =	vld.idx.msk [tilespmem:v30+s3+$0x0], $0xffff;
	v60 =	vand.u32 $0x7C, v33;
	v61 =	vadd.s32 v10, v35;
	v31 =	vand.u32 $0xFFFFFF80, v58  }
0x3f1: {  	v59 =	vld.idx.msk [tilespmem:v45+s3+$0x0], $0xffff;
	v44 =	vand.u32 $0x7C, v35;
	v45 =	vand.u32 $0xFFFFFF80, v61;
	v63 =	vor.u32 v60, v31  }
0x3f2: {  	[tilespmem:v47+s22+$0x0] =	vst.idx.msk $0xffff, v52;
	v25 =	vor.u32 s15, v15;
	v30 =	vor.u32 v44, v45  }
0x3f3: {  	[tilespmem:v22+s22+$0x0] =	vst.idx.msk $0xffff, v28;
	v19 =	vadd.s32 v16, v19;
	v46 =	vor.u32 s0, v13;
	v47 =	vld.idx.msk [tilespmem:v50+s3+$0x0], $0xffff  }
0x3f4: {  	[tilespmem:v18+s22+$0x0] =	vst.idx.msk $0xffff, v29;
	v18 =	vadd.s32 v12, v24;
	v51 =	vor.u32 s5, v11;
	v23 =	vld.idx.msk [tilespmem:v57+s3+$0x0], $0xffff  }
0x3f5: {  	v53 =	vadd.s32 v12, v36;
	[tilespmem:v48+s22+$0x0] =	vst.idx.msk $0xffff, v21;
	v50 =	vor.u32 s7, v11;
	v49 =	vld.idx.msk [tilespmem:v32+s3+$0x0], $0xffff  }
0x3f6: {  	v54 =	vor.u32 s9, v11;
	v52 =	vadd.s32 v12, v37;
	[tilespmem:v40+s22+$0x0] =	vst.idx.msk $0xffff, v62;
	v27 =	vld.idx.msk [tilespmem:v63+s3+$0x0], $0xffff  }
0x3f7: {  	v55 =	vor.u32 s8, v11;
	[tilespmem:v25+s22+$0x0] =	vst.idx.msk $0xffff, v59;
	v56 =	vadd.s32 v12, v33;
	v30 =	vld.idx.msk [tilespmem:v30+s3+$0x0], $0xffff  }
0x3f8: {  	[tilespmem:v46+s22+$0x0] =	vst.idx.msk $0xffff, v47;
	v57 =	vor.u32 s15, v17;
	v19 =	vld.idx.msk [tilespmem:v19+s3+$0x0], $0xffff;
	v58 =	vadd.s32 v12, v35  }
0x3f9: {  	v18 =	vld.idx.msk [tilespmem:v18+s3+$0x0], $0xffff;
	v59 =	vadd.s32 v14, v20;
	v60 =	vor.u32 s1, v13;
	[tilespmem:v51+s22+$0x0] =	vst.idx.msk $0xffff, v23  }
0x3fa: {  	v42 =	vor.u32 s5, v13;
	v61 =	vadd.s32 v14, v24;
	[tilespmem:v50+s22+$0x0] =	vst.idx.msk $0xffff, v49;
	v25 =	vld.idx.msk [tilespmem:v53+s3+$0x0], $0xffff  }
0x3fb: {  	v43 =	vadd.s32 v14, v36;
	v62 =	vor.u32 s7, v13;
	v31 =	vld.idx.msk [tilespmem:v52+s3+$0x0], $0xffff;
	[tilespmem:v54+s22+$0x0] =	vst.idx.msk $0xffff, v27  }
0x3fc: {  	v44 =	vor.u32 s9, v13;
	v63 =	vadd.s32 v14, v37;
	[tilespmem:v55+s22+$0x0] =	vst.idx.msk $0xffff, v30;
	v38 =	vld.idx.msk [tilespmem:v56+s3+$0x0], $0xffff  }
0x3fd: {  	v45 =	vor.u32 s8, v13;
	[tilespmem:v57+s22+$0x0] =	vst.idx.msk $0xffff, v19;
	v19 =	vadd.s32 v14, v33;
	v21 =	vld.idx.msk [tilespmem:v58+s3+$0x0], $0xffff  }
0x3fe: {  	v46 =	vor.u32 s0, v15;
	v22 =	vld.idx.msk [tilespmem:v59+s3+$0x0], $0xffff;
	[tilespmem:v60+s22+$0x0] =	vst.idx.msk $0xffff, v18;
	v18 =	vadd.s32 v14, v35  }
0x3ff: {  	v48 =	vadd.s32 v16, v20;
	v47 =	vor.u32 s1, v15;
	v28 =	vld.idx.msk [tilespmem:v61+s3+$0x0], $0xffff;
	[tilespmem:v42+s22+$0x0] =	vst.idx.msk $0xffff, v25  }
0x400: {  	v24 =	vadd.s32 v16, v24;
	v50 =	vor.u32 s5, v15;
	[tilespmem:v62+s22+$0x0] =	vst.idx.msk $0xffff, v31;
	v26 =	vld.idx.msk [tilespmem:v43+s3+$0x0], $0xffff  }
0x401: {  	v49 =	vor.u32 s7, v15;
	v52 =	vadd.s32 v16, v36;
	v23 =	vld.idx.msk [tilespmem:v63+s3+$0x0], $0xffff;
	[tilespmem:v44+s22+$0x0] =	vst.idx.msk $0xffff, v38  }
0x402: {  	v51 =	vadd.s32 v16, v37;
	v53 =	vor.u32 s9, v15;
	[tilespmem:v45+s22+$0x0] =	vst.idx.msk $0xffff, v21;
	v19 =	vld.idx.msk [tilespmem:v19+s3+$0x0], $0xffff  }
0x403: {  	[tilespmem:v46+s22+$0x0] =	vst.idx.msk $0xffff, v22;
	v54 =	vor.u32 s8, v15;
	v55 =	vadd.s32 v16, v33;
	v18 =	vld.idx.msk [tilespmem:v18+s3+$0x0], $0xffff  }
0x404: {  	v57 =	vadd.s32 v16, v35;
	v20 =	vld.idx.msk [tilespmem:v48+s3+$0x0], $0xffff;
	v56 =	vor.u32 s0, v17;
	[tilespmem:v47+s22+$0x0] =	vst.idx.msk $0xffff, v28  }
0x405: {  	v58 =	vor.u32 s1, v17;
	v24 =	vld.idx.msk [tilespmem:v24+s3+$0x0], $0xffff;
	[tilespmem:v50+s22+$0x0] =	vst.idx.msk $0xffff, v26  }
0x406: {  	v61 =	vor.u32 s5, v17;
	[tilespmem:v49+s22+$0x0] =	vst.idx.msk $0xffff, v23;
	v62 =	vld.idx.msk [tilespmem:v52+s3+$0x0], $0xffff  }
0x407: {  	v59 =	vor.u32 s7, v17;
	v60 =	vld.idx.msk [tilespmem:v51+s3+$0x0], $0xffff;
	[tilespmem:v53+s22+$0x0] =	vst.idx.msk $0xffff, v19  }
0x408: {  	v19 =	vor.u32 s9, v17;
	[tilespmem:v54+s22+$0x0] =	vst.idx.msk $0xffff, v18;
	v18 =	vld.idx.msk [tilespmem:v55+s3+$0x0], $0xffff  }
0x409: {  	v63 =	vor.u32 s8, v17;
	[tilespmem:v56+s22+$0x0] =	vst.idx.msk $0xffff, v20;
	v21 =	vld.idx.msk [tilespmem:v57+s3+$0x0], $0xffff  }
0x40a: {  	[tilespmem:v58+s22+$0x0] =	vst.idx.msk $0xffff, v24  }
0x40b: {  	[tilespmem:v61+s22+$0x0] =	vst.idx.msk $0xffff, v62  }
0x40c: {  	[tilespmem:v59+s22+$0x0] =	vst.idx.msk $0xffff, v60  }
0x40d: {  	[tilespmem:v19+s22+$0x0] =	vst.idx.msk $0xffff, v18  }
0x40e: {  	[tilespmem:v63+s22+$0x0] =	vst.idx.msk $0xffff, v21  }
.Ltmp10:
0x40f: {  	s31 =	rddreg [dreg:$0xb];
	(pc) =	sbr.rel .LBB2_17-.Ltmp10, $4  }
0x410: {  	[hbm4b:s31+s3] =	stream.linear.scatter [tilespmem:s22], [sflag:$0x5], $0x1000, $0x38;
	[tilespmem:$0x1D000] =	vst v63  }
0x411: {  	_ =	swait.ge [sflag:s18], $0x1000  }
0x412: {  	[sflag:s18] =	ssyncset.done $0x0  }
0x413: {  	[sflag:s18] =	ssyncadd.s32 $0xFFFFF000  }
.LBB2_18:
0x414: {  	_ =	sfence.sel $0x180000  }
0x415: {  	[bflag:$0x0] =	sbarrier.arrive $0xFFFF  }
0x416: {  	_ =	strace $0x90000047  }
0x417: {  	s0 =	stileid.u32;
	[bflag:$0x2] =	sbarrier.arrive $0xFFFF  }
0x418: {  	p0 =	sne.s32 s0, $0x0;
	s0 =	rddreg [dreg:$0x2]  }
0x419: {  	s0 =	sadd.s32 @!p0 $0x100000, s0  }
0x41a: {  	[sflag:s0] =	ssyncadd.tile.s32 @!p0 $0x1;
	_ =	shalt  }
.Lfunc_end2:
_tile_overlayer_lowered:
.L_overlay_start_2:
0x41b: {  	(tag) =	ssettag $0x2  }
0x41c: {  	s0 =	rddreg [dreg:$0x0];
	s2 =	stileid.u32  }
0x41d: {  	s1 =	rddreg [dreg:$0x1];
	p0 =	sne.s32 s2, $0x0  }
0x41e: {  	s3 =	rddreg [dreg:$0x2];
	[bflag:$0x3] =	sbarrier.arrive $0xFFFF;
	s2 =	simm.s32 @!p0 $0x1C05  }
0x41f: {  	[timem:s3], [sflag:s2] =	dma.local @!p0 [hbm:s0], s1  }
0x420: {  	s0 =	simm.s32 @!p0 $0x5  }
0x421: {  	_ =	swait.ge @!p0 [sflag:s0], s1  }
0x422: {  	s1 =	ssub.s32 @!p0 $0x0, s1;
	[sflag:s0] =	ssyncset.done @!p0 $0x0  }
0x423: {  	[sflag:s0] =	ssyncadd.s32 @!p0 s1  }
0x424: {  	[bflag:$0x3] =	sbarrier.arrive $0xFFFF  }
0x425: {  	_ =	shalt  }

</sc_bundles>
